<compile_context>
chip_gen: v7x
topology: tpu7x:2x2x1
jax: 0.10.2.dev20260603
libtpu: 0.0.44.dev20260713+nightly
codegen_flags: <defaults>
</compile_context>

<pallas_src>
import functools

import jax
import jax.numpy as jnp
from jax import lax
from jax.experimental import pallas as pl
from jax.experimental.pallas import tpu as pltpu
from jax.experimental.pallas import tpu_sc as plsc

_NC = 2
_NS = 16
_NW = _NC * _NS

_CH = 100
_CHP = 104


def _unpack_pair(v):
    lo = lax.bitcast_convert_type(jnp.left_shift(v, 16), jnp.float32)
    hi = lax.bitcast_convert_type(
        jnp.bitwise_and(v, jnp.int32(-65536)), jnp.float32)
    return lo, hi


def _emb_kernel(B, M, D, V):
    chunks_total = (B * M) // _CH
    chunks_per_w = chunks_total // _NW
    pairs_per_w = chunks_per_w // 2
    Dp = D // 2

    mesh = plsc.VectorSubcoreMesh(core_axis_name="c", subcore_axis_name="s")

    @functools.partial(
        pl.kernel,
        out_type=jax.ShapeDtypeStruct((chunks_total, _CH, D), jnp.float32),
        mesh=mesh,
        compiler_params=pltpu.CompilerParams(use_tc_tiling_on_sc=False),
        scratch_types=[
            pltpu.VMEM((chunks_per_w, _CHP), jnp.int32),
            pltpu.VMEM((M, Dp), jnp.int32),
            pltpu.VMEM((2, _CHP, Dp), jnp.int32),
            pltpu.VMEM((2, 2, _CH, D), jnp.float32),
            pltpu.VMEM_SHARED((_NS, 2, _CH, D), jnp.float32),
            pltpu.SemaphoreType.DMA,
            pltpu.SemaphoreType.DMA,
            pltpu.SemaphoreType.DMA,
            pltpu.SemaphoreType.DMA,
            pltpu.SemaphoreType.DMA,
            pltpu.SemaphoreType.DMA,
        ],
    )
    def k(idx_hbm, tok_hbm, pos_hbm, out_hbm, idx_v, pos_v, ibuf_v, obuf_v,
          spm_v, g0, g1, s0, s1, c0, c1):
        wid = lax.axis_index("s") * _NC + lax.axis_index("c")
        base = wid * chunks_per_w
        gsems = (g0, g1)
        ssems = (s0, s1)
        csems = (c0, c1)
        sid = lax.axis_index("s")

        pltpu.sync_copy(idx_hbm.at[wid], idx_v)
        pltpu.sync_copy(pos_hbm, pos_v)

        def gather(j, b):
            return pltpu.make_async_copy(tok_hbm.at[idx_v.at[j]],
                                         ibuf_v.at[b], gsems[b])

        def bounce(pb, b):
            return pltpu.make_async_copy(obuf_v.at[pb, b], spm_v.at[sid, b],
                                         csems[b])

        def store_chunk(j, b):
            return pltpu.make_async_copy(spm_v.at[sid, b],
                                         out_hbm.at[base + j], ssems[b])

        gather(0, 0).start()

        def do_pair(jj, pb):
            for b in range(2):
                j = jj * 2 + b

                @pl.when(j + 1 < chunks_per_w)
                def _():
                    gather(j + 1, 1 - b).start()

                gather(j, b).wait()

                def add_rows(r2, _):
                    for dr in range(2):
                        r = r2 * 2 + dr
                        for c in range(Dp // 16):
                            s = pl.ds(c * 16, 16)
                            tlo, thi = _unpack_pair(ibuf_v[b, r, s])
                            plo, phi = _unpack_pair(pos_v[b * _CH + r, s])
                            obuf_v[pb, b, r, pl.ds(c * 16, 16)] = tlo + plo
                            obuf_v[pb, b, r, pl.ds(Dp + c * 16, 16)] = (
                                thi + phi)
                    return 0

                lax.fori_loop(0, _CH // 2, add_rows, 0)

                @pl.when(j >= 2)
                def _():
                    store_chunk(j - 2, b).wait()
                bounce(pb, b).start()
                bounce(pb, b).wait()
                store_chunk(j, b).start()

        def quad_body(q, _):
            for pb in range(2):
                do_pair(q * 2 + pb, pb)
            return 0

        lax.fori_loop(0, pairs_per_w // 2, quad_body, 0)

        store_chunk(chunks_per_w - 2, 0).wait()
        store_chunk(chunks_per_w - 1, 1).wait()

    return k


def _pack_halves(t):
    n, d = t.shape
    tb = t.astype(jnp.bfloat16).reshape(n, 2, 4, 16).transpose(0, 2, 3, 1)
    return lax.bitcast_convert_type(tb, jnp.int32).reshape(n, d // 2)


@jax.jit
def kernel(inputs, token_table, pos_table):
    B, M = inputs.shape
    V, D = token_table.shape
    chunks_total = (B * M) // _CH
    chunks_per_w = chunks_total // _NW

    idx = inputs.reshape(chunks_total, _CH).astype(jnp.int32)
    idx = jnp.pad(idx, ((0, 0), (0, _CHP - _CH)))
    idx = idx.reshape(_NW, chunks_per_w, _CHP)

    out = _emb_kernel(B, M, D, V)(idx, _pack_halves(token_table),
                                  _pack_halves(pos_table))
    return out.reshape(B, M, D)

# --- scband reference (transcript-rebuilt; emitter-appended) ---
"""Pipeline reference for scband-positional-embedding-55259049230529 (READ-ONLY COPY).

The authoritative reference and input builder live on the scoring server;
editing this copy changes nothing except your own understanding.
"""

import jax, jax.numpy as jnp
import numpy as np

VOCAB = 100000
MAXLEN = 200
EMBED_DIM = 128
BATCH = 4096

def setup_inputs(seed: int = 0) -> dict:
    key = jax.random.key(seed)
    k1, k2, k3 = jax.random.split(key, 3)
    inputs = jax.random.randint(k1, (BATCH, MAXLEN), 0, VOCAB, dtype=jnp.int64 if jax.config.read('jax_enable_x64') else jnp.int32)
    token_table = jax.random.normal(k2, (VOCAB, EMBED_DIM), dtype=jnp.float32) * 0.02
    pos_table = jax.random.normal(k3, (MAXLEN, EMBED_DIM), dtype=jnp.float32) * 0.02
    return {"inputs": inputs, "token_table": token_table, "pos_table": pos_table}

def reference(inputs, token_table, pos_table):
    # Faithful translation of PositionalEmbedding.call:
    # maxlen = tf.shape(inputs)[-1]; positions = tf.range(maxlen)
    maxlen = inputs.shape[-1]
    positions = jnp.arange(0, maxlen, 1)
    position_embeddings = jnp.take(pos_table, positions, axis=0)   # [maxlen, d]
    token_embeddings = jnp.take(token_table, inputs, axis=0)       # [B, maxlen, d]
    return token_embeddings + position_embeddings[None, :, :]

if __name__ == "__main__":
    import jax
    _d = setup_inputs()
    print(jax.jit(kernel)(*tuple(_d.values())))

</pallas_src>

<mosaic_0001>
#map = affine_map<(d0, d1) -> (0, 0, 0)>
#map1 = affine_map<(d0, d1) -> (0, 0)>
module attributes {stable_mosaic.version = 14 : i64} {
  func.func @k(%arg0: i32, %arg1: i32, %arg2: memref<32x256x104xi32, #tpu.memory_space<hbm>>, %arg3: memref<100000x64xi32, #tpu.memory_space<hbm>>, %arg4: memref<200x64xi32, #tpu.memory_space<hbm>>, %arg5: memref<8192x100x128xf32, #tpu.memory_space<hbm>>, %arg6: memref<256x104xi32, #tpu.memory_space<vmem>>, %arg7: memref<200x64xi32, #tpu.memory_space<vmem>>, %arg8: memref<2x104x64xi32, #tpu.memory_space<vmem>>, %arg9: memref<2x2x100x128xf32, #tpu.memory_space<vmem>>, %arg10: memref<16x2x100x128xf32, #tpu.memory_space<vmem_shared>>, %arg11: memref<!tpu.dma_semaphore, #tpu.memory_space<semaphore_mem>>, %arg12: memref<!tpu.dma_semaphore, #tpu.memory_space<semaphore_mem>>, %arg13: memref<!tpu.dma_semaphore, #tpu.memory_space<semaphore_mem>>, %arg14: memref<!tpu.dma_semaphore, #tpu.memory_space<semaphore_mem>>, %arg15: memref<!tpu.dma_semaphore, #tpu.memory_space<semaphore_mem>>, %arg16: memref<!tpu.dma_semaphore, #tpu.memory_space<semaphore_mem>>) attributes {dimension_semantics = [#tpu.dimension_semantics<core_parallel>, #tpu.dimension_semantics<subcore_parallel>], iteration_bounds = array<i64: 2, 16>, scalar_prefetch = 0 : i64, scratch_operands = 11 : i64, tpu.core_type = #tpu.core_type<sc_vector_subcore>, window_params = [{transform_indices = #map}, {transform_indices = #map1}, {transform_indices = #map1}, {transform_indices = #map}]} {
    %mul3A = arith.constant 2 : i32
    %mul3A_0 = arith.muli %arg1, %mul3A : i32
    %add3A = arith.addi %mul3A_0, %arg0 : i32
    %mul3A_1 = arith.constant 256 : i32
    %mul3A_2 = arith.muli %add3A, %mul3A_1 : i32
    "tpu.region"() ({
      %run_scoped3A = tpu.sem_alloc : memref<!tpu.dma_semaphore, #tpu.memory_space<semaphore_mem>>
      %dma_start3A_41 = arith.constant 0 : i32
      %dma_start3A_42 = arith.constant 0 : i32
      %dma_start3A_43 = tpu.memref_slice %arg2[%add3A, %dma_start3A_41, %dma_start3A_42] : memref<32x256x104xi32, #tpu.memory_space<hbm>> -> memref<1x256x104xi32, #tpu.memory_space<hbm>>
      %dma_start3A_44 = tpu.memref_squeeze %dma_start3A_43 : memref<1x256x104xi32, #tpu.memory_space<hbm>> -> memref<256x104xi32, #tpu.memory_space<hbm>>
      %dma_start3A_45 = arith.constant 0 : i32
      %dma_start3A_46 = arith.constant 0 : i32
      %dma_start3A_47 = tpu.memref_slice %arg2[%add3A, %dma_start3A_45, %dma_start3A_46] : memref<32x256x104xi32, #tpu.memory_space<hbm>> -> memref<1x256x104xi32, #tpu.memory_space<hbm>>
      %dma_start3A_48 = tpu.memref_squeeze %dma_start3A_47 : memref<1x256x104xi32, #tpu.memory_space<hbm>> -> memref<256x104xi32, #tpu.memory_space<hbm>>
      tpu.enqueue_dma source(%dma_start3A_48 : memref<256x104xi32, #tpu.memory_space<hbm>>) target(%arg6 : memref<256x104xi32, #tpu.memory_space<vmem>>) target_semaphore(%run_scoped3A : memref<!tpu.dma_semaphore, #tpu.memory_space<semaphore_mem>>)
      %dma_wait3A_49 = arith.constant 0 : i32
      %dma_wait3A_50 = arith.constant 0 : i32
      %dma_wait3A_51 = tpu.memref_slice %arg2[%add3A, %dma_wait3A_49, %dma_wait3A_50] : memref<32x256x104xi32, #tpu.memory_space<hbm>> -> memref<1x256x104xi32, #tpu.memory_space<hbm>>
      %dma_wait3A_52 = tpu.memref_squeeze %dma_wait3A_51 : memref<1x256x104xi32, #tpu.memory_space<hbm>> -> memref<256x104xi32, #tpu.memory_space<hbm>>
      %dma_wait3A_53 = arith.constant 0 : i32
      %dma_wait3A_54 = arith.constant 0 : i32
      %dma_wait3A_55 = tpu.memref_slice %arg2[%add3A, %dma_wait3A_53, %dma_wait3A_54] : memref<32x256x104xi32, #tpu.memory_space<hbm>> -> memref<1x256x104xi32, #tpu.memory_space<hbm>>
      %dma_wait3A_56 = tpu.memref_squeeze %dma_wait3A_55 : memref<1x256x104xi32, #tpu.memory_space<hbm>> -> memref<256x104xi32, #tpu.memory_space<hbm>>
      tpu.wait_dma2 semaphore(%run_scoped3A : memref<!tpu.dma_semaphore, #tpu.memory_space<semaphore_mem>>) src(%dma_wait3A_56 : memref<256x104xi32, #tpu.memory_space<hbm>>) dst(%arg6 : memref<256x104xi32, #tpu.memory_space<vmem>>)
      tpu.yield
    }) : () -> ()
    "tpu.region"() ({
      %run_scoped3A = tpu.sem_alloc : memref<!tpu.dma_semaphore, #tpu.memory_space<semaphore_mem>>
      tpu.enqueue_dma source(%arg4 : memref<200x64xi32, #tpu.memory_space<hbm>>) target(%arg7 : memref<200x64xi32, #tpu.memory_space<vmem>>) target_semaphore(%run_scoped3A : memref<!tpu.dma_semaphore, #tpu.memory_space<semaphore_mem>>)
      tpu.wait_dma2 semaphore(%run_scoped3A : memref<!tpu.dma_semaphore, #tpu.memory_space<semaphore_mem>>) src(%arg4 : memref<200x64xi32, #tpu.memory_space<hbm>>) dst(%arg7 : memref<200x64xi32, #tpu.memory_space<vmem>>)
      tpu.yield
    }) : () -> ()
    %dma_start3A = arith.constant 0 : i32
    %dma_start3A_3 = arith.constant 0 : i32
    %dma_start3A_4 = arith.constant 0 : i32
    %dma_start3A_5 = arith.constant 0 : i32
    %dma_start3A_6 = tpu.memref_slice %arg8[%dma_start3A_3, %dma_start3A_4, %dma_start3A_5] : memref<2x104x64xi32, #tpu.memory_space<vmem>> -> memref<1x104x64xi32, #tpu.memory_space<vmem>>
    %dma_start3A_7 = tpu.memref_squeeze %dma_start3A_6 : memref<1x104x64xi32, #tpu.memory_space<vmem>> -> memref<104x64xi32, #tpu.memory_space<vmem>>
    %dma_start3A_8 = arith.constant 0 : i32
    %dma_start3A_9 = tpu.memref_slice %arg6[%dma_start3A, %dma_start3A_8] : memref<256x104xi32, #tpu.memory_space<vmem>> -> memref<1x104xi32, #tpu.memory_space<vmem>>
    %dma_start3A_10 = tpu.memref_squeeze %dma_start3A_9 : memref<1x104xi32, #tpu.memory_space<vmem>> -> memref<104xi32, #tpu.memory_space<vmem>>
    %dma_start3A_11 = arith.constant 0 : i32
    %dma_start3A_12 = arith.constant 0 : i32
    %dma_start3A_13 = tpu.memref_slice %arg3[%dma_start3A_11, %dma_start3A_12] : memref<100000x64xi32, #tpu.memory_space<hbm>> -> memref<100000x64xi32, #tpu.memory_space<hbm>>
    tpu.enqueue_indirect_dma source(%dma_start3A_13 : memref<100000x64xi32, #tpu.memory_space<hbm>>) target(%dma_start3A_7 : memref<104x64xi32, #tpu.memory_space<vmem>>) offsets(%dma_start3A_10 : memref<104xi32, #tpu.memory_space<vmem>>) semaphore(%arg11 : memref<!tpu.dma_semaphore, #tpu.memory_space<semaphore_mem>>)
    %scan3A = arith.constant 0 : i32
    %scan3A_14 = arith.constant 0 : i32
    %scan3A_15 = arith.constant 64 : i32
    %scan3A_16 = arith.addi %scan3A_14, %scan3A_15 : i32
    %scan3A_17 = arith.constant 1 : i32
    %scan3A_18 = scf.for %scan3A_41 = %scan3A_14 to %scan3A_16 step %scan3A_17 iter_args(%scan3A_42 = %scan3A) -> (i32)  : i32 {
      %mul3A_43 = arith.constant 2 : i32
      %mul3A_44 = arith.muli %scan3A_41, %mul3A_43 : i32
      %add3A_45 = arith.constant 0 : i32
      %add3A_46 = arith.addi %mul3A_44, %add3A_45 : i32
      %mul3A_47 = arith.constant 2 : i32
      %mul3A_48 = arith.muli %add3A_46, %mul3A_47 : i32
      %add3A_49 = arith.constant 0 : i32
      %add3A_50 = arith.addi %mul3A_48, %add3A_49 : i32
      %add3A_51 = arith.constant 1 : i32
      %add3A_52 = arith.addi %add3A_50, %add3A_51 : i32
      %lt3A = arith.constant 256 : i32
      %lt3A_53 = arith.cmpi slt, %add3A_52, %lt3A : i32
      %convert_element_type3A = arith.extui %lt3A_53 : i1 to i32
      %cond3A = arith.constant 0 : i32
      %cond3A_54 = arith.cmpi ne, %convert_element_type3A, %cond3A : i32
      scf.if %cond3A_54 {
        %add3A_376 = arith.constant 1 : i32
        %add3A_377 = arith.addi %add3A_50, %add3A_376 : i32
        %dma_start3A_378 = arith.constant 1 : i32
        %dma_start3A_379 = arith.constant 0 : i32
        %dma_start3A_380 = arith.constant 0 : i32
        %dma_start3A_381 = tpu.memref_slice %arg8[%dma_start3A_378, %dma_start3A_379, %dma_start3A_380] : memref<2x104x64xi32, #tpu.memory_space<vmem>> -> memref<1x104x64xi32, #tpu.memory_space<vmem>>
        %dma_start3A_382 = tpu.memref_squeeze %dma_start3A_381 : memref<1x104x64xi32, #tpu.memory_space<vmem>> -> memref<104x64xi32, #tpu.memory_space<vmem>>
        %dma_start3A_383 = arith.constant 0 : i32
        %dma_start3A_384 = tpu.memref_slice %arg6[%add3A_377, %dma_start3A_383] : memref<256x104xi32, #tpu.memory_space<vmem>> -> memref<1x104xi32, #tpu.memory_space<vmem>>
        %dma_start3A_385 = tpu.memref_squeeze %dma_start3A_384 : memref<1x104xi32, #tpu.memory_space<vmem>> -> memref<104xi32, #tpu.memory_space<vmem>>
        %dma_start3A_386 = arith.constant 0 : i32
        %dma_start3A_387 = arith.constant 0 : i32
        %dma_start3A_388 = tpu.memref_slice %arg3[%dma_start3A_386, %dma_start3A_387] : memref<100000x64xi32, #tpu.memory_space<hbm>> -> memref<100000x64xi32, #tpu.memory_space<hbm>>
        tpu.enqueue_indirect_dma source(%dma_start3A_388 : memref<100000x64xi32, #tpu.memory_space<hbm>>) target(%dma_start3A_382 : memref<104x64xi32, #tpu.memory_space<vmem>>) offsets(%dma_start3A_385 : memref<104xi32, #tpu.memory_space<vmem>>) semaphore(%arg12 : memref<!tpu.dma_semaphore, #tpu.memory_space<semaphore_mem>>)
      } else {
      }
      %dma_wait3A_55 = arith.constant 0 : i32
      %dma_wait3A_56 = arith.constant 0 : i32
      %dma_wait3A_57 = arith.constant 0 : i32
      %dma_wait3A_58 = tpu.memref_slice %arg8[%dma_wait3A_55, %dma_wait3A_56, %dma_wait3A_57] : memref<2x104x64xi32, #tpu.memory_space<vmem>> -> memref<1x104x64xi32, #tpu.memory_space<vmem>>
      %dma_wait3A_59 = tpu.memref_squeeze %dma_wait3A_58 : memref<1x104x64xi32, #tpu.memory_space<vmem>> -> memref<104x64xi32, #tpu.memory_space<vmem>>
      %dma_wait3A_60 = arith.constant 0 : i32
      %dma_wait3A_61 = tpu.memref_slice %arg6[%add3A_50, %dma_wait3A_60] : memref<256x104xi32, #tpu.memory_space<vmem>> -> memref<1x104xi32, #tpu.memory_space<vmem>>
      %dma_wait3A_62 = tpu.memref_squeeze %dma_wait3A_61 : memref<1x104xi32, #tpu.memory_space<vmem>> -> memref<104xi32, #tpu.memory_space<vmem>>
      %dma_wait3A_63 = arith.constant 0 : i32
      %dma_wait3A_64 = arith.constant 0 : i32
      %dma_wait3A_65 = tpu.memref_slice %arg3[%dma_wait3A_63, %dma_wait3A_64] : memref<100000x64xi32, #tpu.memory_space<hbm>> -> memref<100000x64xi32, #tpu.memory_space<hbm>>
      tpu.wait_indirect_dma semaphore(%arg11 : memref<!tpu.dma_semaphore, #tpu.memory_space<semaphore_mem>>) src(%dma_wait3A_65 : memref<100000x64xi32, #tpu.memory_space<hbm>>) dst(%dma_wait3A_59 : memref<104x64xi32, #tpu.memory_space<vmem>>)
      %scan3A_66 = arith.constant 0 : i32
      %scan3A_67 = arith.constant 0 : i32
      %scan3A_68 = arith.constant 50 : i32
      %scan3A_69 = arith.addi %scan3A_67, %scan3A_68 : i32
      %scan3A_70 = arith.constant 1 : i32
      %scan3A_71 = scf.for %scan3A_376 = %scan3A_67 to %scan3A_69 step %scan3A_70 iter_args(%scan3A_377 = %scan3A_66) -> (i32)  : i32 {
        %mul3A_378 = arith.constant 2 : i32
        %mul3A_379 = arith.muli %scan3A_376, %mul3A_378 : i32
        %add3A_380 = arith.constant 0 : i32
        %add3A_381 = arith.addi %mul3A_379, %add3A_380 : i32
        %get3A = arith.constant 0 : i32
        %get3A_382 = arith.index_cast %get3A : i32 to index
        %get3A_383 = arith.index_cast %add3A_381 : i32 to index
        %get3A_384 = arith.constant 0 : index
        %get3A_385 = tpu.vector_load %arg8[%get3A_382, %get3A_383, %get3A_384] {strides = array<i32>} : memref<2x104x64xi32, #tpu.memory_space<vmem>>, vector<1x1x16xi32>,
        %get3A_386 = vector.shape_cast %get3A_385 : vector<1x1x16xi32> to vector<16xi32>
        %shift_left3A = arith.constant 16 : i32
        %shift_left3A_387 = vector.broadcast %shift_left3A : i32 to vector<16xi32>
        %shift_left3A_388 = arith.shli %get3A_386, %shift_left3A_387 : vector<16xi32>
        %bitcast_convert_type3A = tpu.bitcast %shift_left3A_388 : vector<16xi32> -> vector<16xf32>
        %and3A = arith.constant -65536 : i32
        %and3A_389 = vector.broadcast %and3A : i32 to vector<16xi32>
        %and3A_390 = arith.andi %get3A_386, %and3A_389 : vector<16xi32>
        %bitcast_convert_type3A_391 = tpu.bitcast %and3A_390 : vector<16xi32> -> vector<16xf32>
        %add3A_392 = arith.constant 0 : i32
        %add3A_393 = arith.addi %add3A_392, %add3A_381 : i32
        %get3A_394 = arith.index_cast %add3A_393 : i32 to index
        %get3A_395 = arith.constant 0 : index
        %get3A_396 = tpu.vector_load %arg7[%get3A_394, %get3A_395] {strides = array<i32>} : memref<200x64xi32, #tpu.memory_space<vmem>>, vector<1x16xi32>,
        %get3A_397 = vector.shape_cast %get3A_396 : vector<1x16xi32> to vector<16xi32>
        %shift_left3A_398 = arith.constant 16 : i32
        %shift_left3A_399 = vector.broadcast %shift_left3A_398 : i32 to vector<16xi32>
        %shift_left3A_400 = arith.shli %get3A_397, %shift_left3A_399 : vector<16xi32>
        %bitcast_convert_type3A_401 = tpu.bitcast %shift_left3A_400 : vector<16xi32> -> vector<16xf32>
        %and3A_402 = arith.constant -65536 : i32
        %and3A_403 = vector.broadcast %and3A_402 : i32 to vector<16xi32>
        %and3A_404 = arith.andi %get3A_397, %and3A_403 : vector<16xi32>
        %bitcast_convert_type3A_405 = tpu.bitcast %and3A_404 : vector<16xi32> -> vector<16xf32>
        %add3A_406 = arith.addf %bitcast_convert_type3A, %bitcast_convert_type3A_401 : vector<16xf32>
        %swap3A = arith.constant 0 : i32
        %swap3A_407 = arith.constant 0 : i32
        %swap3A_408 = arith.index_cast %swap3A : i32 to index
        %swap3A_409 = arith.index_cast %swap3A_407 : i32 to index
        %swap3A_410 = arith.index_cast %add3A_381 : i32 to index
        %swap3A_411 = arith.constant 0 : index
        %swap3A_412 = tpu.vector_load %arg9[%swap3A_408, %swap3A_409, %swap3A_410, %swap3A_411] {strides = array<i32>} : memref<2x2x100x128xf32, #tpu.memory_space<vmem>>, vector<1x1x1x16xf32>,
        %swap3A_413 = vector.shape_cast %swap3A_412 : vector<1x1x1x16xf32> to vector<16xf32>
        %swap3A_414 = vector.shape_cast %add3A_406 : vector<16xf32> to vector<1x1x1x16xf32>
        tpu.vector_store %arg9[%swap3A_408, %swap3A_409, %swap3A_410, %swap3A_411], %swap3A_414 {strides = array<i32>} : memref<2x2x100x128xf32, #tpu.memory_space<vmem>>, vector<1x1x1x16xf32>,
        %add3A_415 = arith.addf %bitcast_convert_type3A_391, %bitcast_convert_type3A_405 : vector<16xf32>
        %swap3A_416 = arith.constant 0 : i32
        %swap3A_417 = arith.constant 0 : i32
        %swap3A_418 = arith.index_cast %swap3A_416 : i32 to index
        %swap3A_419 = arith.index_cast %swap3A_417 : i32 to index
        %swap3A_420 = arith.index_cast %add3A_381 : i32 to index
        %swap3A_421 = arith.constant 64 : index
        %swap3A_422 = tpu.vector_load %arg9[%swap3A_418, %swap3A_419, %swap3A_420, %swap3A_421] {strides = array<i32>} : memref<2x2x100x128xf32, #tpu.memory_space<vmem>>, vector<1x1x1x16xf32>,
        %swap3A_423 = vector.shape_cast %swap3A_422 : vector<1x1x1x16xf32> to vector<16xf32>
        %swap3A_424 = vector.shape_cast %add3A_415 : vector<16xf32> to vector<1x1x1x16xf32>
        tpu.vector_store %arg9[%swap3A_418, %swap3A_419, %swap3A_420, %swap3A_421], %swap3A_424 {strides = array<i32>} : memref<2x2x100x128xf32, #tpu.memory_space<vmem>>, vector<1x1x1x16xf32>,
        %get3A_425 = arith.constant 0 : i32
        %get3A_426 = arith.index_cast %get3A_425 : i32 to index
        %get3A_427 = arith.index_cast %add3A_381 : i32 to index
        %get3A_428 = arith.constant 16 : index
        %get3A_429 = tpu.vector_load %arg8[%get3A_426, %get3A_427, %get3A_428] {strides = array<i32>} : memref<2x104x64xi32, #tpu.memory_space<vmem>>, vector<1x1x16xi32>,
        %get3A_430 = vector.shape_cast %get3A_429 : vector<1x1x16xi32> to vector<16xi32>
        %shift_left3A_431 = arith.constant 16 : i32
        %shift_left3A_432 = vector.broadcast %shift_left3A_431 : i32 to vector<16xi32>
        %shift_left3A_433 = arith.shli %get3A_430, %shift_left3A_432 : vector<16xi32>
        %bitcast_convert_type3A_434 = tpu.bitcast %shift_left3A_433 : vector<16xi32> -> vector<16xf32>
        %and3A_435 = arith.constant -65536 : i32
        %and3A_436 = vector.broadcast %and3A_435 : i32 to vector<16xi32>
        %and3A_437 = arith.andi %get3A_430, %and3A_436 : vector<16xi32>
        %bitcast_convert_type3A_438 = tpu.bitcast %and3A_437 : vector<16xi32> -> vector<16xf32>
        %add3A_439 = arith.constant 0 : i32
        %add3A_440 = arith.addi %add3A_439, %add3A_381 : i32
        %get3A_441 = arith.index_cast %add3A_440 : i32 to index
        %get3A_442 = arith.constant 16 : index
        %get3A_443 = tpu.vector_load %arg7[%get3A_441, %get3A_442] {strides = array<i32>} : memref<200x64xi32, #tpu.memory_space<vmem>>, vector<1x16xi32>,
        %get3A_444 = vector.shape_cast %get3A_443 : vector<1x16xi32> to vector<16xi32>
        %shift_left3A_445 = arith.constant 16 : i32
        %shift_left3A_446 = vector.broadcast %shift_left3A_445 : i32 to vector<16xi32>
        %shift_left3A_447 = arith.shli %get3A_444, %shift_left3A_446 : vector<16xi32>
        %bitcast_convert_type3A_448 = tpu.bitcast %shift_left3A_447 : vector<16xi32> -> vector<16xf32>
        %and3A_449 = arith.constant -65536 : i32
        %and3A_450 = vector.broadcast %and3A_449 : i32 to vector<16xi32>
        %and3A_451 = arith.andi %get3A_444, %and3A_450 : vector<16xi32>
        %bitcast_convert_type3A_452 = tpu.bitcast %and3A_451 : vector<16xi32> -> vector<16xf32>
        %add3A_453 = arith.addf %bitcast_convert_type3A_434, %bitcast_convert_type3A_448 : vector<16xf32>
        %swap3A_454 = arith.constant 0 : i32
        %swap3A_455 = arith.constant 0 : i32
        %swap3A_456 = arith.index_cast %swap3A_454 : i32 to index
        %swap3A_457 = arith.index_cast %swap3A_455 : i32 to index
        %swap3A_458 = arith.index_cast %add3A_381 : i32 to index
        %swap3A_459 = arith.constant 16 : index
        %swap3A_460 = tpu.vector_load %arg9[%swap3A_456, %swap3A_457, %swap3A_458, %swap3A_459] {strides = array<i32>} : memref<2x2x100x128xf32, #tpu.memory_space<vmem>>, vector<1x1x1x16xf32>,
        %swap3A_461 = vector.shape_cast %swap3A_460 : vector<1x1x1x16xf32> to vector<16xf32>
        %swap3A_462 = vector.shape_cast %add3A_453 : vector<16xf32> to vector<1x1x1x16xf32>
        tpu.vector_store %arg9[%swap3A_456, %swap3A_457, %swap3A_458, %swap3A_459], %swap3A_462 {strides = array<i32>} : memref<2x2x100x128xf32, #tpu.memory_space<vmem>>, vector<1x1x1x16xf32>,
        %add3A_463 = arith.addf %bitcast_convert_type3A_438, %bitcast_convert_type3A_452 : vector<16xf32>
        %swap3A_464 = arith.constant 0 : i32
        %swap3A_465 = arith.constant 0 : i32
        %swap3A_466 = arith.index_cast %swap3A_464 : i32 to index
        %swap3A_467 = arith.index_cast %swap3A_465 : i32 to index
        %swap3A_468 = arith.index_cast %add3A_381 : i32 to index
        %swap3A_469 = arith.constant 80 : index
        %swap3A_470 = tpu.vector_load %arg9[%swap3A_466, %swap3A_467, %swap3A_468, %swap3A_469] {strides = array<i32>} : memref<2x2x100x128xf32, #tpu.memory_space<vmem>>, vector<1x1x1x16xf32>,
        %swap3A_471 = vector.shape_cast %swap3A_470 : vector<1x1x1x16xf32> to vector<16xf32>
        %swap3A_472 = vector.shape_cast %add3A_463 : vector<16xf32> to vector<1x1x1x16xf32>
        tpu.vector_store %arg9[%swap3A_466, %swap3A_467, %swap3A_468, %swap3A_469], %swap3A_472 {strides = array<i32>} : memref<2x2x100x128xf32, #tpu.memory_space<vmem>>, vector<1x1x1x16xf32>,
        %get3A_473 = arith.constant 0 : i32
        %get3A_474 = arith.index_cast %get3A_473 : i32 to index
        %get3A_475 = arith.index_cast %add3A_381 : i32 to index
        %get3A_476 = arith.constant 32 : index
        %get3A_477 = tpu.vector_load %arg8[%get3A_474, %get3A_475, %get3A_476] {strides = array<i32>} : memref<2x104x64xi32, #tpu.memory_space<vmem>>, vector<1x1x16xi32>,
        %get3A_478 = vector.shape_cast %get3A_477 : vector<1x1x16xi32> to vector<16xi32>
        %shift_left3A_479 = arith.constant 16 : i32
        %shift_left3A_480 = vector.broadcast %shift_left3A_479 : i32 to vector<16xi32>
        %shift_left3A_481 = arith.shli %get3A_478, %shift_left3A_480 : vector<16xi32>
        %bitcast_convert_type3A_482 = tpu.bitcast %shift_left3A_481 : vector<16xi32> -> vector<16xf32>
        %and3A_483 = arith.constant -65536 : i32
        %and3A_484 = vector.broadcast %and3A_483 : i32 to vector<16xi32>
        %and3A_485 = arith.andi %get3A_478, %and3A_484 : vector<16xi32>
        %bitcast_convert_type3A_486 = tpu.bitcast %and3A_485 : vector<16xi32> -> vector<16xf32>
        %add3A_487 = arith.constant 0 : i32
        %add3A_488 = arith.addi %add3A_487, %add3A_381 : i32
        %get3A_489 = arith.index_cast %add3A_488 : i32 to index
        %get3A_490 = arith.constant 32 : index
        %get3A_491 = tpu.vector_load %arg7[%get3A_489, %get3A_490] {strides = array<i32>} : memref<200x64xi32, #tpu.memory_space<vmem>>, vector<1x16xi32>,
        %get3A_492 = vector.shape_cast %get3A_491 : vector<1x16xi32> to vector<16xi32>
        %shift_left3A_493 = arith.constant 16 : i32
        %shift_left3A_494 = vector.broadcast %shift_left3A_493 : i32 to vector<16xi32>
        %shift_left3A_495 = arith.shli %get3A_492, %shift_left3A_494 : vector<16xi32>
        %bitcast_convert_type3A_496 = tpu.bitcast %shift_left3A_495 : vector<16xi32> -> vector<16xf32>
        %and3A_497 = arith.constant -65536 : i32
        %and3A_498 = vector.broadcast %and3A_497 : i32 to vector<16xi32>
        %and3A_499 = arith.andi %get3A_492, %and3A_498 : vector<16xi32>
        %bitcast_convert_type3A_500 = tpu.bitcast %and3A_499 : vector<16xi32> -> vector<16xf32>
        %add3A_501 = arith.addf %bitcast_convert_type3A_482, %bitcast_convert_type3A_496 : vector<16xf32>
        %swap3A_502 = arith.constant 0 : i32
        %swap3A_503 = arith.constant 0 : i32
        %swap3A_504 = arith.index_cast %swap3A_502 : i32 to index
        %swap3A_505 = arith.index_cast %swap3A_503 : i32 to index
        %swap3A_506 = arith.index_cast %add3A_381 : i32 to index
        %swap3A_507 = arith.constant 32 : index
        %swap3A_508 = tpu.vector_load %arg9[%swap3A_504, %swap3A_505, %swap3A_506, %swap3A_507] {strides = array<i32>} : memref<2x2x100x128xf32, #tpu.memory_space<vmem>>, vector<1x1x1x16xf32>,
        %swap3A_509 = vector.shape_cast %swap3A_508 : vector<1x1x1x16xf32> to vector<16xf32>
        %swap3A_510 = vector.shape_cast %add3A_501 : vector<16xf32> to vector<1x1x1x16xf32>
        tpu.vector_store %arg9[%swap3A_504, %swap3A_505, %swap3A_506, %swap3A_507], %swap3A_510 {strides = array<i32>} : memref<2x2x100x128xf32, #tpu.memory_space<vmem>>, vector<1x1x1x16xf32>,
        %add3A_511 = arith.addf %bitcast_convert_type3A_486, %bitcast_convert_type3A_500 : vector<16xf32>
        %swap3A_512 = arith.constant 0 : i32
        %swap3A_513 = arith.constant 0 : i32
        %swap3A_514 = arith.index_cast %swap3A_512 : i32 to index
        %swap3A_515 = arith.index_cast %swap3A_513 : i32 to index
        %swap3A_516 = arith.index_cast %add3A_381 : i32 to index
        %swap3A_517 = arith.constant 96 : index
        %swap3A_518 = tpu.vector_load %arg9[%swap3A_514, %swap3A_515, %swap3A_516, %swap3A_517] {strides = array<i32>} : memref<2x2x100x128xf32, #tpu.memory_space<vmem>>, vector<1x1x1x16xf32>,
        %swap3A_519 = vector.shape_cast %swap3A_518 : vector<1x1x1x16xf32> to vector<16xf32>
        %swap3A_520 = vector.shape_cast %add3A_511 : vector<16xf32> to vector<1x1x1x16xf32>
        tpu.vector_store %arg9[%swap3A_514, %swap3A_515, %swap3A_516, %swap3A_517], %swap3A_520 {strides = array<i32>} : memref<2x2x100x128xf32, #tpu.memory_space<vmem>>, vector<1x1x1x16xf32>,
        %get3A_521 = arith.constant 0 : i32
        %get3A_522 = arith.index_cast %get3A_521 : i32 to index
        %get3A_523 = arith.index_cast %add3A_381 : i32 to index
        %get3A_524 = arith.constant 48 : index
        %get3A_525 = tpu.vector_load %arg8[%get3A_522, %get3A_523, %get3A_524] {strides = array<i32>} : memref<2x104x64xi32, #tpu.memory_space<vmem>>, vector<1x1x16xi32>,
        %get3A_526 = vector.shape_cast %get3A_525 : vector<1x1x16xi32> to vector<16xi32>
        %shift_left3A_527 = arith.constant 16 : i32
        %shift_left3A_528 = vector.broadcast %shift_left3A_527 : i32 to vector<16xi32>
        %shift_left3A_529 = arith.shli %get3A_526, %shift_left3A_528 : vector<16xi32>
        %bitcast_convert_type3A_530 = tpu.bitcast %shift_left3A_529 : vector<16xi32> -> vector<16xf32>
        %and3A_531 = arith.constant -65536 : i32
        %and3A_532 = vector.broadcast %and3A_531 : i32 to vector<16xi32>
        %and3A_533 = arith.andi %get3A_526, %and3A_532 : vector<16xi32>
        %bitcast_convert_type3A_534 = tpu.bitcast %and3A_533 : vector<16xi32> -> vector<16xf32>
        %add3A_535 = arith.constant 0 : i32
        %add3A_536 = arith.addi %add3A_535, %add3A_381 : i32
        %get3A_537 = arith.index_cast %add3A_536 : i32 to index
        %get3A_538 = arith.constant 48 : index
        %get3A_539 = tpu.vector_load %arg7[%get3A_537, %get3A_538] {strides = array<i32>} : memref<200x64xi32, #tpu.memory_space<vmem>>, vector<1x16xi32>,
        %get3A_540 = vector.shape_cast %get3A_539 : vector<1x16xi32> to vector<16xi32>
        %shift_left3A_541 = arith.constant 16 : i32
        %shift_left3A_542 = vector.broadcast %shift_left3A_541 : i32 to vector<16xi32>
        %shift_left3A_543 = arith.shli %get3A_540, %shift_left3A_542 : vector<16xi32>
        %bitcast_convert_type3A_544 = tpu.bitcast %shift_left3A_543 : vector<16xi32> -> vector<16xf32>
        %and3A_545 = arith.constant -65536 : i32
        %and3A_546 = vector.broadcast %and3A_545 : i32 to vector<16xi32>
        %and3A_547 = arith.andi %get3A_540, %and3A_546 : vector<16xi32>
        %bitcast_convert_type3A_548 = tpu.bitcast %and3A_547 : vector<16xi32> -> vector<16xf32>
        %add3A_549 = arith.addf %bitcast_convert_type3A_530, %bitcast_convert_type3A_544 : vector<16xf32>
        %swap3A_550 = arith.constant 0 : i32
        %swap3A_551 = arith.constant 0 : i32
        %swap3A_552 = arith.index_cast %swap3A_550 : i32 to index
        %swap3A_553 = arith.index_cast %swap3A_551 : i32 to index
        %swap3A_554 = arith.index_cast %add3A_381 : i32 to index
        %swap3A_555 = arith.constant 48 : index
        %swap3A_556 = tpu.vector_load %arg9[%swap3A_552, %swap3A_553, %swap3A_554, %swap3A_555] {strides = array<i32>} : memref<2x2x100x128xf32, #tpu.memory_space<vmem>>, vector<1x1x1x16xf32>,
        %swap3A_557 = vector.shape_cast %swap3A_556 : vector<1x1x1x16xf32> to vector<16xf32>
        %swap3A_558 = vector.shape_cast %add3A_549 : vector<16xf32> to vector<1x1x1x16xf32>
        tpu.vector_store %arg9[%swap3A_552, %swap3A_553, %swap3A_554, %swap3A_555], %swap3A_558 {strides = array<i32>} : memref<2x2x100x128xf32, #tpu.memory_space<vmem>>, vector<1x1x1x16xf32>,
        %add3A_559 = arith.addf %bitcast_convert_type3A_534, %bitcast_convert_type3A_548 : vector<16xf32>
        %swap3A_560 = arith.constant 0 : i32
        %swap3A_561 = arith.constant 0 : i32
        %swap3A_562 = arith.index_cast %swap3A_560 : i32 to index
        %swap3A_563 = arith.index_cast %swap3A_561 : i32 to index
        %swap3A_564 = arith.index_cast %add3A_381 : i32 to index
        %swap3A_565 = arith.constant 112 : index
        %swap3A_566 = tpu.vector_load %arg9[%swap3A_562, %swap3A_563, %swap3A_564, %swap3A_565] {strides = array<i32>} : memref<2x2x100x128xf32, #tpu.memory_space<vmem>>, vector<1x1x1x16xf32>,
        %swap3A_567 = vector.shape_cast %swap3A_566 : vector<1x1x1x16xf32> to vector<16xf32>
        %swap3A_568 = vector.shape_cast %add3A_559 : vector<16xf32> to vector<1x1x1x16xf32>
        tpu.vector_store %arg9[%swap3A_562, %swap3A_563, %swap3A_564, %swap3A_565], %swap3A_568 {strides = array<i32>} : memref<2x2x100x128xf32, #tpu.memory_space<vmem>>, vector<1x1x1x16xf32>,
        %mul3A_569 = arith.constant 2 : i32
        %mul3A_570 = arith.muli %scan3A_376, %mul3A_569 : i32
        %add3A_571 = arith.constant 1 : i32
        %add3A_572 = arith.addi %mul3A_570, %add3A_571 : i32
        %get3A_573 = arith.constant 0 : i32
        %get3A_574 = arith.index_cast %get3A_573 : i32 to index
        %get3A_575 = arith.index_cast %add3A_572 : i32 to index
        %get3A_576 = arith.constant 0 : index
        %get3A_577 = tpu.vector_load %arg8[%get3A_574, %get3A_575, %get3A_576] {strides = array<i32>} : memref<2x104x64xi32, #tpu.memory_space<vmem>>, vector<1x1x16xi32>,
        %get3A_578 = vector.shape_cast %get3A_577 : vector<1x1x16xi32> to vector<16xi32>
        %shift_left3A_579 = arith.constant 16 : i32
        %shift_left3A_580 = vector.broadcast %shift_left3A_579 : i32 to vector<16xi32>
        %shift_left3A_581 = arith.shli %get3A_578, %shift_left3A_580 : vector<16xi32>
        %bitcast_convert_type3A_582 = tpu.bitcast %shift_left3A_581 : vector<16xi32> -> vector<16xf32>
        %and3A_583 = arith.constant -65536 : i32
        %and3A_584 = vector.broadcast %and3A_583 : i32 to vector<16xi32>
        %and3A_585 = arith.andi %get3A_578, %and3A_584 : vector<16xi32>
        %bitcast_convert_type3A_586 = tpu.bitcast %and3A_585 : vector<16xi32> -> vector<16xf32>
        %add3A_587 = arith.constant 0 : i32
        %add3A_588 = arith.addi %add3A_587, %add3A_572 : i32
        %get3A_589 = arith.index_cast %add3A_588 : i32 to index
        %get3A_590 = arith.constant 0 : index
        %get3A_591 = tpu.vector_load %arg7[%get3A_589, %get3A_590] {strides = array<i32>} : memref<200x64xi32, #tpu.memory_space<vmem>>, vector<1x16xi32>,
        %get3A_592 = vector.shape_cast %get3A_591 : vector<1x16xi32> to vector<16xi32>
        %shift_left3A_593 = arith.constant 16 : i32
        %shift_left3A_594 = vector.broadcast %shift_left3A_593 : i32 to vector<16xi32>
        %shift_left3A_595 = arith.shli %get3A_592, %shift_left3A_594 : vector<16xi32>
        %bitcast_convert_type3A_596 = tpu.bitcast %shift_left3A_595 : vector<16xi32> -> vector<16xf32>
        %and3A_597 = arith.constant -65536 : i32
        %and3A_598 = vector.broadcast %and3A_597 : i32 to vector<16xi32>
        %and3A_599 = arith.andi %get3A_592, %and3A_598 : vector<16xi32>
        %bitcast_convert_type3A_600 = tpu.bitcast %and3A_599 : vector<16xi32> -> vector<16xf32>
        %add3A_601 = arith.addf %bitcast_convert_type3A_582, %bitcast_convert_type3A_596 : vector<16xf32>
        %swap3A_602 = arith.constant 0 : i32
        %swap3A_603 = arith.constant 0 : i32
        %swap3A_604 = arith.index_cast %swap3A_602 : i32 to index
        %swap3A_605 = arith.index_cast %swap3A_603 : i32 to index
        %swap3A_606 = arith.index_cast %add3A_572 : i32 to index
        %swap3A_607 = arith.constant 0 : index
        %swap3A_608 = tpu.vector_load %arg9[%swap3A_604, %swap3A_605, %swap3A_606, %swap3A_607] {strides = array<i32>} : memref<2x2x100x128xf32, #tpu.memory_space<vmem>>, vector<1x1x1x16xf32>,
        %swap3A_609 = vector.shape_cast %swap3A_608 : vector<1x1x1x16xf32> to vector<16xf32>
        %swap3A_610 = vector.shape_cast %add3A_601 : vector<16xf32> to vector<1x1x1x16xf32>
        tpu.vector_store %arg9[%swap3A_604, %swap3A_605, %swap3A_606, %swap3A_607], %swap3A_610 {strides = array<i32>} : memref<2x2x100x128xf32, #tpu.memory_space<vmem>>, vector<1x1x1x16xf32>,
        %add3A_611 = arith.addf %bitcast_convert_type3A_586, %bitcast_convert_type3A_600 : vector<16xf32>
        %swap3A_612 = arith.constant 0 : i32
        %swap3A_613 = arith.constant 0 : i32
        %swap3A_614 = arith.index_cast %swap3A_612 : i32 to index
        %swap3A_615 = arith.index_cast %swap3A_613 : i32 to index
        %swap3A_616 = arith.index_cast %add3A_572 : i32 to index
        %swap3A_617 = arith.constant 64 : index
        %swap3A_618 = tpu.vector_load %arg9[%swap3A_614, %swap3A_615, %swap3A_616, %swap3A_617] {strides = array<i32>} : memref<2x2x100x128xf32, #tpu.memory_space<vmem>>, vector<1x1x1x16xf32>,
        %swap3A_619 = vector.shape_cast %swap3A_618 : vector<1x1x1x16xf32> to vector<16xf32>
        %swap3A_620 = vector.shape_cast %add3A_611 : vector<16xf32> to vector<1x1x1x16xf32>
        tpu.vector_store %arg9[%swap3A_614, %swap3A_615, %swap3A_616, %swap3A_617], %swap3A_620 {strides = array<i32>} : memref<2x2x100x128xf32, #tpu.memory_space<vmem>>, vector<1x1x1x16xf32>,
        %get3A_621 = arith.constant 0 : i32
        %get3A_622 = arith.index_cast %get3A_621 : i32 to index
        %get3A_623 = arith.index_cast %add3A_572 : i32 to index
        %get3A_624 = arith.constant 16 : index
        %get3A_625 = tpu.vector_load %arg8[%get3A_622, %get3A_623, %get3A_624] {strides = array<i32>} : memref<2x104x64xi32, #tpu.memory_space<vmem>>, vector<1x1x16xi32>,
        %get3A_626 = vector.shape_cast %get3A_625 : vector<1x1x16xi32> to vector<16xi32>
        %shift_left3A_627 = arith.constant 16 : i32
        %shift_left3A_628 = vector.broadcast %shift_left3A_627 : i32 to vector<16xi32>
        %shift_left3A_629 = arith.shli %get3A_626, %shift_left3A_628 : vector<16xi32>
        %bitcast_convert_type3A_630 = tpu.bitcast %shift_left3A_629 : vector<16xi32> -> vector<16xf32>
        %and3A_631 = arith.constant -65536 : i32
        %and3A_632 = vector.broadcast %and3A_631 : i32 to vector<16xi32>
        %and3A_633 = arith.andi %get3A_626, %and3A_632 : vector<16xi32>
        %bitcast_convert_type3A_634 = tpu.bitcast %and3A_633 : vector<16xi32> -> vector<16xf32>
        %add3A_635 = arith.constant 0 : i32
        %add3A_636 = arith.addi %add3A_635, %add3A_572 : i32
        %get3A_637 = arith.index_cast %add3A_636 : i32 to index
        %get3A_638 = arith.constant 16 : index
        %get3A_639 = tpu.vector_load %arg7[%get3A_637, %get3A_638] {strides = array<i32>} : memref<200x64xi32, #tpu.memory_space<vmem>>, vector<1x16xi32>,
        %get3A_640 = vector.shape_cast %get3A_639 : vector<1x16xi32> to vector<16xi32>
        %shift_left3A_641 = arith.constant 16 : i32
        %shift_left3A_642 = vector.broadcast %shift_left3A_641 : i32 to vector<16xi32>
        %shift_left3A_643 = arith.shli %get3A_640, %shift_left3A_642 : vector<16xi32>
        %bitcast_convert_type3A_644 = tpu.bitcast %shift_left3A_643 : vector<16xi32> -> vector<16xf32>
        %and3A_645 = arith.constant -65536 : i32
        %and3A_646 = vector.broadcast %and3A_645 : i32 to vector<16xi32>
        %and3A_647 = arith.andi %get3A_640, %and3A_646 : vector<16xi32>
        %bitcast_convert_type3A_648 = tpu.bitcast %and3A_647 : vector<16xi32> -> vector<16xf32>
        %add3A_649 = arith.addf %bitcast_convert_type3A_630, %bitcast_convert_type3A_644 : vector<16xf32>
        %swap3A_650 = arith.constant 0 : i32
        %swap3A_651 = arith.constant 0 : i32
        %swap3A_652 = arith.index_cast %swap3A_650 : i32 to index
        %swap3A_653 = arith.index_cast %swap3A_651 : i32 to index
        %swap3A_654 = arith.index_cast %add3A_572 : i32 to index
        %swap3A_655 = arith.constant 16 : index
        %swap3A_656 = tpu.vector_load %arg9[%swap3A_652, %swap3A_653, %swap3A_654, %swap3A_655] {strides = array<i32>} : memref<2x2x100x128xf32, #tpu.memory_space<vmem>>, vector<1x1x1x16xf32>,
        %swap3A_657 = vector.shape_cast %swap3A_656 : vector<1x1x1x16xf32> to vector<16xf32>
        %swap3A_658 = vector.shape_cast %add3A_649 : vector<16xf32> to vector<1x1x1x16xf32>
        tpu.vector_store %arg9[%swap3A_652, %swap3A_653, %swap3A_654, %swap3A_655], %swap3A_658 {strides = array<i32>} : memref<2x2x100x128xf32, #tpu.memory_space<vmem>>, vector<1x1x1x16xf32>,
        %add3A_659 = arith.addf %bitcast_convert_type3A_634, %bitcast_convert_type3A_648 : vector<16xf32>
        %swap3A_660 = arith.constant 0 : i32
        %swap3A_661 = arith.constant 0 : i32
        %swap3A_662 = arith.index_cast %swap3A_660 : i32 to index
        %swap3A_663 = arith.index_cast %swap3A_661 : i32 to index
        %swap3A_664 = arith.index_cast %add3A_572 : i32 to index
        %swap3A_665 = arith.constant 80 : index
        %swap3A_666 = tpu.vector_load %arg9[%swap3A_662, %swap3A_663, %swap3A_664, %swap3A_665] {strides = array<i32>} : memref<2x2x100x128xf32, #tpu.memory_space<vmem>>, vector<1x1x1x16xf32>,
        %swap3A_667 = vector.shape_cast %swap3A_666 : vector<1x1x1x16xf32> to vector<16xf32>
        %swap3A_668 = vector.shape_cast %add3A_659 : vector<16xf32> to vector<1x1x1x16xf32>
        tpu.vector_store %arg9[%swap3A_662, %swap3A_663, %swap3A_664, %swap3A_665], %swap3A_668 {strides = array<i32>} : memref<2x2x100x128xf32, #tpu.memory_space<vmem>>, vector<1x1x1x16xf32>,
        %get3A_669 = arith.constant 0 : i32
        %get3A_670 = arith.index_cast %get3A_669 : i32 to index
        %get3A_671 = arith.index_cast %add3A_572 : i32 to index
        %get3A_672 = arith.constant 32 : index
        %get3A_673 = tpu.vector_load %arg8[%get3A_670, %get3A_671, %get3A_672] {strides = array<i32>} : memref<2x104x64xi32, #tpu.memory_space<vmem>>, vector<1x1x16xi32>,
        %get3A_674 = vector.shape_cast %get3A_673 : vector<1x1x16xi32> to vector<16xi32>
        %shift_left3A_675 = arith.constant 16 : i32
        %shift_left3A_676 = vector.broadcast %shift_left3A_675 : i32 to vector<16xi32>
        %shift_left3A_677 = arith.shli %get3A_674, %shift_left3A_676 : vector<16xi32>
        %bitcast_convert_type3A_678 = tpu.bitcast %shift_left3A_677 : vector<16xi32> -> vector<16xf32>
        %and3A_679 = arith.constant -65536 : i32
        %and3A_680 = vector.broadcast %and3A_679 : i32 to vector<16xi32>
        %and3A_681 = arith.andi %get3A_674, %and3A_680 : vector<16xi32>
        %bitcast_convert_type3A_682 = tpu.bitcast %and3A_681 : vector<16xi32> -> vector<16xf32>
        %add3A_683 = arith.constant 0 : i32
        %add3A_684 = arith.addi %add3A_683, %add3A_572 : i32
        %get3A_685 = arith.index_cast %add3A_684 : i32 to index
        %get3A_686 = arith.constant 32 : index
        %get3A_687 = tpu.vector_load %arg7[%get3A_685, %get3A_686] {strides = array<i32>} : memref<200x64xi32, #tpu.memory_space<vmem>>, vector<1x16xi32>,
        %get3A_688 = vector.shape_cast %get3A_687 : vector<1x16xi32> to vector<16xi32>
        %shift_left3A_689 = arith.constant 16 : i32
        %shift_left3A_690 = vector.broadcast %shift_left3A_689 : i32 to vector<16xi32>
        %shift_left3A_691 = arith.shli %get3A_688, %shift_left3A_690 : vector<16xi32>
        %bitcast_convert_type3A_692 = tpu.bitcast %shift_left3A_691 : vector<16xi32> -> vector<16xf32>
        %and3A_693 = arith.constant -65536 : i32
        %and3A_694 = vector.broadcast %and3A_693 : i32 to vector<16xi32>
        %and3A_695 = arith.andi %get3A_688, %and3A_694 : vector<16xi32>
        %bitcast_convert_type3A_696 = tpu.bitcast %and3A_695 : vector<16xi32> -> vector<16xf32>
        %add3A_697 = arith.addf %bitcast_convert_type3A_678, %bitcast_convert_type3A_692 : vector<16xf32>
        %swap3A_698 = arith.constant 0 : i32
        %swap3A_699 = arith.constant 0 : i32
        %swap3A_700 = arith.index_cast %swap3A_698 : i32 to index
        %swap3A_701 = arith.index_cast %swap3A_699 : i32 to index
        %swap3A_702 = arith.index_cast %add3A_572 : i32 to index
        %swap3A_703 = arith.constant 32 : index
        %swap3A_704 = tpu.vector_load %arg9[%swap3A_700, %swap3A_701, %swap3A_702, %swap3A_703] {strides = array<i32>} : memref<2x2x100x128xf32, #tpu.memory_space<vmem>>, vector<1x1x1x16xf32>,
        %swap3A_705 = vector.shape_cast %swap3A_704 : vector<1x1x1x16xf32> to vector<16xf32>
        %swap3A_706 = vector.shape_cast %add3A_697 : vector<16xf32> to vector<1x1x1x16xf32>
        tpu.vector_store %arg9[%swap3A_700, %swap3A_701, %swap3A_702, %swap3A_703], %swap3A_706 {strides = array<i32>} : memref<2x2x100x128xf32, #tpu.memory_space<vmem>>, vector<1x1x1x16xf32>,
        %add3A_707 = arith.addf %bitcast_convert_type3A_682, %bitcast_convert_type3A_696 : vector<16xf32>
        %swap3A_708 = arith.constant 0 : i32
        %swap3A_709 = arith.constant 0 : i32
        %swap3A_710 = arith.index_cast %swap3A_708 : i32 to index
        %swap3A_711 = arith.index_cast %swap3A_709 : i32 to index
        %swap3A_712 = arith.index_cast %add3A_572 : i32 to index
        %swap3A_713 = arith.constant 96 : index
        %swap3A_714 = tpu.vector_load %arg9[%swap3A_710, %swap3A_711, %swap3A_712, %swap3A_713] {strides = array<i32>} : memref<2x2x100x128xf32, #tpu.memory_space<vmem>>, vector<1x1x1x16xf32>,
        %swap3A_715 = vector.shape_cast %swap3A_714 : vector<1x1x1x16xf32> to vector<16xf32>
        %swap3A_716 = vector.shape_cast %add3A_707 : vector<16xf32> to vector<1x1x1x16xf32>
        tpu.vector_store %arg9[%swap3A_710, %swap3A_711, %swap3A_712, %swap3A_713], %swap3A_716 {strides = array<i32>} : memref<2x2x100x128xf32, #tpu.memory_space<vmem>>, vector<1x1x1x16xf32>,
        %get3A_717 = arith.constant 0 : i32
        %get3A_718 = arith.index_cast %get3A_717 : i32 to index
        %get3A_719 = arith.index_cast %add3A_572 : i32 to index
        %get3A_720 = arith.constant 48 : index
        %get3A_721 = tpu.vector_load %arg8[%get3A_718, %get3A_719, %get3A_720] {strides = array<i32>} : memref<2x104x64xi32, #tpu.memory_space<vmem>>, vector<1x1x16xi32>,
        %get3A_722 = vector.shape_cast %get3A_721 : vector<1x1x16xi32> to vector<16xi32>
        %shift_left3A_723 = arith.constant 16 : i32
        %shift_left3A_724 = vector.broadcast %shift_left3A_723 : i32 to vector<16xi32>
        %shift_left3A_725 = arith.shli %get3A_722, %shift_left3A_724 : vector<16xi32>
        %bitcast_convert_type3A_726 = tpu.bitcast %shift_left3A_725 : vector<16xi32> -> vector<16xf32>
        %and3A_727 = arith.constant -65536 : i32
        %and3A_728 = vector.broadcast %and3A_727 : i32 to vector<16xi32>
        %and3A_729 = arith.andi %get3A_722, %and3A_728 : vector<16xi32>
        %bitcast_convert_type3A_730 = tpu.bitcast %and3A_729 : vector<16xi32> -> vector<16xf32>
        %add3A_731 = arith.constant 0 : i32
        %add3A_732 = arith.addi %add3A_731, %add3A_572 : i32
        %get3A_733 = arith.index_cast %add3A_732 : i32 to index
        %get3A_734 = arith.constant 48 : index
        %get3A_735 = tpu.vector_load %arg7[%get3A_733, %get3A_734] {strides = array<i32>} : memref<200x64xi32, #tpu.memory_space<vmem>>, vector<1x16xi32>,
        %get3A_736 = vector.shape_cast %get3A_735 : vector<1x16xi32> to vector<16xi32>
        %shift_left3A_737 = arith.constant 16 : i32
        %shift_left3A_738 = vector.broadcast %shift_left3A_737 : i32 to vector<16xi32>
        %shift_left3A_739 = arith.shli %get3A_736, %shift_left3A_738 : vector<16xi32>
        %bitcast_convert_type3A_740 = tpu.bitcast %shift_left3A_739 : vector<16xi32> -> vector<16xf32>
        %and3A_741 = arith.constant -65536 : i32
        %and3A_742 = vector.broadcast %and3A_741 : i32 to vector<16xi32>
        %and3A_743 = arith.andi %get3A_736, %and3A_742 : vector<16xi32>
        %bitcast_convert_type3A_744 = tpu.bitcast %and3A_743 : vector<16xi32> -> vector<16xf32>
        %add3A_745 = arith.addf %bitcast_convert_type3A_726, %bitcast_convert_type3A_740 : vector<16xf32>
        %swap3A_746 = arith.constant 0 : i32
        %swap3A_747 = arith.constant 0 : i32
        %swap3A_748 = arith.index_cast %swap3A_746 : i32 to index
        %swap3A_749 = arith.index_cast %swap3A_747 : i32 to index
        %swap3A_750 = arith.index_cast %add3A_572 : i32 to index
        %swap3A_751 = arith.constant 48 : index
        %swap3A_752 = tpu.vector_load %arg9[%swap3A_748, %swap3A_749, %swap3A_750, %swap3A_751] {strides = array<i32>} : memref<2x2x100x128xf32, #tpu.memory_space<vmem>>, vector<1x1x1x16xf32>,
        %swap3A_753 = vector.shape_cast %swap3A_752 : vector<1x1x1x16xf32> to vector<16xf32>
        %swap3A_754 = vector.shape_cast %add3A_745 : vector<16xf32> to vector<1x1x1x16xf32>
        tpu.vector_store %arg9[%swap3A_748, %swap3A_749, %swap3A_750, %swap3A_751], %swap3A_754 {strides = array<i32>} : memref<2x2x100x128xf32, #tpu.memory_space<vmem>>, vector<1x1x1x16xf32>,
        %add3A_755 = arith.addf %bitcast_convert_type3A_730, %bitcast_convert_type3A_744 : vector<16xf32>
        %swap3A_756 = arith.constant 0 : i32
        %swap3A_757 = arith.constant 0 : i32
        %swap3A_758 = arith.index_cast %swap3A_756 : i32 to index
        %swap3A_759 = arith.index_cast %swap3A_757 : i32 to index
        %swap3A_760 = arith.index_cast %add3A_572 : i32 to index
        %swap3A_761 = arith.constant 112 : index
        %swap3A_762 = tpu.vector_load %arg9[%swap3A_758, %swap3A_759, %swap3A_760, %swap3A_761] {strides = array<i32>} : memref<2x2x100x128xf32, #tpu.memory_space<vmem>>, vector<1x1x1x16xf32>,
        %swap3A_763 = vector.shape_cast %swap3A_762 : vector<1x1x1x16xf32> to vector<16xf32>
        %swap3A_764 = vector.shape_cast %add3A_755 : vector<16xf32> to vector<1x1x1x16xf32>
        tpu.vector_store %arg9[%swap3A_758, %swap3A_759, %swap3A_760, %swap3A_761], %swap3A_764 {strides = array<i32>} : memref<2x2x100x128xf32, #tpu.memory_space<vmem>>, vector<1x1x1x16xf32>,
        %scan3A_765 = arith.constant 0 : i32
        scf.yield %scan3A_765 : i32
      }
      %scan3A_72 = arith.constant 50 : i32
      %ge3A = arith.constant 2 : i32
      %ge3A_73 = arith.cmpi sge, %add3A_50, %ge3A : i32
      %convert_element_type3A_74 = arith.extui %ge3A_73 : i1 to i32
      %cond3A_75 = arith.constant 0 : i32
      %cond3A_76 = arith.cmpi ne, %convert_element_type3A_74, %cond3A_75 : i32
      scf.if %cond3A_76 {
        %sub3A = arith.constant 2 : i32
        %sub3A_376 = arith.subi %add3A_50, %sub3A : i32
        %add3A_377 = arith.addi %mul3A_2, %sub3A_376 : i32
        %dma_wait3A_378 = arith.constant 0 : i32
        %dma_wait3A_379 = arith.constant 0 : i32
        %dma_wait3A_380 = arith.constant 0 : i32
        %dma_wait3A_381 = tpu.memref_slice %arg5[%add3A_377, %dma_wait3A_379, %dma_wait3A_380] : memref<8192x100x128xf32, #tpu.memory_space<hbm>> -> memref<1x100x128xf32, #tpu.memory_space<hbm>>
        %dma_wait3A_382 = tpu.memref_squeeze %dma_wait3A_381 : memref<1x100x128xf32, #tpu.memory_space<hbm>> -> memref<100x128xf32, #tpu.memory_space<hbm>>
        %dma_wait3A_383 = arith.constant 0 : i32
        %dma_wait3A_384 = arith.constant 0 : i32
        %dma_wait3A_385 = tpu.memref_slice %arg10[%arg1, %dma_wait3A_378, %dma_wait3A_383, %dma_wait3A_384] : memref<16x2x100x128xf32, #tpu.memory_space<vmem_shared>> -> memref<1x1x100x128xf32, #tpu.memory_space<vmem_shared>>
        %dma_wait3A_386 = tpu.memref_squeeze %dma_wait3A_385 : memref<1x1x100x128xf32, #tpu.memory_space<vmem_shared>> -> memref<100x128xf32, #tpu.memory_space<vmem_shared>>
        tpu.wait_dma2 semaphore(%arg13 : memref<!tpu.dma_semaphore, #tpu.memory_space<semaphore_mem>>) src(%dma_wait3A_386 : memref<100x128xf32, #tpu.memory_space<vmem_shared>>) dst(%dma_wait3A_382 : memref<100x128xf32, #tpu.memory_space<hbm>>)
      } else {
      }
      %dma_start3A_77 = arith.constant 0 : i32
      %dma_start3A_78 = arith.constant 0 : i32
      %dma_start3A_79 = arith.constant 0 : i32
      %dma_start3A_80 = arith.constant 0 : i32
      %dma_start3A_81 = arith.constant 0 : i32
      %dma_start3A_82 = tpu.memref_slice %arg9[%dma_start3A_77, %dma_start3A_78, %dma_start3A_80, %dma_start3A_81] : memref<2x2x100x128xf32, #tpu.memory_space<vmem>> -> memref<1x1x100x128xf32, #tpu.memory_space<vmem>>
      %dma_start3A_83 = tpu.memref_squeeze %dma_start3A_82 : memref<1x1x100x128xf32, #tpu.memory_space<vmem>> -> memref<100x128xf32, #tpu.memory_space<vmem>>
      %dma_start3A_84 = arith.constant 0 : i32
      %dma_start3A_85 = arith.constant 0 : i32
      %dma_start3A_86 = tpu.memref_slice %arg10[%arg1, %dma_start3A_79, %dma_start3A_84, %dma_start3A_85] : memref<16x2x100x128xf32, #tpu.memory_space<vmem_shared>> -> memref<1x1x100x128xf32, #tpu.memory_space<vmem_shared>>
      %dma_start3A_87 = tpu.memref_squeeze %dma_start3A_86 : memref<1x1x100x128xf32, #tpu.memory_space<vmem_shared>> -> memref<100x128xf32, #tpu.memory_space<vmem_shared>>
      %dma_start3A_88 = arith.constant 0 : i32
      %dma_start3A_89 = arith.constant 0 : i32
      %dma_start3A_90 = tpu.memref_slice %arg10[%arg1, %dma_start3A_79, %dma_start3A_88, %dma_start3A_89] : memref<16x2x100x128xf32, #tpu.memory_space<vmem_shared>> -> memref<1x1x100x128xf32, #tpu.memory_space<vmem_shared>>
      %dma_start3A_91 = tpu.memref_squeeze %dma_start3A_90 : memref<1x1x100x128xf32, #tpu.memory_space<vmem_shared>> -> memref<100x128xf32, #tpu.memory_space<vmem_shared>>
      %dma_start3A_92 = arith.constant 0 : i32
      %dma_start3A_93 = arith.constant 0 : i32
      %dma_start3A_94 = tpu.memref_slice %arg9[%dma_start3A_77, %dma_start3A_78, %dma_start3A_92, %dma_start3A_93] : memref<2x2x100x128xf32, #tpu.memory_space<vmem>> -> memref<1x1x100x128xf32, #tpu.memory_space<vmem>>
      %dma_start3A_95 = tpu.memref_squeeze %dma_start3A_94 : memref<1x1x100x128xf32, #tpu.memory_space<vmem>> -> memref<100x128xf32, #tpu.memory_space<vmem>>
      tpu.enqueue_dma source(%dma_start3A_95 : memref<100x128xf32, #tpu.memory_space<vmem>>) target(%dma_start3A_91 : memref<100x128xf32, #tpu.memory_space<vmem_shared>>) target_semaphore(%arg15 : memref<!tpu.dma_semaphore, #tpu.memory_space<semaphore_mem>>)
      %dma_wait3A_96 = arith.constant 0 : i32
      %dma_wait3A_97 = arith.constant 0 : i32
      %dma_wait3A_98 = arith.constant 0 : i32
      %dma_wait3A_99 = arith.constant 0 : i32
      %dma_wait3A_100 = arith.constant 0 : i32
      %dma_wait3A_101 = tpu.memref_slice %arg9[%dma_wait3A_96, %dma_wait3A_97, %dma_wait3A_99, %dma_wait3A_100] : memref<2x2x100x128xf32, #tpu.memory_space<vmem>> -> memref<1x1x100x128xf32, #tpu.memory_space<vmem>>
      %dma_wait3A_102 = tpu.memref_squeeze %dma_wait3A_101 : memref<1x1x100x128xf32, #tpu.memory_space<vmem>> -> memref<100x128xf32, #tpu.memory_space<vmem>>
      %dma_wait3A_103 = arith.constant 0 : i32
      %dma_wait3A_104 = arith.constant 0 : i32
      %dma_wait3A_105 = tpu.memref_slice %arg10[%arg1, %dma_wait3A_98, %dma_wait3A_103, %dma_wait3A_104] : memref<16x2x100x128xf32, #tpu.memory_space<vmem_shared>> -> memref<1x1x100x128xf32, #tpu.memory_space<vmem_shared>>
      %dma_wait3A_106 = tpu.memref_squeeze %dma_wait3A_105 : memref<1x1x100x128xf32, #tpu.memory_space<vmem_shared>> -> memref<100x128xf32, #tpu.memory_space<vmem_shared>>
      %dma_wait3A_107 = arith.constant 0 : i32
      %dma_wait3A_108 = arith.constant 0 : i32
      %dma_wait3A_109 = tpu.memref_slice %arg10[%arg1, %dma_wait3A_98, %dma_wait3A_107, %dma_wait3A_108] : memref<16x2x100x128xf32, #tpu.memory_space<vmem_shared>> -> memref<1x1x100x128xf32, #tpu.memory_space<vmem_shared>>
      %dma_wait3A_110 = tpu.memref_squeeze %dma_wait3A_109 : memref<1x1x100x128xf32, #tpu.memory_space<vmem_shared>> -> memref<100x128xf32, #tpu.memory_space<vmem_shared>>
      %dma_wait3A_111 = arith.constant 0 : i32
      %dma_wait3A_112 = arith.constant 0 : i32
      %dma_wait3A_113 = tpu.memref_slice %arg9[%dma_wait3A_96, %dma_wait3A_97, %dma_wait3A_111, %dma_wait3A_112] : memref<2x2x100x128xf32, #tpu.memory_space<vmem>> -> memref<1x1x100x128xf32, #tpu.memory_space<vmem>>
      %dma_wait3A_114 = tpu.memref_squeeze %dma_wait3A_113 : memref<1x1x100x128xf32, #tpu.memory_space<vmem>> -> memref<100x128xf32, #tpu.memory_space<vmem>>
      tpu.wait_dma2 semaphore(%arg15 : memref<!tpu.dma_semaphore, #tpu.memory_space<semaphore_mem>>) src(%dma_wait3A_114 : memref<100x128xf32, #tpu.memory_space<vmem>>) dst(%dma_wait3A_110 : memref<100x128xf32, #tpu.memory_space<vmem_shared>>)
      %add3A_115 = arith.addi %mul3A_2, %add3A_50 : i32
      %dma_start3A_116 = arith.constant 0 : i32
      %dma_start3A_117 = arith.constant 0 : i32
      %dma_start3A_118 = arith.constant 0 : i32
      %dma_start3A_119 = tpu.memref_slice %arg5[%add3A_115, %dma_start3A_117, %dma_start3A_118] : memref<8192x100x128xf32, #tpu.memory_space<hbm>> -> memref<1x100x128xf32, #tpu.memory_space<hbm>>
      %dma_start3A_120 = tpu.memref_squeeze %dma_start3A_119 : memref<1x100x128xf32, #tpu.memory_space<hbm>> -> memref<100x128xf32, #tpu.memory_space<hbm>>
      %dma_start3A_121 = arith.constant 0 : i32
      %dma_start3A_122 = arith.constant 0 : i32
      %dma_start3A_123 = tpu.memref_slice %arg10[%arg1, %dma_start3A_116, %dma_start3A_121, %dma_start3A_122] : memref<16x2x100x128xf32, #tpu.memory_space<vmem_shared>> -> memref<1x1x100x128xf32, #tpu.memory_space<vmem_shared>>
      %dma_start3A_124 = tpu.memref_squeeze %dma_start3A_123 : memref<1x1x100x128xf32, #tpu.memory_space<vmem_shared>> -> memref<100x128xf32, #tpu.memory_space<vmem_shared>>
      tpu.enqueue_dma source(%dma_start3A_124 : memref<100x128xf32, #tpu.memory_space<vmem_shared>>) target(%dma_start3A_120 : memref<100x128xf32, #tpu.memory_space<hbm>>) target_semaphore(%arg13 : memref<!tpu.dma_semaphore, #tpu.memory_space<semaphore_mem>>)
      %mul3A_125 = arith.constant 2 : i32
      %mul3A_126 = arith.muli %add3A_46, %mul3A_125 : i32
      %add3A_127 = arith.constant 1 : i32
      %add3A_128 = arith.addi %mul3A_126, %add3A_127 : i32
      %add3A_129 = arith.constant 1 : i32
      %add3A_130 = arith.addi %add3A_128, %add3A_129 : i32
      %lt3A_131 = arith.constant 256 : i32
      %lt3A_132 = arith.cmpi slt, %add3A_130, %lt3A_131 : i32
      %convert_element_type3A_133 = arith.extui %lt3A_132 : i1 to i32
      %cond3A_134 = arith.constant 0 : i32
      %cond3A_135 = arith.cmpi ne, %convert_element_type3A_133, %cond3A_134 : i32
      scf.if %cond3A_135 {
        %add3A_376 = arith.constant 1 : i32
        %add3A_377 = arith.addi %add3A_128, %add3A_376 : i32
        %dma_start3A_378 = arith.constant 0 : i32
        %dma_start3A_379 = arith.constant 0 : i32
        %dma_start3A_380 = arith.constant 0 : i32
        %dma_start3A_381 = tpu.memref_slice %arg8[%dma_start3A_378, %dma_start3A_379, %dma_start3A_380] : memref<2x104x64xi32, #tpu.memory_space<vmem>> -> memref<1x104x64xi32, #tpu.memory_space<vmem>>
        %dma_start3A_382 = tpu.memref_squeeze %dma_start3A_381 : memref<1x104x64xi32, #tpu.memory_space<vmem>> -> memref<104x64xi32, #tpu.memory_space<vmem>>
        %dma_start3A_383 = arith.constant 0 : i32
        %dma_start3A_384 = tpu.memref_slice %arg6[%add3A_377, %dma_start3A_383] : memref<256x104xi32, #tpu.memory_space<vmem>> -> memref<1x104xi32, #tpu.memory_space<vmem>>
        %dma_start3A_385 = tpu.memref_squeeze %dma_start3A_384 : memref<1x104xi32, #tpu.memory_space<vmem>> -> memref<104xi32, #tpu.memory_space<vmem>>
        %dma_start3A_386 = arith.constant 0 : i32
        %dma_start3A_387 = arith.constant 0 : i32
        %dma_start3A_388 = tpu.memref_slice %arg3[%dma_start3A_386, %dma_start3A_387] : memref<100000x64xi32, #tpu.memory_space<hbm>> -> memref<100000x64xi32, #tpu.memory_space<hbm>>
        tpu.enqueue_indirect_dma source(%dma_start3A_388 : memref<100000x64xi32, #tpu.memory_space<hbm>>) target(%dma_start3A_382 : memref<104x64xi32, #tpu.memory_space<vmem>>) offsets(%dma_start3A_385 : memref<104xi32, #tpu.memory_space<vmem>>) semaphore(%arg11 : memref<!tpu.dma_semaphore, #tpu.memory_space<semaphore_mem>>)
      } else {
      }
      %dma_wait3A_136 = arith.constant 1 : i32
      %dma_wait3A_137 = arith.constant 0 : i32
      %dma_wait3A_138 = arith.constant 0 : i32
      %dma_wait3A_139 = tpu.memref_slice %arg8[%dma_wait3A_136, %dma_wait3A_137, %dma_wait3A_138] : memref<2x104x64xi32, #tpu.memory_space<vmem>> -> memref<1x104x64xi32, #tpu.memory_space<vmem>>
      %dma_wait3A_140 = tpu.memref_squeeze %dma_wait3A_139 : memref<1x104x64xi32, #tpu.memory_space<vmem>> -> memref<104x64xi32, #tpu.memory_space<vmem>>
      %dma_wait3A_141 = arith.constant 0 : i32
      %dma_wait3A_142 = tpu.memref_slice %arg6[%add3A_128, %dma_wait3A_141] : memref<256x104xi32, #tpu.memory_space<vmem>> -> memref<1x104xi32, #tpu.memory_space<vmem>>
      %dma_wait3A_143 = tpu.memref_squeeze %dma_wait3A_142 : memref<1x104xi32, #tpu.memory_space<vmem>> -> memref<104xi32, #tpu.memory_space<vmem>>
      %dma_wait3A_144 = arith.constant 0 : i32
      %dma_wait3A_145 = arith.constant 0 : i32
      %dma_wait3A_146 = tpu.memref_slice %arg3[%dma_wait3A_144, %dma_wait3A_145] : memref<100000x64xi32, #tpu.memory_space<hbm>> -> memref<100000x64xi32, #tpu.memory_space<hbm>>
      tpu.wait_indirect_dma semaphore(%arg12 : memref<!tpu.dma_semaphore, #tpu.memory_space<semaphore_mem>>) src(%dma_wait3A_146 : memref<100000x64xi32, #tpu.memory_space<hbm>>) dst(%dma_wait3A_140 : memref<104x64xi32, #tpu.memory_space<vmem>>)
      %scan3A_147 = arith.constant 0 : i32
      %scan3A_148 = arith.constant 0 : i32
      %scan3A_149 = arith.constant 50 : i32
      %scan3A_150 = arith.addi %scan3A_148, %scan3A_149 : i32
      %scan3A_151 = arith.constant 1 : i32
      %scan3A_152 = scf.for %scan3A_376 = %scan3A_148 to %scan3A_150 step %scan3A_151 iter_args(%scan3A_377 = %scan3A_147) -> (i32)  : i32 {
        %mul3A_378 = arith.constant 2 : i32
        %mul3A_379 = arith.muli %scan3A_376, %mul3A_378 : i32
        %add3A_380 = arith.constant 0 : i32
        %add3A_381 = arith.addi %mul3A_379, %add3A_380 : i32
        %get3A = arith.constant 1 : i32
        %get3A_382 = arith.index_cast %get3A : i32 to index
        %get3A_383 = arith.index_cast %add3A_381 : i32 to index
        %get3A_384 = arith.constant 0 : index
        %get3A_385 = tpu.vector_load %arg8[%get3A_382, %get3A_383, %get3A_384] {strides = array<i32>} : memref<2x104x64xi32, #tpu.memory_space<vmem>>, vector<1x1x16xi32>,
        %get3A_386 = vector.shape_cast %get3A_385 : vector<1x1x16xi32> to vector<16xi32>
        %shift_left3A = arith.constant 16 : i32
        %shift_left3A_387 = vector.broadcast %shift_left3A : i32 to vector<16xi32>
        %shift_left3A_388 = arith.shli %get3A_386, %shift_left3A_387 : vector<16xi32>
        %bitcast_convert_type3A = tpu.bitcast %shift_left3A_388 : vector<16xi32> -> vector<16xf32>
        %and3A = arith.constant -65536 : i32
        %and3A_389 = vector.broadcast %and3A : i32 to vector<16xi32>
        %and3A_390 = arith.andi %get3A_386, %and3A_389 : vector<16xi32>
        %bitcast_convert_type3A_391 = tpu.bitcast %and3A_390 : vector<16xi32> -> vector<16xf32>
        %add3A_392 = arith.constant 100 : i32
        %add3A_393 = arith.addi %add3A_392, %add3A_381 : i32
        %get3A_394 = arith.index_cast %add3A_393 : i32 to index
        %get3A_395 = arith.constant 0 : index
        %get3A_396 = tpu.vector_load %arg7[%get3A_394, %get3A_395] {strides = array<i32>} : memref<200x64xi32, #tpu.memory_space<vmem>>, vector<1x16xi32>,
        %get3A_397 = vector.shape_cast %get3A_396 : vector<1x16xi32> to vector<16xi32>
        %shift_left3A_398 = arith.constant 16 : i32
        %shift_left3A_399 = vector.broadcast %shift_left3A_398 : i32 to vector<16xi32>
        %shift_left3A_400 = arith.shli %get3A_397, %shift_left3A_399 : vector<16xi32>
        %bitcast_convert_type3A_401 = tpu.bitcast %shift_left3A_400 : vector<16xi32> -> vector<16xf32>
        %and3A_402 = arith.constant -65536 : i32
        %and3A_403 = vector.broadcast %and3A_402 : i32 to vector<16xi32>
        %and3A_404 = arith.andi %get3A_397, %and3A_403 : vector<16xi32>
        %bitcast_convert_type3A_405 = tpu.bitcast %and3A_404 : vector<16xi32> -> vector<16xf32>
        %add3A_406 = arith.addf %bitcast_convert_type3A, %bitcast_convert_type3A_401 : vector<16xf32>
        %swap3A = arith.constant 0 : i32
        %swap3A_407 = arith.constant 1 : i32
        %swap3A_408 = arith.index_cast %swap3A : i32 to index
        %swap3A_409 = arith.index_cast %swap3A_407 : i32 to index
        %swap3A_410 = arith.index_cast %add3A_381 : i32 to index
        %swap3A_411 = arith.constant 0 : index
        %swap3A_412 = tpu.vector_load %arg9[%swap3A_408, %swap3A_409, %swap3A_410, %swap3A_411] {strides = array<i32>} : memref<2x2x100x128xf32, #tpu.memory_space<vmem>>, vector<1x1x1x16xf32>,
        %swap3A_413 = vector.shape_cast %swap3A_412 : vector<1x1x1x16xf32> to vector<16xf32>
        %swap3A_414 = vector.shape_cast %add3A_406 : vector<16xf32> to vector<1x1x1x16xf32>
        tpu.vector_store %arg9[%swap3A_408, %swap3A_409, %swap3A_410, %swap3A_411], %swap3A_414 {strides = array<i32>} : memref<2x2x100x128xf32, #tpu.memory_space<vmem>>, vector<1x1x1x16xf32>,
        %add3A_415 = arith.addf %bitcast_convert_type3A_391, %bitcast_convert_type3A_405 : vector<16xf32>
        %swap3A_416 = arith.constant 0 : i32
        %swap3A_417 = arith.constant 1 : i32
        %swap3A_418 = arith.index_cast %swap3A_416 : i32 to index
        %swap3A_419 = arith.index_cast %swap3A_417 : i32 to index
        %swap3A_420 = arith.index_cast %add3A_381 : i32 to index
        %swap3A_421 = arith.constant 64 : index
        %swap3A_422 = tpu.vector_load %arg9[%swap3A_418, %swap3A_419, %swap3A_420, %swap3A_421] {strides = array<i32>} : memref<2x2x100x128xf32, #tpu.memory_space<vmem>>, vector<1x1x1x16xf32>,
        %swap3A_423 = vector.shape_cast %swap3A_422 : vector<1x1x1x16xf32> to vector<16xf32>
        %swap3A_424 = vector.shape_cast %add3A_415 : vector<16xf32> to vector<1x1x1x16xf32>
        tpu.vector_store %arg9[%swap3A_418, %swap3A_419, %swap3A_420, %swap3A_421], %swap3A_424 {strides = array<i32>} : memref<2x2x100x128xf32, #tpu.memory_space<vmem>>, vector<1x1x1x16xf32>,
        %get3A_425 = arith.constant 1 : i32
        %get3A_426 = arith.index_cast %get3A_425 : i32 to index
        %get3A_427 = arith.index_cast %add3A_381 : i32 to index
        %get3A_428 = arith.constant 16 : index
        %get3A_429 = tpu.vector_load %arg8[%get3A_426, %get3A_427, %get3A_428] {strides = array<i32>} : memref<2x104x64xi32, #tpu.memory_space<vmem>>, vector<1x1x16xi32>,
        %get3A_430 = vector.shape_cast %get3A_429 : vector<1x1x16xi32> to vector<16xi32>
        %shift_left3A_431 = arith.constant 16 : i32
        %shift_left3A_432 = vector.broadcast %shift_left3A_431 : i32 to vector<16xi32>
        %shift_left3A_433 = arith.shli %get3A_430, %shift_left3A_432 : vector<16xi32>
        %bitcast_convert_type3A_434 = tpu.bitcast %shift_left3A_433 : vector<16xi32> -> vector<16xf32>
        %and3A_435 = arith.constant -65536 : i32
        %and3A_436 = vector.broadcast %and3A_435 : i32 to vector<16xi32>
        %and3A_437 = arith.andi %get3A_430, %and3A_436 : vector<16xi32>
        %bitcast_convert_type3A_438 = tpu.bitcast %and3A_437 : vector<16xi32> -> vector<16xf32>
        %add3A_439 = arith.constant 100 : i32
        %add3A_440 = arith.addi %add3A_439, %add3A_381 : i32
        %get3A_441 = arith.index_cast %add3A_440 : i32 to index
        %get3A_442 = arith.constant 16 : index
        %get3A_443 = tpu.vector_load %arg7[%get3A_441, %get3A_442] {strides = array<i32>} : memref<200x64xi32, #tpu.memory_space<vmem>>, vector<1x16xi32>,
        %get3A_444 = vector.shape_cast %get3A_443 : vector<1x16xi32> to vector<16xi32>
        %shift_left3A_445 = arith.constant 16 : i32
        %shift_left3A_446 = vector.broadcast %shift_left3A_445 : i32 to vector<16xi32>
        %shift_left3A_447 = arith.shli %get3A_444, %shift_left3A_446 : vector<16xi32>
        %bitcast_convert_type3A_448 = tpu.bitcast %shift_left3A_447 : vector<16xi32> -> vector<16xf32>
        %and3A_449 = arith.constant -65536 : i32
        %and3A_450 = vector.broadcast %and3A_449 : i32 to vector<16xi32>
        %and3A_451 = arith.andi %get3A_444, %and3A_450 : vector<16xi32>
        %bitcast_convert_type3A_452 = tpu.bitcast %and3A_451 : vector<16xi32> -> vector<16xf32>
        %add3A_453 = arith.addf %bitcast_convert_type3A_434, %bitcast_convert_type3A_448 : vector<16xf32>
        %swap3A_454 = arith.constant 0 : i32
        %swap3A_455 = arith.constant 1 : i32
        %swap3A_456 = arith.index_cast %swap3A_454 : i32 to index
        %swap3A_457 = arith.index_cast %swap3A_455 : i32 to index
        %swap3A_458 = arith.index_cast %add3A_381 : i32 to index
        %swap3A_459 = arith.constant 16 : index
        %swap3A_460 = tpu.vector_load %arg9[%swap3A_456, %swap3A_457, %swap3A_458, %swap3A_459] {strides = array<i32>} : memref<2x2x100x128xf32, #tpu.memory_space<vmem>>, vector<1x1x1x16xf32>,
        %swap3A_461 = vector.shape_cast %swap3A_460 : vector<1x1x1x16xf32> to vector<16xf32>
        %swap3A_462 = vector.shape_cast %add3A_453 : vector<16xf32> to vector<1x1x1x16xf32>
        tpu.vector_store %arg9[%swap3A_456, %swap3A_457, %swap3A_458, %swap3A_459], %swap3A_462 {strides = array<i32>} : memref<2x2x100x128xf32, #tpu.memory_space<vmem>>, vector<1x1x1x16xf32>,
        %add3A_463 = arith.addf %bitcast_convert_type3A_438, %bitcast_convert_type3A_452 : vector<16xf32>
        %swap3A_464 = arith.constant 0 : i32
        %swap3A_465 = arith.constant 1 : i32
        %swap3A_466 = arith.index_cast %swap3A_464 : i32 to index
        %swap3A_467 = arith.index_cast %swap3A_465 : i32 to index
        %swap3A_468 = arith.index_cast %add3A_381 : i32 to index
        %swap3A_469 = arith.constant 80 : index
        %swap3A_470 = tpu.vector_load %arg9[%swap3A_466, %swap3A_467, %swap3A_468, %swap3A_469] {strides = array<i32>} : memref<2x2x100x128xf32, #tpu.memory_space<vmem>>, vector<1x1x1x16xf32>,
        %swap3A_471 = vector.shape_cast %swap3A_470 : vector<1x1x1x16xf32> to vector<16xf32>
        %swap3A_472 = vector.shape_cast %add3A_463 : vector<16xf32> to vector<1x1x1x16xf32>
        tpu.vector_store %arg9[%swap3A_466, %swap3A_467, %swap3A_468, %swap3A_469], %swap3A_472 {strides = array<i32>} : memref<2x2x100x128xf32, #tpu.memory_space<vmem>>, vector<1x1x1x16xf32>,
        %get3A_473 = arith.constant 1 : i32
        %get3A_474 = arith.index_cast %get3A_473 : i32 to index
        %get3A_475 = arith.index_cast %add3A_381 : i32 to index
        %get3A_476 = arith.constant 32 : index
        %get3A_477 = tpu.vector_load %arg8[%get3A_474, %get3A_475, %get3A_476] {strides = array<i32>} : memref<2x104x64xi32, #tpu.memory_space<vmem>>, vector<1x1x16xi32>,
        %get3A_478 = vector.shape_cast %get3A_477 : vector<1x1x16xi32> to vector<16xi32>
        %shift_left3A_479 = arith.constant 16 : i32
        %shift_left3A_480 = vector.broadcast %shift_left3A_479 : i32 to vector<16xi32>
        %shift_left3A_481 = arith.shli %get3A_478, %shift_left3A_480 : vector<16xi32>
        %bitcast_convert_type3A_482 = tpu.bitcast %shift_left3A_481 : vector<16xi32> -> vector<16xf32>
        %and3A_483 = arith.constant -65536 : i32
        %and3A_484 = vector.broadcast %and3A_483 : i32 to vector<16xi32>
        %and3A_485 = arith.andi %get3A_478, %and3A_484 : vector<16xi32>
        %bitcast_convert_type3A_486 = tpu.bitcast %and3A_485 : vector<16xi32> -> vector<16xf32>
        %add3A_487 = arith.constant 100 : i32
        %add3A_488 = arith.addi %add3A_487, %add3A_381 : i32
        %get3A_489 = arith.index_cast %add3A_488 : i32 to index
        %get3A_490 = arith.constant 32 : index
        %get3A_491 = tpu.vector_load %arg7[%get3A_489, %get3A_490] {strides = array<i32>} : memref<200x64xi32, #tpu.memory_space<vmem>>, vector<1x16xi32>,
        %get3A_492 = vector.shape_cast %get3A_491 : vector<1x16xi32> to vector<16xi32>
        %shift_left3A_493 = arith.constant 16 : i32
        %shift_left3A_494 = vector.broadcast %shift_left3A_493 : i32 to vector<16xi32>
        %shift_left3A_495 = arith.shli %get3A_492, %shift_left3A_494 : vector<16xi32>
        %bitcast_convert_type3A_496 = tpu.bitcast %shift_left3A_495 : vector<16xi32> -> vector<16xf32>
        %and3A_497 = arith.constant -65536 : i32
        %and3A_498 = vector.broadcast %and3A_497 : i32 to vector<16xi32>
        %and3A_499 = arith.andi %get3A_492, %and3A_498 : vector<16xi32>
        %bitcast_convert_type3A_500 = tpu.bitcast %and3A_499 : vector<16xi32> -> vector<16xf32>
        %add3A_501 = arith.addf %bitcast_convert_type3A_482, %bitcast_convert_type3A_496 : vector<16xf32>
        %swap3A_502 = arith.constant 0 : i32
        %swap3A_503 = arith.constant 1 : i32
        %swap3A_504 = arith.index_cast %swap3A_502 : i32 to index
        %swap3A_505 = arith.index_cast %swap3A_503 : i32 to index
        %swap3A_506 = arith.index_cast %add3A_381 : i32 to index
        %swap3A_507 = arith.constant 32 : index
        %swap3A_508 = tpu.vector_load %arg9[%swap3A_504, %swap3A_505, %swap3A_506, %swap3A_507] {strides = array<i32>} : memref<2x2x100x128xf32, #tpu.memory_space<vmem>>, vector<1x1x1x16xf32>,
        %swap3A_509 = vector.shape_cast %swap3A_508 : vector<1x1x1x16xf32> to vector<16xf32>
        %swap3A_510 = vector.shape_cast %add3A_501 : vector<16xf32> to vector<1x1x1x16xf32>
        tpu.vector_store %arg9[%swap3A_504, %swap3A_505, %swap3A_506, %swap3A_507], %swap3A_510 {strides = array<i32>} : memref<2x2x100x128xf32, #tpu.memory_space<vmem>>, vector<1x1x1x16xf32>,
        %add3A_511 = arith.addf %bitcast_convert_type3A_486, %bitcast_convert_type3A_500 : vector<16xf32>
        %swap3A_512 = arith.constant 0 : i32
        %swap3A_513 = arith.constant 1 : i32
        %swap3A_514 = arith.index_cast %swap3A_512 : i32 to index
        %swap3A_515 = arith.index_cast %swap3A_513 : i32 to index
        %swap3A_516 = arith.index_cast %add3A_381 : i32 to index
        %swap3A_517 = arith.constant 96 : index
        %swap3A_518 = tpu.vector_load %arg9[%swap3A_514, %swap3A_515, %swap3A_516, %swap3A_517] {strides = array<i32>} : memref<2x2x100x128xf32, #tpu.memory_space<vmem>>, vector<1x1x1x16xf32>,
        %swap3A_519 = vector.shape_cast %swap3A_518 : vector<1x1x1x16xf32> to vector<16xf32>
        %swap3A_520 = vector.shape_cast %add3A_511 : vector<16xf32> to vector<1x1x1x16xf32>
        tpu.vector_store %arg9[%swap3A_514, %swap3A_515, %swap3A_516, %swap3A_517], %swap3A_520 {strides = array<i32>} : memref<2x2x100x128xf32, #tpu.memory_space<vmem>>, vector<1x1x1x16xf32>,
        %get3A_521 = arith.constant 1 : i32
        %get3A_522 = arith.index_cast %get3A_521 : i32 to index
        %get3A_523 = arith.index_cast %add3A_381 : i32 to index
        %get3A_524 = arith.constant 48 : index
        %get3A_525 = tpu.vector_load %arg8[%get3A_522, %get3A_523, %get3A_524] {strides = array<i32>} : memref<2x104x64xi32, #tpu.memory_space<vmem>>, vector<1x1x16xi32>,
        %get3A_526 = vector.shape_cast %get3A_525 : vector<1x1x16xi32> to vector<16xi32>
        %shift_left3A_527 = arith.constant 16 : i32
        %shift_left3A_528 = vector.broadcast %shift_left3A_527 : i32 to vector<16xi32>
        %shift_left3A_529 = arith.shli %get3A_526, %shift_left3A_528 : vector<16xi32>
        %bitcast_convert_type3A_530 = tpu.bitcast %shift_left3A_529 : vector<16xi32> -> vector<16xf32>
        %and3A_531 = arith.constant -65536 : i32
        %and3A_532 = vector.broadcast %and3A_531 : i32 to vector<16xi32>
        %and3A_533 = arith.andi %get3A_526, %and3A_532 : vector<16xi32>
        %bitcast_convert_type3A_534 = tpu.bitcast %and3A_533 : vector<16xi32> -> vector<16xf32>
        %add3A_535 = arith.constant 100 : i32
        %add3A_536 = arith.addi %add3A_535, %add3A_381 : i32
        %get3A_537 = arith.index_cast %add3A_536 : i32 to index
        %get3A_538 = arith.constant 48 : index
        %get3A_539 = tpu.vector_load %arg7[%get3A_537, %get3A_538] {strides = array<i32>} : memref<200x64xi32, #tpu.memory_space<vmem>>, vector<1x16xi32>,
        %get3A_540 = vector.shape_cast %get3A_539 : vector<1x16xi32> to vector<16xi32>
        %shift_left3A_541 = arith.constant 16 : i32
        %shift_left3A_542 = vector.broadcast %shift_left3A_541 : i32 to vector<16xi32>
        %shift_left3A_543 = arith.shli %get3A_540, %shift_left3A_542 : vector<16xi32>
        %bitcast_convert_type3A_544 = tpu.bitcast %shift_left3A_543 : vector<16xi32> -> vector<16xf32>
        %and3A_545 = arith.constant -65536 : i32
        %and3A_546 = vector.broadcast %and3A_545 : i32 to vector<16xi32>
        %and3A_547 = arith.andi %get3A_540, %and3A_546 : vector<16xi32>
        %bitcast_convert_type3A_548 = tpu.bitcast %and3A_547 : vector<16xi32> -> vector<16xf32>
        %add3A_549 = arith.addf %bitcast_convert_type3A_530, %bitcast_convert_type3A_544 : vector<16xf32>
        %swap3A_550 = arith.constant 0 : i32
        %swap3A_551 = arith.constant 1 : i32
        %swap3A_552 = arith.index_cast %swap3A_550 : i32 to index
        %swap3A_553 = arith.index_cast %swap3A_551 : i32 to index
        %swap3A_554 = arith.index_cast %add3A_381 : i32 to index
        %swap3A_555 = arith.constant 48 : index
        %swap3A_556 = tpu.vector_load %arg9[%swap3A_552, %swap3A_553, %swap3A_554, %swap3A_555] {strides = array<i32>} : memref<2x2x100x128xf32, #tpu.memory_space<vmem>>, vector<1x1x1x16xf32>,
        %swap3A_557 = vector.shape_cast %swap3A_556 : vector<1x1x1x16xf32> to vector<16xf32>
        %swap3A_558 = vector.shape_cast %add3A_549 : vector<16xf32> to vector<1x1x1x16xf32>
        tpu.vector_store %arg9[%swap3A_552, %swap3A_553, %swap3A_554, %swap3A_555], %swap3A_558 {strides = array<i32>} : memref<2x2x100x128xf32, #tpu.memory_space<vmem>>, vector<1x1x1x16xf32>,
        %add3A_559 = arith.addf %bitcast_convert_type3A_534, %bitcast_convert_type3A_548 : vector<16xf32>
        %swap3A_560 = arith.constant 0 : i32
        %swap3A_561 = arith.constant 1 : i32
        %swap3A_562 = arith.index_cast %swap3A_560 : i32 to index
        %swap3A_563 = arith.index_cast %swap3A_561 : i32 to index
        %swap3A_564 = arith.index_cast %add3A_381 : i32 to index
        %swap3A_565 = arith.constant 112 : index
        %swap3A_566 = tpu.vector_load %arg9[%swap3A_562, %swap3A_563, %swap3A_564, %swap3A_565] {strides = array<i32>} : memref<2x2x100x128xf32, #tpu.memory_space<vmem>>, vector<1x1x1x16xf32>,
        %swap3A_567 = vector.shape_cast %swap3A_566 : vector<1x1x1x16xf32> to vector<16xf32>
        %swap3A_568 = vector.shape_cast %add3A_559 : vector<16xf32> to vector<1x1x1x16xf32>
        tpu.vector_store %arg9[%swap3A_562, %swap3A_563, %swap3A_564, %swap3A_565], %swap3A_568 {strides = array<i32>} : memref<2x2x100x128xf32, #tpu.memory_space<vmem>>, vector<1x1x1x16xf32>,
        %mul3A_569 = arith.constant 2 : i32
        %mul3A_570 = arith.muli %scan3A_376, %mul3A_569 : i32
        %add3A_571 = arith.constant 1 : i32
        %add3A_572 = arith.addi %mul3A_570, %add3A_571 : i32
        %get3A_573 = arith.constant 1 : i32
        %get3A_574 = arith.index_cast %get3A_573 : i32 to index
        %get3A_575 = arith.index_cast %add3A_572 : i32 to index
        %get3A_576 = arith.constant 0 : index
        %get3A_577 = tpu.vector_load %arg8[%get3A_574, %get3A_575, %get3A_576] {strides = array<i32>} : memref<2x104x64xi32, #tpu.memory_space<vmem>>, vector<1x1x16xi32>,
        %get3A_578 = vector.shape_cast %get3A_577 : vector<1x1x16xi32> to vector<16xi32>
        %shift_left3A_579 = arith.constant 16 : i32
        %shift_left3A_580 = vector.broadcast %shift_left3A_579 : i32 to vector<16xi32>
        %shift_left3A_581 = arith.shli %get3A_578, %shift_left3A_580 : vector<16xi32>
        %bitcast_convert_type3A_582 = tpu.bitcast %shift_left3A_581 : vector<16xi32> -> vector<16xf32>
        %and3A_583 = arith.constant -65536 : i32
        %and3A_584 = vector.broadcast %and3A_583 : i32 to vector<16xi32>
        %and3A_585 = arith.andi %get3A_578, %and3A_584 : vector<16xi32>
        %bitcast_convert_type3A_586 = tpu.bitcast %and3A_585 : vector<16xi32> -> vector<16xf32>
        %add3A_587 = arith.constant 100 : i32
        %add3A_588 = arith.addi %add3A_587, %add3A_572 : i32
        %get3A_589 = arith.index_cast %add3A_588 : i32 to index
        %get3A_590 = arith.constant 0 : index
        %get3A_591 = tpu.vector_load %arg7[%get3A_589, %get3A_590] {strides = array<i32>} : memref<200x64xi32, #tpu.memory_space<vmem>>, vector<1x16xi32>,
        %get3A_592 = vector.shape_cast %get3A_591 : vector<1x16xi32> to vector<16xi32>
        %shift_left3A_593 = arith.constant 16 : i32
        %shift_left3A_594 = vector.broadcast %shift_left3A_593 : i32 to vector<16xi32>
        %shift_left3A_595 = arith.shli %get3A_592, %shift_left3A_594 : vector<16xi32>
        %bitcast_convert_type3A_596 = tpu.bitcast %shift_left3A_595 : vector<16xi32> -> vector<16xf32>
        %and3A_597 = arith.constant -65536 : i32
        %and3A_598 = vector.broadcast %and3A_597 : i32 to vector<16xi32>
        %and3A_599 = arith.andi %get3A_592, %and3A_598 : vector<16xi32>
        %bitcast_convert_type3A_600 = tpu.bitcast %and3A_599 : vector<16xi32> -> vector<16xf32>
        %add3A_601 = arith.addf %bitcast_convert_type3A_582, %bitcast_convert_type3A_596 : vector<16xf32>
        %swap3A_602 = arith.constant 0 : i32
        %swap3A_603 = arith.constant 1 : i32
        %swap3A_604 = arith.index_cast %swap3A_602 : i32 to index
        %swap3A_605 = arith.index_cast %swap3A_603 : i32 to index
        %swap3A_606 = arith.index_cast %add3A_572 : i32 to index
        %swap3A_607 = arith.constant 0 : index
        %swap3A_608 = tpu.vector_load %arg9[%swap3A_604, %swap3A_605, %swap3A_606, %swap3A_607] {strides = array<i32>} : memref<2x2x100x128xf32, #tpu.memory_space<vmem>>, vector<1x1x1x16xf32>,
        %swap3A_609 = vector.shape_cast %swap3A_608 : vector<1x1x1x16xf32> to vector<16xf32>
        %swap3A_610 = vector.shape_cast %add3A_601 : vector<16xf32> to vector<1x1x1x16xf32>
        tpu.vector_store %arg9[%swap3A_604, %swap3A_605, %swap3A_606, %swap3A_607], %swap3A_610 {strides = array<i32>} : memref<2x2x100x128xf32, #tpu.memory_space<vmem>>, vector<1x1x1x16xf32>,
        %add3A_611 = arith.addf %bitcast_convert_type3A_586, %bitcast_convert_type3A_600 : vector<16xf32>
        %swap3A_612 = arith.constant 0 : i32
        %swap3A_613 = arith.constant 1 : i32
        %swap3A_614 = arith.index_cast %swap3A_612 : i32 to index
        %swap3A_615 = arith.index_cast %swap3A_613 : i32 to index
        %swap3A_616 = arith.index_cast %add3A_572 : i32 to index
        %swap3A_617 = arith.constant 64 : index
        %swap3A_618 = tpu.vector_load %arg9[%swap3A_614, %swap3A_615, %swap3A_616, %swap3A_617] {strides = array<i32>} : memref<2x2x100x128xf32, #tpu.memory_space<vmem>>, vector<1x1x1x16xf32>,
        %swap3A_619 = vector.shape_cast %swap3A_618 : vector<1x1x1x16xf32> to vector<16xf32>
        %swap3A_620 = vector.shape_cast %add3A_611 : vector<16xf32> to vector<1x1x1x16xf32>
        tpu.vector_store %arg9[%swap3A_614, %swap3A_615, %swap3A_616, %swap3A_617], %swap3A_620 {strides = array<i32>} : memref<2x2x100x128xf32, #tpu.memory_space<vmem>>, vector<1x1x1x16xf32>,
        %get3A_621 = arith.constant 1 : i32
        %get3A_622 = arith.index_cast %get3A_621 : i32 to index
        %get3A_623 = arith.index_cast %add3A_572 : i32 to index
        %get3A_624 = arith.constant 16 : index
        %get3A_625 = tpu.vector_load %arg8[%get3A_622, %get3A_623, %get3A_624] {strides = array<i32>} : memref<2x104x64xi32, #tpu.memory_space<vmem>>, vector<1x1x16xi32>,
        %get3A_626 = vector.shape_cast %get3A_625 : vector<1x1x16xi32> to vector<16xi32>
        %shift_left3A_627 = arith.constant 16 : i32
        %shift_left3A_628 = vector.broadcast %shift_left3A_627 : i32 to vector<16xi32>
        %shift_left3A_629 = arith.shli %get3A_626, %shift_left3A_628 : vector<16xi32>
        %bitcast_convert_type3A_630 = tpu.bitcast %shift_left3A_629 : vector<16xi32> -> vector<16xf32>
        %and3A_631 = arith.constant -65536 : i32
        %and3A_632 = vector.broadcast %and3A_631 : i32 to vector<16xi32>
        %and3A_633 = arith.andi %get3A_626, %and3A_632 : vector<16xi32>
        %bitcast_convert_type3A_634 = tpu.bitcast %and3A_633 : vector<16xi32> -> vector<16xf32>
        %add3A_635 = arith.constant 100 : i32
        %add3A_636 = arith.addi %add3A_635, %add3A_572 : i32
        %get3A_637 = arith.index_cast %add3A_636 : i32 to index
        %get3A_638 = arith.constant 16 : index
        %get3A_639 = tpu.vector_load %arg7[%get3A_637, %get3A_638] {strides = array<i32>} : memref<200x64xi32, #tpu.memory_space<vmem>>, vector<1x16xi32>,
        %get3A_640 = vector.shape_cast %get3A_639 : vector<1x16xi32> to vector<16xi32>
        %shift_left3A_641 = arith.constant 16 : i32
        %shift_left3A_642 = vector.broadcast %shift_left3A_641 : i32 to vector<16xi32>
        %shift_left3A_643 = arith.shli %get3A_640, %shift_left3A_642 : vector<16xi32>
        %bitcast_convert_type3A_644 = tpu.bitcast %shift_left3A_643 : vector<16xi32> -> vector<16xf32>
        %and3A_645 = arith.constant -65536 : i32
        %and3A_646 = vector.broadcast %and3A_645 : i32 to vector<16xi32>
        %and3A_647 = arith.andi %get3A_640, %and3A_646 : vector<16xi32>
        %bitcast_convert_type3A_648 = tpu.bitcast %and3A_647 : vector<16xi32> -> vector<16xf32>
        %add3A_649 = arith.addf %bitcast_convert_type3A_630, %bitcast_convert_type3A_644 : vector<16xf32>
        %swap3A_650 = arith.constant 0 : i32
        %swap3A_651 = arith.constant 1 : i32
        %swap3A_652 = arith.index_cast %swap3A_650 : i32 to index
        %swap3A_653 = arith.index_cast %swap3A_651 : i32 to index
        %swap3A_654 = arith.index_cast %add3A_572 : i32 to index
        %swap3A_655 = arith.constant 16 : index
        %swap3A_656 = tpu.vector_load %arg9[%swap3A_652, %swap3A_653, %swap3A_654, %swap3A_655] {strides = array<i32>} : memref<2x2x100x128xf32, #tpu.memory_space<vmem>>, vector<1x1x1x16xf32>,
        %swap3A_657 = vector.shape_cast %swap3A_656 : vector<1x1x1x16xf32> to vector<16xf32>
        %swap3A_658 = vector.shape_cast %add3A_649 : vector<16xf32> to vector<1x1x1x16xf32>
        tpu.vector_store %arg9[%swap3A_652, %swap3A_653, %swap3A_654, %swap3A_655], %swap3A_658 {strides = array<i32>} : memref<2x2x100x128xf32, #tpu.memory_space<vmem>>, vector<1x1x1x16xf32>,
        %add3A_659 = arith.addf %bitcast_convert_type3A_634, %bitcast_convert_type3A_648 : vector<16xf32>
        %swap3A_660 = arith.constant 0 : i32
        %swap3A_661 = arith.constant 1 : i32
        %swap3A_662 = arith.index_cast %swap3A_660 : i32 to index
        %swap3A_663 = arith.index_cast %swap3A_661 : i32 to index
        %swap3A_664 = arith.index_cast %add3A_572 : i32 to index
        %swap3A_665 = arith.constant 80 : index
        %swap3A_666 = tpu.vector_load %arg9[%swap3A_662, %swap3A_663, %swap3A_664, %swap3A_665] {strides = array<i32>} : memref<2x2x100x128xf32, #tpu.memory_space<vmem>>, vector<1x1x1x16xf32>,
        %swap3A_667 = vector.shape_cast %swap3A_666 : vector<1x1x1x16xf32> to vector<16xf32>
        %swap3A_668 = vector.shape_cast %add3A_659 : vector<16xf32> to vector<1x1x1x16xf32>
        tpu.vector_store %arg9[%swap3A_662, %swap3A_663, %swap3A_664, %swap3A_665], %swap3A_668 {strides = array<i32>} : memref<2x2x100x128xf32, #tpu.memory_space<vmem>>, vector<1x1x1x16xf32>,
        %get3A_669 = arith.constant 1 : i32
        %get3A_670 = arith.index_cast %get3A_669 : i32 to index
        %get3A_671 = arith.index_cast %add3A_572 : i32 to index
        %get3A_672 = arith.constant 32 : index
        %get3A_673 = tpu.vector_load %arg8[%get3A_670, %get3A_671, %get3A_672] {strides = array<i32>} : memref<2x104x64xi32, #tpu.memory_space<vmem>>, vector<1x1x16xi32>,
        %get3A_674 = vector.shape_cast %get3A_673 : vector<1x1x16xi32> to vector<16xi32>
        %shift_left3A_675 = arith.constant 16 : i32
        %shift_left3A_676 = vector.broadcast %shift_left3A_675 : i32 to vector<16xi32>
        %shift_left3A_677 = arith.shli %get3A_674, %shift_left3A_676 : vector<16xi32>
        %bitcast_convert_type3A_678 = tpu.bitcast %shift_left3A_677 : vector<16xi32> -> vector<16xf32>
        %and3A_679 = arith.constant -65536 : i32
        %and3A_680 = vector.broadcast %and3A_679 : i32 to vector<16xi32>
        %and3A_681 = arith.andi %get3A_674, %and3A_680 : vector<16xi32>
        %bitcast_convert_type3A_682 = tpu.bitcast %and3A_681 : vector<16xi32> -> vector<16xf32>
        %add3A_683 = arith.constant 100 : i32
        %add3A_684 = arith.addi %add3A_683, %add3A_572 : i32
        %get3A_685 = arith.index_cast %add3A_684 : i32 to index
        %get3A_686 = arith.constant 32 : index
        %get3A_687 = tpu.vector_load %arg7[%get3A_685, %get3A_686] {strides = array<i32>} : memref<200x64xi32, #tpu.memory_space<vmem>>, vector<1x16xi32>,
        %get3A_688 = vector.shape_cast %get3A_687 : vector<1x16xi32> to vector<16xi32>
        %shift_left3A_689 = arith.constant 16 : i32
        %shift_left3A_690 = vector.broadcast %shift_left3A_689 : i32 to vector<16xi32>
        %shift_left3A_691 = arith.shli %get3A_688, %shift_left3A_690 : vector<16xi32>
        %bitcast_convert_type3A_692 = tpu.bitcast %shift_left3A_691 : vector<16xi32> -> vector<16xf32>
        %and3A_693 = arith.constant -65536 : i32
        %and3A_694 = vector.broadcast %and3A_693 : i32 to vector<16xi32>
        %and3A_695 = arith.andi %get3A_688, %and3A_694 : vector<16xi32>
        %bitcast_convert_type3A_696 = tpu.bitcast %and3A_695 : vector<16xi32> -> vector<16xf32>
        %add3A_697 = arith.addf %bitcast_convert_type3A_678, %bitcast_convert_type3A_692 : vector<16xf32>
        %swap3A_698 = arith.constant 0 : i32
        %swap3A_699 = arith.constant 1 : i32
        %swap3A_700 = arith.index_cast %swap3A_698 : i32 to index
        %swap3A_701 = arith.index_cast %swap3A_699 : i32 to index
        %swap3A_702 = arith.index_cast %add3A_572 : i32 to index
        %swap3A_703 = arith.constant 32 : index
        %swap3A_704 = tpu.vector_load %arg9[%swap3A_700, %swap3A_701, %swap3A_702, %swap3A_703] {strides = array<i32>} : memref<2x2x100x128xf32, #tpu.memory_space<vmem>>, vector<1x1x1x16xf32>,
        %swap3A_705 = vector.shape_cast %swap3A_704 : vector<1x1x1x16xf32> to vector<16xf32>
        %swap3A_706 = vector.shape_cast %add3A_697 : vector<16xf32> to vector<1x1x1x16xf32>
        tpu.vector_store %arg9[%swap3A_700, %swap3A_701, %swap3A_702, %swap3A_703], %swap3A_706 {strides = array<i32>} : memref<2x2x100x128xf32, #tpu.memory_space<vmem>>, vector<1x1x1x16xf32>,
        %add3A_707 = arith.addf %bitcast_convert_type3A_682, %bitcast_convert_type3A_696 : vector<16xf32>
        %swap3A_708 = arith.constant 0 : i32
        %swap3A_709 = arith.constant 1 : i32
        %swap3A_710 = arith.index_cast %swap3A_708 : i32 to index
        %swap3A_711 = arith.index_cast %swap3A_709 : i32 to index
        %swap3A_712 = arith.index_cast %add3A_572 : i32 to index
        %swap3A_713 = arith.constant 96 : index
        %swap3A_714 = tpu.vector_load %arg9[%swap3A_710, %swap3A_711, %swap3A_712, %swap3A_713] {strides = array<i32>} : memref<2x2x100x128xf32, #tpu.memory_space<vmem>>, vector<1x1x1x16xf32>,
        %swap3A_715 = vector.shape_cast %swap3A_714 : vector<1x1x1x16xf32> to vector<16xf32>
        %swap3A_716 = vector.shape_cast %add3A_707 : vector<16xf32> to vector<1x1x1x16xf32>
        tpu.vector_store %arg9[%swap3A_710, %swap3A_711, %swap3A_712, %swap3A_713], %swap3A_716 {strides = array<i32>} : memref<2x2x100x128xf32, #tpu.memory_space<vmem>>, vector<1x1x1x16xf32>,
        %get3A_717 = arith.constant 1 : i32
        %get3A_718 = arith.index_cast %get3A_717 : i32 to index
        %get3A_719 = arith.index_cast %add3A_572 : i32 to index
        %get3A_720 = arith.constant 48 : index
        %get3A_721 = tpu.vector_load %arg8[%get3A_718, %get3A_719, %get3A_720] {strides = array<i32>} : memref<2x104x64xi32, #tpu.memory_space<vmem>>, vector<1x1x16xi32>,
        %get3A_722 = vector.shape_cast %get3A_721 : vector<1x1x16xi32> to vector<16xi32>
        %shift_left3A_723 = arith.constant 16 : i32
        %shift_left3A_724 = vector.broadcast %shift_left3A_723 : i32 to vector<16xi32>
        %shift_left3A_725 = arith.shli %get3A_722, %shift_left3A_724 : vector<16xi32>
        %bitcast_convert_type3A_726 = tpu.bitcast %shift_left3A_725 : vector<16xi32> -> vector<16xf32>
        %and3A_727 = arith.constant -65536 : i32
        %and3A_728 = vector.broadcast %and3A_727 : i32 to vector<16xi32>
        %and3A_729 = arith.andi %get3A_722, %and3A_728 : vector<16xi32>
        %bitcast_convert_type3A_730 = tpu.bitcast %and3A_729 : vector<16xi32> -> vector<16xf32>
        %add3A_731 = arith.constant 100 : i32
        %add3A_732 = arith.addi %add3A_731, %add3A_572 : i32
        %get3A_733 = arith.index_cast %add3A_732 : i32 to index
        %get3A_734 = arith.constant 48 : index
        %get3A_735 = tpu.vector_load %arg7[%get3A_733, %get3A_734] {strides = array<i32>} : memref<200x64xi32, #tpu.memory_space<vmem>>, vector<1x16xi32>,
        %get3A_736 = vector.shape_cast %get3A_735 : vector<1x16xi32> to vector<16xi32>
        %shift_left3A_737 = arith.constant 16 : i32
        %shift_left3A_738 = vector.broadcast %shift_left3A_737 : i32 to vector<16xi32>
        %shift_left3A_739 = arith.shli %get3A_736, %shift_left3A_738 : vector<16xi32>
        %bitcast_convert_type3A_740 = tpu.bitcast %shift_left3A_739 : vector<16xi32> -> vector<16xf32>
        %and3A_741 = arith.constant -65536 : i32
        %and3A_742 = vector.broadcast %and3A_741 : i32 to vector<16xi32>
        %and3A_743 = arith.andi %get3A_736, %and3A_742 : vector<16xi32>
        %bitcast_convert_type3A_744 = tpu.bitcast %and3A_743 : vector<16xi32> -> vector<16xf32>
        %add3A_745 = arith.addf %bitcast_convert_type3A_726, %bitcast_convert_type3A_740 : vector<16xf32>
        %swap3A_746 = arith.constant 0 : i32
        %swap3A_747 = arith.constant 1 : i32
        %swap3A_748 = arith.index_cast %swap3A_746 : i32 to index
        %swap3A_749 = arith.index_cast %swap3A_747 : i32 to index
        %swap3A_750 = arith.index_cast %add3A_572 : i32 to index
        %swap3A_751 = arith.constant 48 : index
        %swap3A_752 = tpu.vector_load %arg9[%swap3A_748, %swap3A_749, %swap3A_750, %swap3A_751] {strides = array<i32>} : memref<2x2x100x128xf32, #tpu.memory_space<vmem>>, vector<1x1x1x16xf32>,
        %swap3A_753 = vector.shape_cast %swap3A_752 : vector<1x1x1x16xf32> to vector<16xf32>
        %swap3A_754 = vector.shape_cast %add3A_745 : vector<16xf32> to vector<1x1x1x16xf32>
        tpu.vector_store %arg9[%swap3A_748, %swap3A_749, %swap3A_750, %swap3A_751], %swap3A_754 {strides = array<i32>} : memref<2x2x100x128xf32, #tpu.memory_space<vmem>>, vector<1x1x1x16xf32>,
        %add3A_755 = arith.addf %bitcast_convert_type3A_730, %bitcast_convert_type3A_744 : vector<16xf32>
        %swap3A_756 = arith.constant 0 : i32
        %swap3A_757 = arith.constant 1 : i32
        %swap3A_758 = arith.index_cast %swap3A_756 : i32 to index
        %swap3A_759 = arith.index_cast %swap3A_757 : i32 to index
        %swap3A_760 = arith.index_cast %add3A_572 : i32 to index
        %swap3A_761 = arith.constant 112 : index
        %swap3A_762 = tpu.vector_load %arg9[%swap3A_758, %swap3A_759, %swap3A_760, %swap3A_761] {strides = array<i32>} : memref<2x2x100x128xf32, #tpu.memory_space<vmem>>, vector<1x1x1x16xf32>,
        %swap3A_763 = vector.shape_cast %swap3A_762 : vector<1x1x1x16xf32> to vector<16xf32>
        %swap3A_764 = vector.shape_cast %add3A_755 : vector<16xf32> to vector<1x1x1x16xf32>
        tpu.vector_store %arg9[%swap3A_758, %swap3A_759, %swap3A_760, %swap3A_761], %swap3A_764 {strides = array<i32>} : memref<2x2x100x128xf32, #tpu.memory_space<vmem>>, vector<1x1x1x16xf32>,
        %scan3A_765 = arith.constant 0 : i32
        scf.yield %scan3A_765 : i32
      }
      %scan3A_153 = arith.constant 50 : i32
      %ge3A_154 = arith.constant 2 : i32
      %ge3A_155 = arith.cmpi sge, %add3A_128, %ge3A_154 : i32
      %convert_element_type3A_156 = arith.extui %ge3A_155 : i1 to i32
      %cond3A_157 = arith.constant 0 : i32
      %cond3A_158 = arith.cmpi ne, %convert_element_type3A_156, %cond3A_157 : i32
      scf.if %cond3A_158 {
        %sub3A = arith.constant 2 : i32
        %sub3A_376 = arith.subi %add3A_128, %sub3A : i32
        %add3A_377 = arith.addi %mul3A_2, %sub3A_376 : i32
        %dma_wait3A_378 = arith.constant 1 : i32
        %dma_wait3A_379 = arith.constant 0 : i32
        %dma_wait3A_380 = arith.constant 0 : i32
        %dma_wait3A_381 = tpu.memref_slice %arg5[%add3A_377, %dma_wait3A_379, %dma_wait3A_380] : memref<8192x100x128xf32, #tpu.memory_space<hbm>> -> memref<1x100x128xf32, #tpu.memory_space<hbm>>
        %dma_wait3A_382 = tpu.memref_squeeze %dma_wait3A_381 : memref<1x100x128xf32, #tpu.memory_space<hbm>> -> memref<100x128xf32, #tpu.memory_space<hbm>>
        %dma_wait3A_383 = arith.constant 0 : i32
        %dma_wait3A_384 = arith.constant 0 : i32
        %dma_wait3A_385 = tpu.memref_slice %arg10[%arg1, %dma_wait3A_378, %dma_wait3A_383, %dma_wait3A_384] : memref<16x2x100x128xf32, #tpu.memory_space<vmem_shared>> -> memref<1x1x100x128xf32, #tpu.memory_space<vmem_shared>>
        %dma_wait3A_386 = tpu.memref_squeeze %dma_wait3A_385 : memref<1x1x100x128xf32, #tpu.memory_space<vmem_shared>> -> memref<100x128xf32, #tpu.memory_space<vmem_shared>>
        tpu.wait_dma2 semaphore(%arg14 : memref<!tpu.dma_semaphore, #tpu.memory_space<semaphore_mem>>) src(%dma_wait3A_386 : memref<100x128xf32, #tpu.memory_space<vmem_shared>>) dst(%dma_wait3A_382 : memref<100x128xf32, #tpu.memory_space<hbm>>)
      } else {
      }
      %dma_start3A_159 = arith.constant 0 : i32
      %dma_start3A_160 = arith.constant 1 : i32
      %dma_start3A_161 = arith.constant 1 : i32
      %dma_start3A_162 = arith.constant 0 : i32
      %dma_start3A_163 = arith.constant 0 : i32
      %dma_start3A_164 = tpu.memref_slice %arg9[%dma_start3A_159, %dma_start3A_160, %dma_start3A_162, %dma_start3A_163] : memref<2x2x100x128xf32, #tpu.memory_space<vmem>> -> memref<1x1x100x128xf32, #tpu.memory_space<vmem>>
      %dma_start3A_165 = tpu.memref_squeeze %dma_start3A_164 : memref<1x1x100x128xf32, #tpu.memory_space<vmem>> -> memref<100x128xf32, #tpu.memory_space<vmem>>
      %dma_start3A_166 = arith.constant 0 : i32
      %dma_start3A_167 = arith.constant 0 : i32
      %dma_start3A_168 = tpu.memref_slice %arg10[%arg1, %dma_start3A_161, %dma_start3A_166, %dma_start3A_167] : memref<16x2x100x128xf32, #tpu.memory_space<vmem_shared>> -> memref<1x1x100x128xf32, #tpu.memory_space<vmem_shared>>
      %dma_start3A_169 = tpu.memref_squeeze %dma_start3A_168 : memref<1x1x100x128xf32, #tpu.memory_space<vmem_shared>> -> memref<100x128xf32, #tpu.memory_space<vmem_shared>>
      %dma_start3A_170 = arith.constant 0 : i32
      %dma_start3A_171 = arith.constant 0 : i32
      %dma_start3A_172 = tpu.memref_slice %arg10[%arg1, %dma_start3A_161, %dma_start3A_170, %dma_start3A_171] : memref<16x2x100x128xf32, #tpu.memory_space<vmem_shared>> -> memref<1x1x100x128xf32, #tpu.memory_space<vmem_shared>>
      %dma_start3A_173 = tpu.memref_squeeze %dma_start3A_172 : memref<1x1x100x128xf32, #tpu.memory_space<vmem_shared>> -> memref<100x128xf32, #tpu.memory_space<vmem_shared>>
      %dma_start3A_174 = arith.constant 0 : i32
      %dma_start3A_175 = arith.constant 0 : i32
      %dma_start3A_176 = tpu.memref_slice %arg9[%dma_start3A_159, %dma_start3A_160, %dma_start3A_174, %dma_start3A_175] : memref<2x2x100x128xf32, #tpu.memory_space<vmem>> -> memref<1x1x100x128xf32, #tpu.memory_space<vmem>>
      %dma_start3A_177 = tpu.memref_squeeze %dma_start3A_176 : memref<1x1x100x128xf32, #tpu.memory_space<vmem>> -> memref<100x128xf32, #tpu.memory_space<vmem>>
      tpu.enqueue_dma source(%dma_start3A_177 : memref<100x128xf32, #tpu.memory_space<vmem>>) target(%dma_start3A_173 : memref<100x128xf32, #tpu.memory_space<vmem_shared>>) target_semaphore(%arg16 : memref<!tpu.dma_semaphore, #tpu.memory_space<semaphore_mem>>)
      %dma_wait3A_178 = arith.constant 0 : i32
      %dma_wait3A_179 = arith.constant 1 : i32
      %dma_wait3A_180 = arith.constant 1 : i32
      %dma_wait3A_181 = arith.constant 0 : i32
      %dma_wait3A_182 = arith.constant 0 : i32
      %dma_wait3A_183 = tpu.memref_slice %arg9[%dma_wait3A_178, %dma_wait3A_179, %dma_wait3A_181, %dma_wait3A_182] : memref<2x2x100x128xf32, #tpu.memory_space<vmem>> -> memref<1x1x100x128xf32, #tpu.memory_space<vmem>>
      %dma_wait3A_184 = tpu.memref_squeeze %dma_wait3A_183 : memref<1x1x100x128xf32, #tpu.memory_space<vmem>> -> memref<100x128xf32, #tpu.memory_space<vmem>>
      %dma_wait3A_185 = arith.constant 0 : i32
      %dma_wait3A_186 = arith.constant 0 : i32
      %dma_wait3A_187 = tpu.memref_slice %arg10[%arg1, %dma_wait3A_180, %dma_wait3A_185, %dma_wait3A_186] : memref<16x2x100x128xf32, #tpu.memory_space<vmem_shared>> -> memref<1x1x100x128xf32, #tpu.memory_space<vmem_shared>>
      %dma_wait3A_188 = tpu.memref_squeeze %dma_wait3A_187 : memref<1x1x100x128xf32, #tpu.memory_space<vmem_shared>> -> memref<100x128xf32, #tpu.memory_space<vmem_shared>>
      %dma_wait3A_189 = arith.constant 0 : i32
      %dma_wait3A_190 = arith.constant 0 : i32
      %dma_wait3A_191 = tpu.memref_slice %arg10[%arg1, %dma_wait3A_180, %dma_wait3A_189, %dma_wait3A_190] : memref<16x2x100x128xf32, #tpu.memory_space<vmem_shared>> -> memref<1x1x100x128xf32, #tpu.memory_space<vmem_shared>>
      %dma_wait3A_192 = tpu.memref_squeeze %dma_wait3A_191 : memref<1x1x100x128xf32, #tpu.memory_space<vmem_shared>> -> memref<100x128xf32, #tpu.memory_space<vmem_shared>>
      %dma_wait3A_193 = arith.constant 0 : i32
      %dma_wait3A_194 = arith.constant 0 : i32
      %dma_wait3A_195 = tpu.memref_slice %arg9[%dma_wait3A_178, %dma_wait3A_179, %dma_wait3A_193, %dma_wait3A_194] : memref<2x2x100x128xf32, #tpu.memory_space<vmem>> -> memref<1x1x100x128xf32, #tpu.memory_space<vmem>>
      %dma_wait3A_196 = tpu.memref_squeeze %dma_wait3A_195 : memref<1x1x100x128xf32, #tpu.memory_space<vmem>> -> memref<100x128xf32, #tpu.memory_space<vmem>>
      tpu.wait_dma2 semaphore(%arg16 : memref<!tpu.dma_semaphore, #tpu.memory_space<semaphore_mem>>) src(%dma_wait3A_196 : memref<100x128xf32, #tpu.memory_space<vmem>>) dst(%dma_wait3A_192 : memref<100x128xf32, #tpu.memory_space<vmem_shared>>)
      %add3A_197 = arith.addi %mul3A_2, %add3A_128 : i32
      %dma_start3A_198 = arith.constant 1 : i32
      %dma_start3A_199 = arith.constant 0 : i32
      %dma_start3A_200 = arith.constant 0 : i32
      %dma_start3A_201 = tpu.memref_slice %arg5[%add3A_197, %dma_start3A_199, %dma_start3A_200] : memref<8192x100x128xf32, #tpu.memory_space<hbm>> -> memref<1x100x128xf32, #tpu.memory_space<hbm>>
      %dma_start3A_202 = tpu.memref_squeeze %dma_start3A_201 : memref<1x100x128xf32, #tpu.memory_space<hbm>> -> memref<100x128xf32, #tpu.memory_space<hbm>>
      %dma_start3A_203 = arith.constant 0 : i32
      %dma_start3A_204 = arith.constant 0 : i32
      %dma_start3A_205 = tpu.memref_slice %arg10[%arg1, %dma_start3A_198, %dma_start3A_203, %dma_start3A_204] : memref<16x2x100x128xf32, #tpu.memory_space<vmem_shared>> -> memref<1x1x100x128xf32, #tpu.memory_space<vmem_shared>>
      %dma_start3A_206 = tpu.memref_squeeze %dma_start3A_205 : memref<1x1x100x128xf32, #tpu.memory_space<vmem_shared>> -> memref<100x128xf32, #tpu.memory_space<vmem_shared>>
      tpu.enqueue_dma source(%dma_start3A_206 : memref<100x128xf32, #tpu.memory_space<vmem_shared>>) target(%dma_start3A_202 : memref<100x128xf32, #tpu.memory_space<hbm>>) target_semaphore(%arg14 : memref<!tpu.dma_semaphore, #tpu.memory_space<semaphore_mem>>)
      %mul3A_207 = arith.constant 2 : i32
      %mul3A_208 = arith.muli %scan3A_41, %mul3A_207 : i32
      %add3A_209 = arith.constant 1 : i32
      %add3A_210 = arith.addi %mul3A_208, %add3A_209 : i32
      %mul3A_211 = arith.constant 2 : i32
      %mul3A_212 = arith.muli %add3A_210, %mul3A_211 : i32
      %add3A_213 = arith.constant 0 : i32
      %add3A_214 = arith.addi %mul3A_212, %add3A_213 : i32
      %add3A_215 = arith.constant 1 : i32
      %add3A_216 = arith.addi %add3A_214, %add3A_215 : i32
      %lt3A_217 = arith.constant 256 : i32
      %lt3A_218 = arith.cmpi slt, %add3A_216, %lt3A_217 : i32
      %convert_element_type3A_219 = arith.extui %lt3A_218 : i1 to i32
      %cond3A_220 = arith.constant 0 : i32
      %cond3A_221 = arith.cmpi ne, %convert_element_type3A_219, %cond3A_220 : i32
      scf.if %cond3A_221 {
        %add3A_376 = arith.constant 1 : i32
        %add3A_377 = arith.addi %add3A_214, %add3A_376 : i32
        %dma_start3A_378 = arith.constant 1 : i32
        %dma_start3A_379 = arith.constant 0 : i32
        %dma_start3A_380 = arith.constant 0 : i32
        %dma_start3A_381 = tpu.memref_slice %arg8[%dma_start3A_378, %dma_start3A_379, %dma_start3A_380] : memref<2x104x64xi32, #tpu.memory_space<vmem>> -> memref<1x104x64xi32, #tpu.memory_space<vmem>>
        %dma_start3A_382 = tpu.memref_squeeze %dma_start3A_381 : memref<1x104x64xi32, #tpu.memory_space<vmem>> -> memref<104x64xi32, #tpu.memory_space<vmem>>
        %dma_start3A_383 = arith.constant 0 : i32
        %dma_start3A_384 = tpu.memref_slice %arg6[%add3A_377, %dma_start3A_383] : memref<256x104xi32, #tpu.memory_space<vmem>> -> memref<1x104xi32, #tpu.memory_space<vmem>>
        %dma_start3A_385 = tpu.memref_squeeze %dma_start3A_384 : memref<1x104xi32, #tpu.memory_space<vmem>> -> memref<104xi32, #tpu.memory_space<vmem>>
        %dma_start3A_386 = arith.constant 0 : i32
        %dma_start3A_387 = arith.constant 0 : i32
        %dma_start3A_388 = tpu.memref_slice %arg3[%dma_start3A_386, %dma_start3A_387] : memref<100000x64xi32, #tpu.memory_space<hbm>> -> memref<100000x64xi32, #tpu.memory_space<hbm>>
        tpu.enqueue_indirect_dma source(%dma_start3A_388 : memref<100000x64xi32, #tpu.memory_space<hbm>>) target(%dma_start3A_382 : memref<104x64xi32, #tpu.memory_space<vmem>>) offsets(%dma_start3A_385 : memref<104xi32, #tpu.memory_space<vmem>>) semaphore(%arg12 : memref<!tpu.dma_semaphore, #tpu.memory_space<semaphore_mem>>)
      } else {
      }
      %dma_wait3A_222 = arith.constant 0 : i32
      %dma_wait3A_223 = arith.constant 0 : i32
      %dma_wait3A_224 = arith.constant 0 : i32
      %dma_wait3A_225 = tpu.memref_slice %arg8[%dma_wait3A_222, %dma_wait3A_223, %dma_wait3A_224] : memref<2x104x64xi32, #tpu.memory_space<vmem>> -> memref<1x104x64xi32, #tpu.memory_space<vmem>>
      %dma_wait3A_226 = tpu.memref_squeeze %dma_wait3A_225 : memref<1x104x64xi32, #tpu.memory_space<vmem>> -> memref<104x64xi32, #tpu.memory_space<vmem>>
      %dma_wait3A_227 = arith.constant 0 : i32
      %dma_wait3A_228 = tpu.memref_slice %arg6[%add3A_214, %dma_wait3A_227] : memref<256x104xi32, #tpu.memory_space<vmem>> -> memref<1x104xi32, #tpu.memory_space<vmem>>
      %dma_wait3A_229 = tpu.memref_squeeze %dma_wait3A_228 : memref<1x104xi32, #tpu.memory_space<vmem>> -> memref<104xi32, #tpu.memory_space<vmem>>
      %dma_wait3A_230 = arith.constant 0 : i32
      %dma_wait3A_231 = arith.constant 0 : i32
      %dma_wait3A_232 = tpu.memref_slice %arg3[%dma_wait3A_230, %dma_wait3A_231] : memref<100000x64xi32, #tpu.memory_space<hbm>> -> memref<100000x64xi32, #tpu.memory_space<hbm>>
      tpu.wait_indirect_dma semaphore(%arg11 : memref<!tpu.dma_semaphore, #tpu.memory_space<semaphore_mem>>) src(%dma_wait3A_232 : memref<100000x64xi32, #tpu.memory_space<hbm>>) dst(%dma_wait3A_226 : memref<104x64xi32, #tpu.memory_space<vmem>>)
      %scan3A_233 = arith.constant 0 : i32
      %scan3A_234 = arith.constant 0 : i32
      %scan3A_235 = arith.constant 50 : i32
      %scan3A_236 = arith.addi %scan3A_234, %scan3A_235 : i32
      %scan3A_237 = arith.constant 1 : i32
      %scan3A_238 = scf.for %scan3A_376 = %scan3A_234 to %scan3A_236 step %scan3A_237 iter_args(%scan3A_377 = %scan3A_233) -> (i32)  : i32 {
        %mul3A_378 = arith.constant 2 : i32
        %mul3A_379 = arith.muli %scan3A_376, %mul3A_378 : i32
        %add3A_380 = arith.constant 0 : i32
        %add3A_381 = arith.addi %mul3A_379, %add3A_380 : i32
        %get3A = arith.constant 0 : i32
        %get3A_382 = arith.index_cast %get3A : i32 to index
        %get3A_383 = arith.index_cast %add3A_381 : i32 to index
        %get3A_384 = arith.constant 0 : index
        %get3A_385 = tpu.vector_load %arg8[%get3A_382, %get3A_383, %get3A_384] {strides = array<i32>} : memref<2x104x64xi32, #tpu.memory_space<vmem>>, vector<1x1x16xi32>,
        %get3A_386 = vector.shape_cast %get3A_385 : vector<1x1x16xi32> to vector<16xi32>
        %shift_left3A = arith.constant 16 : i32
        %shift_left3A_387 = vector.broadcast %shift_left3A : i32 to vector<16xi32>
        %shift_left3A_388 = arith.shli %get3A_386, %shift_left3A_387 : vector<16xi32>
        %bitcast_convert_type3A = tpu.bitcast %shift_left3A_388 : vector<16xi32> -> vector<16xf32>
        %and3A = arith.constant -65536 : i32
        %and3A_389 = vector.broadcast %and3A : i32 to vector<16xi32>
        %and3A_390 = arith.andi %get3A_386, %and3A_389 : vector<16xi32>
        %bitcast_convert_type3A_391 = tpu.bitcast %and3A_390 : vector<16xi32> -> vector<16xf32>
        %add3A_392 = arith.constant 0 : i32
        %add3A_393 = arith.addi %add3A_392, %add3A_381 : i32
        %get3A_394 = arith.index_cast %add3A_393 : i32 to index
        %get3A_395 = arith.constant 0 : index
        %get3A_396 = tpu.vector_load %arg7[%get3A_394, %get3A_395] {strides = array<i32>} : memref<200x64xi32, #tpu.memory_space<vmem>>, vector<1x16xi32>,
        %get3A_397 = vector.shape_cast %get3A_396 : vector<1x16xi32> to vector<16xi32>
        %shift_left3A_398 = arith.constant 16 : i32
        %shift_left3A_399 = vector.broadcast %shift_left3A_398 : i32 to vector<16xi32>
        %shift_left3A_400 = arith.shli %get3A_397, %shift_left3A_399 : vector<16xi32>
        %bitcast_convert_type3A_401 = tpu.bitcast %shift_left3A_400 : vector<16xi32> -> vector<16xf32>
        %and3A_402 = arith.constant -65536 : i32
        %and3A_403 = vector.broadcast %and3A_402 : i32 to vector<16xi32>
        %and3A_404 = arith.andi %get3A_397, %and3A_403 : vector<16xi32>
        %bitcast_convert_type3A_405 = tpu.bitcast %and3A_404 : vector<16xi32> -> vector<16xf32>
        %add3A_406 = arith.addf %bitcast_convert_type3A, %bitcast_convert_type3A_401 : vector<16xf32>
        %swap3A = arith.constant 1 : i32
        %swap3A_407 = arith.constant 0 : i32
        %swap3A_408 = arith.index_cast %swap3A : i32 to index
        %swap3A_409 = arith.index_cast %swap3A_407 : i32 to index
        %swap3A_410 = arith.index_cast %add3A_381 : i32 to index
        %swap3A_411 = arith.constant 0 : index
        %swap3A_412 = tpu.vector_load %arg9[%swap3A_408, %swap3A_409, %swap3A_410, %swap3A_411] {strides = array<i32>} : memref<2x2x100x128xf32, #tpu.memory_space<vmem>>, vector<1x1x1x16xf32>,
        %swap3A_413 = vector.shape_cast %swap3A_412 : vector<1x1x1x16xf32> to vector<16xf32>
        %swap3A_414 = vector.shape_cast %add3A_406 : vector<16xf32> to vector<1x1x1x16xf32>
        tpu.vector_store %arg9[%swap3A_408, %swap3A_409, %swap3A_410, %swap3A_411], %swap3A_414 {strides = array<i32>} : memref<2x2x100x128xf32, #tpu.memory_space<vmem>>, vector<1x1x1x16xf32>,
        %add3A_415 = arith.addf %bitcast_convert_type3A_391, %bitcast_convert_type3A_405 : vector<16xf32>
        %swap3A_416 = arith.constant 1 : i32
        %swap3A_417 = arith.constant 0 : i32
        %swap3A_418 = arith.index_cast %swap3A_416 : i32 to index
        %swap3A_419 = arith.index_cast %swap3A_417 : i32 to index
        %swap3A_420 = arith.index_cast %add3A_381 : i32 to index
        %swap3A_421 = arith.constant 64 : index
        %swap3A_422 = tpu.vector_load %arg9[%swap3A_418, %swap3A_419, %swap3A_420, %swap3A_421] {strides = array<i32>} : memref<2x2x100x128xf32, #tpu.memory_space<vmem>>, vector<1x1x1x16xf32>,
        %swap3A_423 = vector.shape_cast %swap3A_422 : vector<1x1x1x16xf32> to vector<16xf32>
        %swap3A_424 = vector.shape_cast %add3A_415 : vector<16xf32> to vector<1x1x1x16xf32>
        tpu.vector_store %arg9[%swap3A_418, %swap3A_419, %swap3A_420, %swap3A_421], %swap3A_424 {strides = array<i32>} : memref<2x2x100x128xf32, #tpu.memory_space<vmem>>, vector<1x1x1x16xf32>,
        %get3A_425 = arith.constant 0 : i32
        %get3A_426 = arith.index_cast %get3A_425 : i32 to index
        %get3A_427 = arith.index_cast %add3A_381 : i32 to index
        %get3A_428 = arith.constant 16 : index
        %get3A_429 = tpu.vector_load %arg8[%get3A_426, %get3A_427, %get3A_428] {strides = array<i32>} : memref<2x104x64xi32, #tpu.memory_space<vmem>>, vector<1x1x16xi32>,
        %get3A_430 = vector.shape_cast %get3A_429 : vector<1x1x16xi32> to vector<16xi32>
        %shift_left3A_431 = arith.constant 16 : i32
        %shift_left3A_432 = vector.broadcast %shift_left3A_431 : i32 to vector<16xi32>
        %shift_left3A_433 = arith.shli %get3A_430, %shift_left3A_432 : vector<16xi32>
        %bitcast_convert_type3A_434 = tpu.bitcast %shift_left3A_433 : vector<16xi32> -> vector<16xf32>
        %and3A_435 = arith.constant -65536 : i32
        %and3A_436 = vector.broadcast %and3A_435 : i32 to vector<16xi32>
        %and3A_437 = arith.andi %get3A_430, %and3A_436 : vector<16xi32>
        %bitcast_convert_type3A_438 = tpu.bitcast %and3A_437 : vector<16xi32> -> vector<16xf32>
        %add3A_439 = arith.constant 0 : i32
        %add3A_440 = arith.addi %add3A_439, %add3A_381 : i32
        %get3A_441 = arith.index_cast %add3A_440 : i32 to index
        %get3A_442 = arith.constant 16 : index
        %get3A_443 = tpu.vector_load %arg7[%get3A_441, %get3A_442] {strides = array<i32>} : memref<200x64xi32, #tpu.memory_space<vmem>>, vector<1x16xi32>,
        %get3A_444 = vector.shape_cast %get3A_443 : vector<1x16xi32> to vector<16xi32>
        %shift_left3A_445 = arith.constant 16 : i32
        %shift_left3A_446 = vector.broadcast %shift_left3A_445 : i32 to vector<16xi32>
        %shift_left3A_447 = arith.shli %get3A_444, %shift_left3A_446 : vector<16xi32>
        %bitcast_convert_type3A_448 = tpu.bitcast %shift_left3A_447 : vector<16xi32> -> vector<16xf32>
        %and3A_449 = arith.constant -65536 : i32
        %and3A_450 = vector.broadcast %and3A_449 : i32 to vector<16xi32>
        %and3A_451 = arith.andi %get3A_444, %and3A_450 : vector<16xi32>
        %bitcast_convert_type3A_452 = tpu.bitcast %and3A_451 : vector<16xi32> -> vector<16xf32>
        %add3A_453 = arith.addf %bitcast_convert_type3A_434, %bitcast_convert_type3A_448 : vector<16xf32>
        %swap3A_454 = arith.constant 1 : i32
        %swap3A_455 = arith.constant 0 : i32
        %swap3A_456 = arith.index_cast %swap3A_454 : i32 to index
        %swap3A_457 = arith.index_cast %swap3A_455 : i32 to index
        %swap3A_458 = arith.index_cast %add3A_381 : i32 to index
        %swap3A_459 = arith.constant 16 : index
        %swap3A_460 = tpu.vector_load %arg9[%swap3A_456, %swap3A_457, %swap3A_458, %swap3A_459] {strides = array<i32>} : memref<2x2x100x128xf32, #tpu.memory_space<vmem>>, vector<1x1x1x16xf32>,
        %swap3A_461 = vector.shape_cast %swap3A_460 : vector<1x1x1x16xf32> to vector<16xf32>
        %swap3A_462 = vector.shape_cast %add3A_453 : vector<16xf32> to vector<1x1x1x16xf32>
        tpu.vector_store %arg9[%swap3A_456, %swap3A_457, %swap3A_458, %swap3A_459], %swap3A_462 {strides = array<i32>} : memref<2x2x100x128xf32, #tpu.memory_space<vmem>>, vector<1x1x1x16xf32>,
        %add3A_463 = arith.addf %bitcast_convert_type3A_438, %bitcast_convert_type3A_452 : vector<16xf32>
        %swap3A_464 = arith.constant 1 : i32
        %swap3A_465 = arith.constant 0 : i32
        %swap3A_466 = arith.index_cast %swap3A_464 : i32 to index
        %swap3A_467 = arith.index_cast %swap3A_465 : i32 to index
        %swap3A_468 = arith.index_cast %add3A_381 : i32 to index
        %swap3A_469 = arith.constant 80 : index
        %swap3A_470 = tpu.vector_load %arg9[%swap3A_466, %swap3A_467, %swap3A_468, %swap3A_469] {strides = array<i32>} : memref<2x2x100x128xf32, #tpu.memory_space<vmem>>, vector<1x1x1x16xf32>,
        %swap3A_471 = vector.shape_cast %swap3A_470 : vector<1x1x1x16xf32> to vector<16xf32>
        %swap3A_472 = vector.shape_cast %add3A_463 : vector<16xf32> to vector<1x1x1x16xf32>
        tpu.vector_store %arg9[%swap3A_466, %swap3A_467, %swap3A_468, %swap3A_469], %swap3A_472 {strides = array<i32>} : memref<2x2x100x128xf32, #tpu.memory_space<vmem>>, vector<1x1x1x16xf32>,
        %get3A_473 = arith.constant 0 : i32
        %get3A_474 = arith.index_cast %get3A_473 : i32 to index
        %get3A_475 = arith.index_cast %add3A_381 : i32 to index
        %get3A_476 = arith.constant 32 : index
        %get3A_477 = tpu.vector_load %arg8[%get3A_474, %get3A_475, %get3A_476] {strides = array<i32>} : memref<2x104x64xi32, #tpu.memory_space<vmem>>, vector<1x1x16xi32>,
        %get3A_478 = vector.shape_cast %get3A_477 : vector<1x1x16xi32> to vector<16xi32>
        %shift_left3A_479 = arith.constant 16 : i32
        %shift_left3A_480 = vector.broadcast %shift_left3A_479 : i32 to vector<16xi32>
        %shift_left3A_481 = arith.shli %get3A_478, %shift_left3A_480 : vector<16xi32>
        %bitcast_convert_type3A_482 = tpu.bitcast %shift_left3A_481 : vector<16xi32> -> vector<16xf32>
        %and3A_483 = arith.constant -65536 : i32
        %and3A_484 = vector.broadcast %and3A_483 : i32 to vector<16xi32>
        %and3A_485 = arith.andi %get3A_478, %and3A_484 : vector<16xi32>
        %bitcast_convert_type3A_486 = tpu.bitcast %and3A_485 : vector<16xi32> -> vector<16xf32>
        %add3A_487 = arith.constant 0 : i32
        %add3A_488 = arith.addi %add3A_487, %add3A_381 : i32
        %get3A_489 = arith.index_cast %add3A_488 : i32 to index
        %get3A_490 = arith.constant 32 : index
        %get3A_491 = tpu.vector_load %arg7[%get3A_489, %get3A_490] {strides = array<i32>} : memref<200x64xi32, #tpu.memory_space<vmem>>, vector<1x16xi32>,
        %get3A_492 = vector.shape_cast %get3A_491 : vector<1x16xi32> to vector<16xi32>
        %shift_left3A_493 = arith.constant 16 : i32
        %shift_left3A_494 = vector.broadcast %shift_left3A_493 : i32 to vector<16xi32>
        %shift_left3A_495 = arith.shli %get3A_492, %shift_left3A_494 : vector<16xi32>
        %bitcast_convert_type3A_496 = tpu.bitcast %shift_left3A_495 : vector<16xi32> -> vector<16xf32>
        %and3A_497 = arith.constant -65536 : i32
        %and3A_498 = vector.broadcast %and3A_497 : i32 to vector<16xi32>
        %and3A_499 = arith.andi %get3A_492, %and3A_498 : vector<16xi32>
        %bitcast_convert_type3A_500 = tpu.bitcast %and3A_499 : vector<16xi32> -> vector<16xf32>
        %add3A_501 = arith.addf %bitcast_convert_type3A_482, %bitcast_convert_type3A_496 : vector<16xf32>
        %swap3A_502 = arith.constant 1 : i32
        %swap3A_503 = arith.constant 0 : i32
        %swap3A_504 = arith.index_cast %swap3A_502 : i32 to index
        %swap3A_505 = arith.index_cast %swap3A_503 : i32 to index
        %swap3A_506 = arith.index_cast %add3A_381 : i32 to index
        %swap3A_507 = arith.constant 32 : index
        %swap3A_508 = tpu.vector_load %arg9[%swap3A_504, %swap3A_505, %swap3A_506, %swap3A_507] {strides = array<i32>} : memref<2x2x100x128xf32, #tpu.memory_space<vmem>>, vector<1x1x1x16xf32>,
        %swap3A_509 = vector.shape_cast %swap3A_508 : vector<1x1x1x16xf32> to vector<16xf32>
        %swap3A_510 = vector.shape_cast %add3A_501 : vector<16xf32> to vector<1x1x1x16xf32>
        tpu.vector_store %arg9[%swap3A_504, %swap3A_505, %swap3A_506, %swap3A_507], %swap3A_510 {strides = array<i32>} : memref<2x2x100x128xf32, #tpu.memory_space<vmem>>, vector<1x1x1x16xf32>,
        %add3A_511 = arith.addf %bitcast_convert_type3A_486, %bitcast_convert_type3A_500 : vector<16xf32>
        %swap3A_512 = arith.constant 1 : i32
        %swap3A_513 = arith.constant 0 : i32
        %swap3A_514 = arith.index_cast %swap3A_512 : i32 to index
        %swap3A_515 = arith.index_cast %swap3A_513 : i32 to index
        %swap3A_516 = arith.index_cast %add3A_381 : i32 to index
        %swap3A_517 = arith.constant 96 : index
        %swap3A_518 = tpu.vector_load %arg9[%swap3A_514, %swap3A_515, %swap3A_516, %swap3A_517] {strides = array<i32>} : memref<2x2x100x128xf32, #tpu.memory_space<vmem>>, vector<1x1x1x16xf32>,
        %swap3A_519 = vector.shape_cast %swap3A_518 : vector<1x1x1x16xf32> to vector<16xf32>
        %swap3A_520 = vector.shape_cast %add3A_511 : vector<16xf32> to vector<1x1x1x16xf32>
        tpu.vector_store %arg9[%swap3A_514, %swap3A_515, %swap3A_516, %swap3A_517], %swap3A_520 {strides = array<i32>} : memref<2x2x100x128xf32, #tpu.memory_space<vmem>>, vector<1x1x1x16xf32>,
        %get3A_521 = arith.constant 0 : i32
        %get3A_522 = arith.index_cast %get3A_521 : i32 to index
        %get3A_523 = arith.index_cast %add3A_381 : i32 to index
        %get3A_524 = arith.constant 48 : index
        %get3A_525 = tpu.vector_load %arg8[%get3A_522, %get3A_523, %get3A_524] {strides = array<i32>} : memref<2x104x64xi32, #tpu.memory_space<vmem>>, vector<1x1x16xi32>,
        %get3A_526 = vector.shape_cast %get3A_525 : vector<1x1x16xi32> to vector<16xi32>
        %shift_left3A_527 = arith.constant 16 : i32
        %shift_left3A_528 = vector.broadcast %shift_left3A_527 : i32 to vector<16xi32>
        %shift_left3A_529 = arith.shli %get3A_526, %shift_left3A_528 : vector<16xi32>
        %bitcast_convert_type3A_530 = tpu.bitcast %shift_left3A_529 : vector<16xi32> -> vector<16xf32>
        %and3A_531 = arith.constant -65536 : i32
        %and3A_532 = vector.broadcast %and3A_531 : i32 to vector<16xi32>
        %and3A_533 = arith.andi %get3A_526, %and3A_532 : vector<16xi32>
        %bitcast_convert_type3A_534 = tpu.bitcast %and3A_533 : vector<16xi32> -> vector<16xf32>
        %add3A_535 = arith.constant 0 : i32
        %add3A_536 = arith.addi %add3A_535, %add3A_381 : i32
        %get3A_537 = arith.index_cast %add3A_536 : i32 to index
        %get3A_538 = arith.constant 48 : index
        %get3A_539 = tpu.vector_load %arg7[%get3A_537, %get3A_538] {strides = array<i32>} : memref<200x64xi32, #tpu.memory_space<vmem>>, vector<1x16xi32>,
        %get3A_540 = vector.shape_cast %get3A_539 : vector<1x16xi32> to vector<16xi32>
        %shift_left3A_541 = arith.constant 16 : i32
        %shift_left3A_542 = vector.broadcast %shift_left3A_541 : i32 to vector<16xi32>
        %shift_left3A_543 = arith.shli %get3A_540, %shift_left3A_542 : vector<16xi32>
        %bitcast_convert_type3A_544 = tpu.bitcast %shift_left3A_543 : vector<16xi32> -> vector<16xf32>
        %and3A_545 = arith.constant -65536 : i32
        %and3A_546 = vector.broadcast %and3A_545 : i32 to vector<16xi32>
        %and3A_547 = arith.andi %get3A_540, %and3A_546 : vector<16xi32>
        %bitcast_convert_type3A_548 = tpu.bitcast %and3A_547 : vector<16xi32> -> vector<16xf32>
        %add3A_549 = arith.addf %bitcast_convert_type3A_530, %bitcast_convert_type3A_544 : vector<16xf32>
        %swap3A_550 = arith.constant 1 : i32
        %swap3A_551 = arith.constant 0 : i32
        %swap3A_552 = arith.index_cast %swap3A_550 : i32 to index
        %swap3A_553 = arith.index_cast %swap3A_551 : i32 to index
        %swap3A_554 = arith.index_cast %add3A_381 : i32 to index
        %swap3A_555 = arith.constant 48 : index
        %swap3A_556 = tpu.vector_load %arg9[%swap3A_552, %swap3A_553, %swap3A_554, %swap3A_555] {strides = array<i32>} : memref<2x2x100x128xf32, #tpu.memory_space<vmem>>, vector<1x1x1x16xf32>,
        %swap3A_557 = vector.shape_cast %swap3A_556 : vector<1x1x1x16xf32> to vector<16xf32>
        %swap3A_558 = vector.shape_cast %add3A_549 : vector<16xf32> to vector<1x1x1x16xf32>
        tpu.vector_store %arg9[%swap3A_552, %swap3A_553, %swap3A_554, %swap3A_555], %swap3A_558 {strides = array<i32>} : memref<2x2x100x128xf32, #tpu.memory_space<vmem>>, vector<1x1x1x16xf32>,
        %add3A_559 = arith.addf %bitcast_convert_type3A_534, %bitcast_convert_type3A_548 : vector<16xf32>
        %swap3A_560 = arith.constant 1 : i32
        %swap3A_561 = arith.constant 0 : i32
        %swap3A_562 = arith.index_cast %swap3A_560 : i32 to index
        %swap3A_563 = arith.index_cast %swap3A_561 : i32 to index
        %swap3A_564 = arith.index_cast %add3A_381 : i32 to index
        %swap3A_565 = arith.constant 112 : index
        %swap3A_566 = tpu.vector_load %arg9[%swap3A_562, %swap3A_563, %swap3A_564, %swap3A_565] {strides = array<i32>} : memref<2x2x100x128xf32, #tpu.memory_space<vmem>>, vector<1x1x1x16xf32>,
        %swap3A_567 = vector.shape_cast %swap3A_566 : vector<1x1x1x16xf32> to vector<16xf32>
        %swap3A_568 = vector.shape_cast %add3A_559 : vector<16xf32> to vector<1x1x1x16xf32>
        tpu.vector_store %arg9[%swap3A_562, %swap3A_563, %swap3A_564, %swap3A_565], %swap3A_568 {strides = array<i32>} : memref<2x2x100x128xf32, #tpu.memory_space<vmem>>, vector<1x1x1x16xf32>,
        %mul3A_569 = arith.constant 2 : i32
        %mul3A_570 = arith.muli %scan3A_376, %mul3A_569 : i32
        %add3A_571 = arith.constant 1 : i32
        %add3A_572 = arith.addi %mul3A_570, %add3A_571 : i32
        %get3A_573 = arith.constant 0 : i32
        %get3A_574 = arith.index_cast %get3A_573 : i32 to index
        %get3A_575 = arith.index_cast %add3A_572 : i32 to index
        %get3A_576 = arith.constant 0 : index
        %get3A_577 = tpu.vector_load %arg8[%get3A_574, %get3A_575, %get3A_576] {strides = array<i32>} : memref<2x104x64xi32, #tpu.memory_space<vmem>>, vector<1x1x16xi32>,
        %get3A_578 = vector.shape_cast %get3A_577 : vector<1x1x16xi32> to vector<16xi32>
        %shift_left3A_579 = arith.constant 16 : i32
        %shift_left3A_580 = vector.broadcast %shift_left3A_579 : i32 to vector<16xi32>
        %shift_left3A_581 = arith.shli %get3A_578, %shift_left3A_580 : vector<16xi32>
        %bitcast_convert_type3A_582 = tpu.bitcast %shift_left3A_581 : vector<16xi32> -> vector<16xf32>
        %and3A_583 = arith.constant -65536 : i32
        %and3A_584 = vector.broadcast %and3A_583 : i32 to vector<16xi32>
        %and3A_585 = arith.andi %get3A_578, %and3A_584 : vector<16xi32>
        %bitcast_convert_type3A_586 = tpu.bitcast %and3A_585 : vector<16xi32> -> vector<16xf32>
        %add3A_587 = arith.constant 0 : i32
        %add3A_588 = arith.addi %add3A_587, %add3A_572 : i32
        %get3A_589 = arith.index_cast %add3A_588 : i32 to index
        %get3A_590 = arith.constant 0 : index
        %get3A_591 = tpu.vector_load %arg7[%get3A_589, %get3A_590] {strides = array<i32>} : memref<200x64xi32, #tpu.memory_space<vmem>>, vector<1x16xi32>,
        %get3A_592 = vector.shape_cast %get3A_591 : vector<1x16xi32> to vector<16xi32>
        %shift_left3A_593 = arith.constant 16 : i32
        %shift_left3A_594 = vector.broadcast %shift_left3A_593 : i32 to vector<16xi32>
        %shift_left3A_595 = arith.shli %get3A_592, %shift_left3A_594 : vector<16xi32>
        %bitcast_convert_type3A_596 = tpu.bitcast %shift_left3A_595 : vector<16xi32> -> vector<16xf32>
        %and3A_597 = arith.constant -65536 : i32
        %and3A_598 = vector.broadcast %and3A_597 : i32 to vector<16xi32>
        %and3A_599 = arith.andi %get3A_592, %and3A_598 : vector<16xi32>
        %bitcast_convert_type3A_600 = tpu.bitcast %and3A_599 : vector<16xi32> -> vector<16xf32>
        %add3A_601 = arith.addf %bitcast_convert_type3A_582, %bitcast_convert_type3A_596 : vector<16xf32>
        %swap3A_602 = arith.constant 1 : i32
        %swap3A_603 = arith.constant 0 : i32
        %swap3A_604 = arith.index_cast %swap3A_602 : i32 to index
        %swap3A_605 = arith.index_cast %swap3A_603 : i32 to index
        %swap3A_606 = arith.index_cast %add3A_572 : i32 to index
        %swap3A_607 = arith.constant 0 : index
        %swap3A_608 = tpu.vector_load %arg9[%swap3A_604, %swap3A_605, %swap3A_606, %swap3A_607] {strides = array<i32>} : memref<2x2x100x128xf32, #tpu.memory_space<vmem>>, vector<1x1x1x16xf32>,
        %swap3A_609 = vector.shape_cast %swap3A_608 : vector<1x1x1x16xf32> to vector<16xf32>
        %swap3A_610 = vector.shape_cast %add3A_601 : vector<16xf32> to vector<1x1x1x16xf32>
        tpu.vector_store %arg9[%swap3A_604, %swap3A_605, %swap3A_606, %swap3A_607], %swap3A_610 {strides = array<i32>} : memref<2x2x100x128xf32, #tpu.memory_space<vmem>>, vector<1x1x1x16xf32>,
        %add3A_611 = arith.addf %bitcast_convert_type3A_586, %bitcast_convert_type3A_600 : vector<16xf32>
        %swap3A_612 = arith.constant 1 : i32
        %swap3A_613 = arith.constant 0 : i32
        %swap3A_614 = arith.index_cast %swap3A_612 : i32 to index
        %swap3A_615 = arith.index_cast %swap3A_613 : i32 to index
        %swap3A_616 = arith.index_cast %add3A_572 : i32 to index
        %swap3A_617 = arith.constant 64 : index
        %swap3A_618 = tpu.vector_load %arg9[%swap3A_614, %swap3A_615, %swap3A_616, %swap3A_617] {strides = array<i32>} : memref<2x2x100x128xf32, #tpu.memory_space<vmem>>, vector<1x1x1x16xf32>,
        %swap3A_619 = vector.shape_cast %swap3A_618 : vector<1x1x1x16xf32> to vector<16xf32>
        %swap3A_620 = vector.shape_cast %add3A_611 : vector<16xf32> to vector<1x1x1x16xf32>
        tpu.vector_store %arg9[%swap3A_614, %swap3A_615, %swap3A_616, %swap3A_617], %swap3A_620 {strides = array<i32>} : memref<2x2x100x128xf32, #tpu.memory_space<vmem>>, vector<1x1x1x16xf32>,
        %get3A_621 = arith.constant 0 : i32
        %get3A_622 = arith.index_cast %get3A_621 : i32 to index
        %get3A_623 = arith.index_cast %add3A_572 : i32 to index
        %get3A_624 = arith.constant 16 : index
        %get3A_625 = tpu.vector_load %arg8[%get3A_622, %get3A_623, %get3A_624] {strides = array<i32>} : memref<2x104x64xi32, #tpu.memory_space<vmem>>, vector<1x1x16xi32>,
        %get3A_626 = vector.shape_cast %get3A_625 : vector<1x1x16xi32> to vector<16xi32>
        %shift_left3A_627 = arith.constant 16 : i32
        %shift_left3A_628 = vector.broadcast %shift_left3A_627 : i32 to vector<16xi32>
        %shift_left3A_629 = arith.shli %get3A_626, %shift_left3A_628 : vector<16xi32>
        %bitcast_convert_type3A_630 = tpu.bitcast %shift_left3A_629 : vector<16xi32> -> vector<16xf32>
        %and3A_631 = arith.constant -65536 : i32
        %and3A_632 = vector.broadcast %and3A_631 : i32 to vector<16xi32>
        %and3A_633 = arith.andi %get3A_626, %and3A_632 : vector<16xi32>
        %bitcast_convert_type3A_634 = tpu.bitcast %and3A_633 : vector<16xi32> -> vector<16xf32>
        %add3A_635 = arith.constant 0 : i32
        %add3A_636 = arith.addi %add3A_635, %add3A_572 : i32
        %get3A_637 = arith.index_cast %add3A_636 : i32 to index
        %get3A_638 = arith.constant 16 : index
        %get3A_639 = tpu.vector_load %arg7[%get3A_637, %get3A_638] {strides = array<i32>} : memref<200x64xi32, #tpu.memory_space<vmem>>, vector<1x16xi32>,
        %get3A_640 = vector.shape_cast %get3A_639 : vector<1x16xi32> to vector<16xi32>
        %shift_left3A_641 = arith.constant 16 : i32
        %shift_left3A_642 = vector.broadcast %shift_left3A_641 : i32 to vector<16xi32>
        %shift_left3A_643 = arith.shli %get3A_640, %shift_left3A_642 : vector<16xi32>
        %bitcast_convert_type3A_644 = tpu.bitcast %shift_left3A_643 : vector<16xi32> -> vector<16xf32>
        %and3A_645 = arith.constant -65536 : i32
        %and3A_646 = vector.broadcast %and3A_645 : i32 to vector<16xi32>
        %and3A_647 = arith.andi %get3A_640, %and3A_646 : vector<16xi32>
        %bitcast_convert_type3A_648 = tpu.bitcast %and3A_647 : vector<16xi32> -> vector<16xf32>
        %add3A_649 = arith.addf %bitcast_convert_type3A_630, %bitcast_convert_type3A_644 : vector<16xf32>
        %swap3A_650 = arith.constant 1 : i32
        %swap3A_651 = arith.constant 0 : i32
        %swap3A_652 = arith.index_cast %swap3A_650 : i32 to index
        %swap3A_653 = arith.index_cast %swap3A_651 : i32 to index
        %swap3A_654 = arith.index_cast %add3A_572 : i32 to index
        %swap3A_655 = arith.constant 16 : index
        %swap3A_656 = tpu.vector_load %arg9[%swap3A_652, %swap3A_653, %swap3A_654, %swap3A_655] {strides = array<i32>} : memref<2x2x100x128xf32, #tpu.memory_space<vmem>>, vector<1x1x1x16xf32>,
        %swap3A_657 = vector.shape_cast %swap3A_656 : vector<1x1x1x16xf32> to vector<16xf32>
        %swap3A_658 = vector.shape_cast %add3A_649 : vector<16xf32> to vector<1x1x1x16xf32>
        tpu.vector_store %arg9[%swap3A_652, %swap3A_653, %swap3A_654, %swap3A_655], %swap3A_658 {strides = array<i32>} : memref<2x2x100x128xf32, #tpu.memory_space<vmem>>, vector<1x1x1x16xf32>,
        %add3A_659 = arith.addf %bitcast_convert_type3A_634, %bitcast_convert_type3A_648 : vector<16xf32>
        %swap3A_660 = arith.constant 1 : i32
        %swap3A_661 = arith.constant 0 : i32
        %swap3A_662 = arith.index_cast %swap3A_660 : i32 to index
        %swap3A_663 = arith.index_cast %swap3A_661 : i32 to index
        %swap3A_664 = arith.index_cast %add3A_572 : i32 to index
        %swap3A_665 = arith.constant 80 : index
        %swap3A_666 = tpu.vector_load %arg9[%swap3A_662, %swap3A_663, %swap3A_664, %swap3A_665] {strides = array<i32>} : memref<2x2x100x128xf32, #tpu.memory_space<vmem>>, vector<1x1x1x16xf32>,
        %swap3A_667 = vector.shape_cast %swap3A_666 : vector<1x1x1x16xf32> to vector<16xf32>
        %swap3A_668 = vector.shape_cast %add3A_659 : vector<16xf32> to vector<1x1x1x16xf32>
        tpu.vector_store %arg9[%swap3A_662, %swap3A_663, %swap3A_664, %swap3A_665], %swap3A_668 {strides = array<i32>} : memref<2x2x100x128xf32, #tpu.memory_space<vmem>>, vector<1x1x1x16xf32>,
        %get3A_669 = arith.constant 0 : i32
        %get3A_670 = arith.index_cast %get3A_669 : i32 to index
        %get3A_671 = arith.index_cast %add3A_572 : i32 to index
        %get3A_672 = arith.constant 32 : index
        %get3A_673 = tpu.vector_load %arg8[%get3A_670, %get3A_671, %get3A_672] {strides = array<i32>} : memref<2x104x64xi32, #tpu.memory_space<vmem>>, vector<1x1x16xi32>,
        %get3A_674 = vector.shape_cast %get3A_673 : vector<1x1x16xi32> to vector<16xi32>
        %shift_left3A_675 = arith.constant 16 : i32
        %shift_left3A_676 = vector.broadcast %shift_left3A_675 : i32 to vector<16xi32>
        %shift_left3A_677 = arith.shli %get3A_674, %shift_left3A_676 : vector<16xi32>
        %bitcast_convert_type3A_678 = tpu.bitcast %shift_left3A_677 : vector<16xi32> -> vector<16xf32>
        %and3A_679 = arith.constant -65536 : i32
        %and3A_680 = vector.broadcast %and3A_679 : i32 to vector<16xi32>
        %and3A_681 = arith.andi %get3A_674, %and3A_680 : vector<16xi32>
        %bitcast_convert_type3A_682 = tpu.bitcast %and3A_681 : vector<16xi32> -> vector<16xf32>
        %add3A_683 = arith.constant 0 : i32
        %add3A_684 = arith.addi %add3A_683, %add3A_572 : i32
        %get3A_685 = arith.index_cast %add3A_684 : i32 to index
        %get3A_686 = arith.constant 32 : index
        %get3A_687 = tpu.vector_load %arg7[%get3A_685, %get3A_686] {strides = array<i32>} : memref<200x64xi32, #tpu.memory_space<vmem>>, vector<1x16xi32>,
        %get3A_688 = vector.shape_cast %get3A_687 : vector<1x16xi32> to vector<16xi32>
        %shift_left3A_689 = arith.constant 16 : i32
        %shift_left3A_690 = vector.broadcast %shift_left3A_689 : i32 to vector<16xi32>
        %shift_left3A_691 = arith.shli %get3A_688, %shift_left3A_690 : vector<16xi32>
        %bitcast_convert_type3A_692 = tpu.bitcast %shift_left3A_691 : vector<16xi32> -> vector<16xf32>
        %and3A_693 = arith.constant -65536 : i32
        %and3A_694 = vector.broadcast %and3A_693 : i32 to vector<16xi32>
        %and3A_695 = arith.andi %get3A_688, %and3A_694 : vector<16xi32>
        %bitcast_convert_type3A_696 = tpu.bitcast %and3A_695 : vector<16xi32> -> vector<16xf32>
        %add3A_697 = arith.addf %bitcast_convert_type3A_678, %bitcast_convert_type3A_692 : vector<16xf32>
        %swap3A_698 = arith.constant 1 : i32
        %swap3A_699 = arith.constant 0 : i32
        %swap3A_700 = arith.index_cast %swap3A_698 : i32 to index
        %swap3A_701 = arith.index_cast %swap3A_699 : i32 to index
        %swap3A_702 = arith.index_cast %add3A_572 : i32 to index
        %swap3A_703 = arith.constant 32 : index
        %swap3A_704 = tpu.vector_load %arg9[%swap3A_700, %swap3A_701, %swap3A_702, %swap3A_703] {strides = array<i32>} : memref<2x2x100x128xf32, #tpu.memory_space<vmem>>, vector<1x1x1x16xf32>,
        %swap3A_705 = vector.shape_cast %swap3A_704 : vector<1x1x1x16xf32> to vector<16xf32>
        %swap3A_706 = vector.shape_cast %add3A_697 : vector<16xf32> to vector<1x1x1x16xf32>
        tpu.vector_store %arg9[%swap3A_700, %swap3A_701, %swap3A_702, %swap3A_703], %swap3A_706 {strides = array<i32>} : memref<2x2x100x128xf32, #tpu.memory_space<vmem>>, vector<1x1x1x16xf32>,
        %add3A_707 = arith.addf %bitcast_convert_type3A_682, %bitcast_convert_type3A_696 : vector<16xf32>
        %swap3A_708 = arith.constant 1 : i32
        %swap3A_709 = arith.constant 0 : i32
        %swap3A_710 = arith.index_cast %swap3A_708 : i32 to index
        %swap3A_711 = arith.index_cast %swap3A_709 : i32 to index
        %swap3A_712 = arith.index_cast %add3A_572 : i32 to index
        %swap3A_713 = arith.constant 96 : index
        %swap3A_714 = tpu.vector_load %arg9[%swap3A_710, %swap3A_711, %swap3A_712, %swap3A_713] {strides = array<i32>} : memref<2x2x100x128xf32, #tpu.memory_space<vmem>>, vector<1x1x1x16xf32>,
        %swap3A_715 = vector.shape_cast %swap3A_714 : vector<1x1x1x16xf32> to vector<16xf32>
        %swap3A_716 = vector.shape_cast %add3A_707 : vector<16xf32> to vector<1x1x1x16xf32>
        tpu.vector_store %arg9[%swap3A_710, %swap3A_711, %swap3A_712, %swap3A_713], %swap3A_716 {strides = array<i32>} : memref<2x2x100x128xf32, #tpu.memory_space<vmem>>, vector<1x1x1x16xf32>,
        %get3A_717 = arith.constant 0 : i32
        %get3A_718 = arith.index_cast %get3A_717 : i32 to index
        %get3A_719 = arith.index_cast %add3A_572 : i32 to index
        %get3A_720 = arith.constant 48 : index
        %get3A_721 = tpu.vector_load %arg8[%get3A_718, %get3A_719, %get3A_720] {strides = array<i32>} : memref<2x104x64xi32, #tpu.memory_space<vmem>>, vector<1x1x16xi32>,
        %get3A_722 = vector.shape_cast %get3A_721 : vector<1x1x16xi32> to vector<16xi32>
        %shift_left3A_723 = arith.constant 16 : i32
        %shift_left3A_724 = vector.broadcast %shift_left3A_723 : i32 to vector<16xi32>
        %shift_left3A_725 = arith.shli %get3A_722, %shift_left3A_724 : vector<16xi32>
        %bitcast_convert_type3A_726 = tpu.bitcast %shift_left3A_725 : vector<16xi32> -> vector<16xf32>
        %and3A_727 = arith.constant -65536 : i32
        %and3A_728 = vector.broadcast %and3A_727 : i32 to vector<16xi32>
        %and3A_729 = arith.andi %get3A_722, %and3A_728 : vector<16xi32>
        %bitcast_convert_type3A_730 = tpu.bitcast %and3A_729 : vector<16xi32> -> vector<16xf32>
        %add3A_731 = arith.constant 0 : i32
        %add3A_732 = arith.addi %add3A_731, %add3A_572 : i32
        %get3A_733 = arith.index_cast %add3A_732 : i32 to index
        %get3A_734 = arith.constant 48 : index
        %get3A_735 = tpu.vector_load %arg7[%get3A_733, %get3A_734] {strides = array<i32>} : memref<200x64xi32, #tpu.memory_space<vmem>>, vector<1x16xi32>,
        %get3A_736 = vector.shape_cast %get3A_735 : vector<1x16xi32> to vector<16xi32>
        %shift_left3A_737 = arith.constant 16 : i32
        %shift_left3A_738 = vector.broadcast %shift_left3A_737 : i32 to vector<16xi32>
        %shift_left3A_739 = arith.shli %get3A_736, %shift_left3A_738 : vector<16xi32>
        %bitcast_convert_type3A_740 = tpu.bitcast %shift_left3A_739 : vector<16xi32> -> vector<16xf32>
        %and3A_741 = arith.constant -65536 : i32
        %and3A_742 = vector.broadcast %and3A_741 : i32 to vector<16xi32>
        %and3A_743 = arith.andi %get3A_736, %and3A_742 : vector<16xi32>
        %bitcast_convert_type3A_744 = tpu.bitcast %and3A_743 : vector<16xi32> -> vector<16xf32>
        %add3A_745 = arith.addf %bitcast_convert_type3A_726, %bitcast_convert_type3A_740 : vector<16xf32>
        %swap3A_746 = arith.constant 1 : i32
        %swap3A_747 = arith.constant 0 : i32
        %swap3A_748 = arith.index_cast %swap3A_746 : i32 to index
        %swap3A_749 = arith.index_cast %swap3A_747 : i32 to index
        %swap3A_750 = arith.index_cast %add3A_572 : i32 to index
        %swap3A_751 = arith.constant 48 : index
        %swap3A_752 = tpu.vector_load %arg9[%swap3A_748, %swap3A_749, %swap3A_750, %swap3A_751] {strides = array<i32>} : memref<2x2x100x128xf32, #tpu.memory_space<vmem>>, vector<1x1x1x16xf32>,
        %swap3A_753 = vector.shape_cast %swap3A_752 : vector<1x1x1x16xf32> to vector<16xf32>
        %swap3A_754 = vector.shape_cast %add3A_745 : vector<16xf32> to vector<1x1x1x16xf32>
        tpu.vector_store %arg9[%swap3A_748, %swap3A_749, %swap3A_750, %swap3A_751], %swap3A_754 {strides = array<i32>} : memref<2x2x100x128xf32, #tpu.memory_space<vmem>>, vector<1x1x1x16xf32>,
        %add3A_755 = arith.addf %bitcast_convert_type3A_730, %bitcast_convert_type3A_744 : vector<16xf32>
        %swap3A_756 = arith.constant 1 : i32
        %swap3A_757 = arith.constant 0 : i32
        %swap3A_758 = arith.index_cast %swap3A_756 : i32 to index
        %swap3A_759 = arith.index_cast %swap3A_757 : i32 to index
        %swap3A_760 = arith.index_cast %add3A_572 : i32 to index
        %swap3A_761 = arith.constant 112 : index
        %swap3A_762 = tpu.vector_load %arg9[%swap3A_758, %swap3A_759, %swap3A_760, %swap3A_761] {strides = array<i32>} : memref<2x2x100x128xf32, #tpu.memory_space<vmem>>, vector<1x1x1x16xf32>,
        %swap3A_763 = vector.shape_cast %swap3A_762 : vector<1x1x1x16xf32> to vector<16xf32>
        %swap3A_764 = vector.shape_cast %add3A_755 : vector<16xf32> to vector<1x1x1x16xf32>
        tpu.vector_store %arg9[%swap3A_758, %swap3A_759, %swap3A_760, %swap3A_761], %swap3A_764 {strides = array<i32>} : memref<2x2x100x128xf32, #tpu.memory_space<vmem>>, vector<1x1x1x16xf32>,
        %scan3A_765 = arith.constant 0 : i32
        scf.yield %scan3A_765 : i32
      }
      %scan3A_239 = arith.constant 50 : i32
      %ge3A_240 = arith.constant 2 : i32
      %ge3A_241 = arith.cmpi sge, %add3A_214, %ge3A_240 : i32
      %convert_element_type3A_242 = arith.extui %ge3A_241 : i1 to i32
      %cond3A_243 = arith.constant 0 : i32
      %cond3A_244 = arith.cmpi ne, %convert_element_type3A_242, %cond3A_243 : i32
      scf.if %cond3A_244 {
        %sub3A = arith.constant 2 : i32
        %sub3A_376 = arith.subi %add3A_214, %sub3A : i32
        %add3A_377 = arith.addi %mul3A_2, %sub3A_376 : i32
        %dma_wait3A_378 = arith.constant 0 : i32
        %dma_wait3A_379 = arith.constant 0 : i32
        %dma_wait3A_380 = arith.constant 0 : i32
        %dma_wait3A_381 = tpu.memref_slice %arg5[%add3A_377, %dma_wait3A_379, %dma_wait3A_380] : memref<8192x100x128xf32, #tpu.memory_space<hbm>> -> memref<1x100x128xf32, #tpu.memory_space<hbm>>
        %dma_wait3A_382 = tpu.memref_squeeze %dma_wait3A_381 : memref<1x100x128xf32, #tpu.memory_space<hbm>> -> memref<100x128xf32, #tpu.memory_space<hbm>>
        %dma_wait3A_383 = arith.constant 0 : i32
        %dma_wait3A_384 = arith.constant 0 : i32
        %dma_wait3A_385 = tpu.memref_slice %arg10[%arg1, %dma_wait3A_378, %dma_wait3A_383, %dma_wait3A_384] : memref<16x2x100x128xf32, #tpu.memory_space<vmem_shared>> -> memref<1x1x100x128xf32, #tpu.memory_space<vmem_shared>>
        %dma_wait3A_386 = tpu.memref_squeeze %dma_wait3A_385 : memref<1x1x100x128xf32, #tpu.memory_space<vmem_shared>> -> memref<100x128xf32, #tpu.memory_space<vmem_shared>>
        tpu.wait_dma2 semaphore(%arg13 : memref<!tpu.dma_semaphore, #tpu.memory_space<semaphore_mem>>) src(%dma_wait3A_386 : memref<100x128xf32, #tpu.memory_space<vmem_shared>>) dst(%dma_wait3A_382 : memref<100x128xf32, #tpu.memory_space<hbm>>)
      } else {
      }
      %dma_start3A_245 = arith.constant 1 : i32
      %dma_start3A_246 = arith.constant 0 : i32
      %dma_start3A_247 = arith.constant 0 : i32
      %dma_start3A_248 = arith.constant 0 : i32
      %dma_start3A_249 = arith.constant 0 : i32
      %dma_start3A_250 = tpu.memref_slice %arg9[%dma_start3A_245, %dma_start3A_246, %dma_start3A_248, %dma_start3A_249] : memref<2x2x100x128xf32, #tpu.memory_space<vmem>> -> memref<1x1x100x128xf32, #tpu.memory_space<vmem>>
      %dma_start3A_251 = tpu.memref_squeeze %dma_start3A_250 : memref<1x1x100x128xf32, #tpu.memory_space<vmem>> -> memref<100x128xf32, #tpu.memory_space<vmem>>
      %dma_start3A_252 = arith.constant 0 : i32
      %dma_start3A_253 = arith.constant 0 : i32
      %dma_start3A_254 = tpu.memref_slice %arg10[%arg1, %dma_start3A_247, %dma_start3A_252, %dma_start3A_253] : memref<16x2x100x128xf32, #tpu.memory_space<vmem_shared>> -> memref<1x1x100x128xf32, #tpu.memory_space<vmem_shared>>
      %dma_start3A_255 = tpu.memref_squeeze %dma_start3A_254 : memref<1x1x100x128xf32, #tpu.memory_space<vmem_shared>> -> memref<100x128xf32, #tpu.memory_space<vmem_shared>>
      %dma_start3A_256 = arith.constant 0 : i32
      %dma_start3A_257 = arith.constant 0 : i32
      %dma_start3A_258 = tpu.memref_slice %arg10[%arg1, %dma_start3A_247, %dma_start3A_256, %dma_start3A_257] : memref<16x2x100x128xf32, #tpu.memory_space<vmem_shared>> -> memref<1x1x100x128xf32, #tpu.memory_space<vmem_shared>>
      %dma_start3A_259 = tpu.memref_squeeze %dma_start3A_258 : memref<1x1x100x128xf32, #tpu.memory_space<vmem_shared>> -> memref<100x128xf32, #tpu.memory_space<vmem_shared>>
      %dma_start3A_260 = arith.constant 0 : i32
      %dma_start3A_261 = arith.constant 0 : i32
      %dma_start3A_262 = tpu.memref_slice %arg9[%dma_start3A_245, %dma_start3A_246, %dma_start3A_260, %dma_start3A_261] : memref<2x2x100x128xf32, #tpu.memory_space<vmem>> -> memref<1x1x100x128xf32, #tpu.memory_space<vmem>>
      %dma_start3A_263 = tpu.memref_squeeze %dma_start3A_262 : memref<1x1x100x128xf32, #tpu.memory_space<vmem>> -> memref<100x128xf32, #tpu.memory_space<vmem>>
      tpu.enqueue_dma source(%dma_start3A_263 : memref<100x128xf32, #tpu.memory_space<vmem>>) target(%dma_start3A_259 : memref<100x128xf32, #tpu.memory_space<vmem_shared>>) target_semaphore(%arg15 : memref<!tpu.dma_semaphore, #tpu.memory_space<semaphore_mem>>)
      %dma_wait3A_264 = arith.constant 1 : i32
      %dma_wait3A_265 = arith.constant 0 : i32
      %dma_wait3A_266 = arith.constant 0 : i32
      %dma_wait3A_267 = arith.constant 0 : i32
      %dma_wait3A_268 = arith.constant 0 : i32
      %dma_wait3A_269 = tpu.memref_slice %arg9[%dma_wait3A_264, %dma_wait3A_265, %dma_wait3A_267, %dma_wait3A_268] : memref<2x2x100x128xf32, #tpu.memory_space<vmem>> -> memref<1x1x100x128xf32, #tpu.memory_space<vmem>>
      %dma_wait3A_270 = tpu.memref_squeeze %dma_wait3A_269 : memref<1x1x100x128xf32, #tpu.memory_space<vmem>> -> memref<100x128xf32, #tpu.memory_space<vmem>>
      %dma_wait3A_271 = arith.constant 0 : i32
      %dma_wait3A_272 = arith.constant 0 : i32
      %dma_wait3A_273 = tpu.memref_slice %arg10[%arg1, %dma_wait3A_266, %dma_wait3A_271, %dma_wait3A_272] : memref<16x2x100x128xf32, #tpu.memory_space<vmem_shared>> -> memref<1x1x100x128xf32, #tpu.memory_space<vmem_shared>>
      %dma_wait3A_274 = tpu.memref_squeeze %dma_wait3A_273 : memref<1x1x100x128xf32, #tpu.memory_space<vmem_shared>> -> memref<100x128xf32, #tpu.memory_space<vmem_shared>>
      %dma_wait3A_275 = arith.constant 0 : i32
      %dma_wait3A_276 = arith.constant 0 : i32
      %dma_wait3A_277 = tpu.memref_slice %arg10[%arg1, %dma_wait3A_266, %dma_wait3A_275, %dma_wait3A_276] : memref<16x2x100x128xf32, #tpu.memory_space<vmem_shared>> -> memref<1x1x100x128xf32, #tpu.memory_space<vmem_shared>>
      %dma_wait3A_278 = tpu.memref_squeeze %dma_wait3A_277 : memref<1x1x100x128xf32, #tpu.memory_space<vmem_shared>> -> memref<100x128xf32, #tpu.memory_space<vmem_shared>>
      %dma_wait3A_279 = arith.constant 0 : i32
      %dma_wait3A_280 = arith.constant 0 : i32
      %dma_wait3A_281 = tpu.memref_slice %arg9[%dma_wait3A_264, %dma_wait3A_265, %dma_wait3A_279, %dma_wait3A_280] : memref<2x2x100x128xf32, #tpu.memory_space<vmem>> -> memref<1x1x100x128xf32, #tpu.memory_space<vmem>>
      %dma_wait3A_282 = tpu.memref_squeeze %dma_wait3A_281 : memref<1x1x100x128xf32, #tpu.memory_space<vmem>> -> memref<100x128xf32, #tpu.memory_space<vmem>>
      tpu.wait_dma2 semaphore(%arg15 : memref<!tpu.dma_semaphore, #tpu.memory_space<semaphore_mem>>) src(%dma_wait3A_282 : memref<100x128xf32, #tpu.memory_space<vmem>>) dst(%dma_wait3A_278 : memref<100x128xf32, #tpu.memory_space<vmem_shared>>)
      %add3A_283 = arith.addi %mul3A_2, %add3A_214 : i32
      %dma_start3A_284 = arith.constant 0 : i32
      %dma_start3A_285 = arith.constant 0 : i32
      %dma_start3A_286 = arith.constant 0 : i32
      %dma_start3A_287 = tpu.memref_slice %arg5[%add3A_283, %dma_start3A_285, %dma_start3A_286] : memref<8192x100x128xf32, #tpu.memory_space<hbm>> -> memref<1x100x128xf32, #tpu.memory_space<hbm>>
      %dma_start3A_288 = tpu.memref_squeeze %dma_start3A_287 : memref<1x100x128xf32, #tpu.memory_space<hbm>> -> memref<100x128xf32, #tpu.memory_space<hbm>>
      %dma_start3A_289 = arith.constant 0 : i32
      %dma_start3A_290 = arith.constant 0 : i32
      %dma_start3A_291 = tpu.memref_slice %arg10[%arg1, %dma_start3A_284, %dma_start3A_289, %dma_start3A_290] : memref<16x2x100x128xf32, #tpu.memory_space<vmem_shared>> -> memref<1x1x100x128xf32, #tpu.memory_space<vmem_shared>>
      %dma_start3A_292 = tpu.memref_squeeze %dma_start3A_291 : memref<1x1x100x128xf32, #tpu.memory_space<vmem_shared>> -> memref<100x128xf32, #tpu.memory_space<vmem_shared>>
      tpu.enqueue_dma source(%dma_start3A_292 : memref<100x128xf32, #tpu.memory_space<vmem_shared>>) target(%dma_start3A_288 : memref<100x128xf32, #tpu.memory_space<hbm>>) target_semaphore(%arg13 : memref<!tpu.dma_semaphore, #tpu.memory_space<semaphore_mem>>)
      %mul3A_293 = arith.constant 2 : i32
      %mul3A_294 = arith.muli %add3A_210, %mul3A_293 : i32
      %add3A_295 = arith.constant 1 : i32
      %add3A_296 = arith.addi %mul3A_294, %add3A_295 : i32
      %add3A_297 = arith.constant 1 : i32
      %add3A_298 = arith.addi %add3A_296, %add3A_297 : i32
      %lt3A_299 = arith.constant 256 : i32
      %lt3A_300 = arith.cmpi slt, %add3A_298, %lt3A_299 : i32
      %convert_element_type3A_301 = arith.extui %lt3A_300 : i1 to i32
      %cond3A_302 = arith.constant 0 : i32
      %cond3A_303 = arith.cmpi ne, %convert_element_type3A_301, %cond3A_302 : i32
      scf.if %cond3A_303 {
        %add3A_376 = arith.constant 1 : i32
        %add3A_377 = arith.addi %add3A_296, %add3A_376 : i32
        %dma_start3A_378 = arith.constant 0 : i32
        %dma_start3A_379 = arith.constant 0 : i32
        %dma_start3A_380 = arith.constant 0 : i32
        %dma_start3A_381 = tpu.memref_slice %arg8[%dma_start3A_378, %dma_start3A_379, %dma_start3A_380] : memref<2x104x64xi32, #tpu.memory_space<vmem>> -> memref<1x104x64xi32, #tpu.memory_space<vmem>>
        %dma_start3A_382 = tpu.memref_squeeze %dma_start3A_381 : memref<1x104x64xi32, #tpu.memory_space<vmem>> -> memref<104x64xi32, #tpu.memory_space<vmem>>
        %dma_start3A_383 = arith.constant 0 : i32
        %dma_start3A_384 = tpu.memref_slice %arg6[%add3A_377, %dma_start3A_383] : memref<256x104xi32, #tpu.memory_space<vmem>> -> memref<1x104xi32, #tpu.memory_space<vmem>>
        %dma_start3A_385 = tpu.memref_squeeze %dma_start3A_384 : memref<1x104xi32, #tpu.memory_space<vmem>> -> memref<104xi32, #tpu.memory_space<vmem>>
        %dma_start3A_386 = arith.constant 0 : i32
        %dma_start3A_387 = arith.constant 0 : i32
        %dma_start3A_388 = tpu.memref_slice %arg3[%dma_start3A_386, %dma_start3A_387] : memref<100000x64xi32, #tpu.memory_space<hbm>> -> memref<100000x64xi32, #tpu.memory_space<hbm>>
        tpu.enqueue_indirect_dma source(%dma_start3A_388 : memref<100000x64xi32, #tpu.memory_space<hbm>>) target(%dma_start3A_382 : memref<104x64xi32, #tpu.memory_space<vmem>>) offsets(%dma_start3A_385 : memref<104xi32, #tpu.memory_space<vmem>>) semaphore(%arg11 : memref<!tpu.dma_semaphore, #tpu.memory_space<semaphore_mem>>)
      } else {
      }
      %dma_wait3A_304 = arith.constant 1 : i32
      %dma_wait3A_305 = arith.constant 0 : i32
      %dma_wait3A_306 = arith.constant 0 : i32
      %dma_wait3A_307 = tpu.memref_slice %arg8[%dma_wait3A_304, %dma_wait3A_305, %dma_wait3A_306] : memref<2x104x64xi32, #tpu.memory_space<vmem>> -> memref<1x104x64xi32, #tpu.memory_space<vmem>>
      %dma_wait3A_308 = tpu.memref_squeeze %dma_wait3A_307 : memref<1x104x64xi32, #tpu.memory_space<vmem>> -> memref<104x64xi32, #tpu.memory_space<vmem>>
      %dma_wait3A_309 = arith.constant 0 : i32
      %dma_wait3A_310 = tpu.memref_slice %arg6[%add3A_296, %dma_wait3A_309] : memref<256x104xi32, #tpu.memory_space<vmem>> -> memref<1x104xi32, #tpu.memory_space<vmem>>
      %dma_wait3A_311 = tpu.memref_squeeze %dma_wait3A_310 : memref<1x104xi32, #tpu.memory_space<vmem>> -> memref<104xi32, #tpu.memory_space<vmem>>
      %dma_wait3A_312 = arith.constant 0 : i32
      %dma_wait3A_313 = arith.constant 0 : i32
      %dma_wait3A_314 = tpu.memref_slice %arg3[%dma_wait3A_312, %dma_wait3A_313] : memref<100000x64xi32, #tpu.memory_space<hbm>> -> memref<100000x64xi32, #tpu.memory_space<hbm>>
      tpu.wait_indirect_dma semaphore(%arg12 : memref<!tpu.dma_semaphore, #tpu.memory_space<semaphore_mem>>) src(%dma_wait3A_314 : memref<100000x64xi32, #tpu.memory_space<hbm>>) dst(%dma_wait3A_308 : memref<104x64xi32, #tpu.memory_space<vmem>>)
      %scan3A_315 = arith.constant 0 : i32
      %scan3A_316 = arith.constant 0 : i32
      %scan3A_317 = arith.constant 50 : i32
      %scan3A_318 = arith.addi %scan3A_316, %scan3A_317 : i32
      %scan3A_319 = arith.constant 1 : i32
      %scan3A_320 = scf.for %scan3A_376 = %scan3A_316 to %scan3A_318 step %scan3A_319 iter_args(%scan3A_377 = %scan3A_315) -> (i32)  : i32 {
        %mul3A_378 = arith.constant 2 : i32
        %mul3A_379 = arith.muli %scan3A_376, %mul3A_378 : i32
        %add3A_380 = arith.constant 0 : i32
        %add3A_381 = arith.addi %mul3A_379, %add3A_380 : i32
        %get3A = arith.constant 1 : i32
        %get3A_382 = arith.index_cast %get3A : i32 to index
        %get3A_383 = arith.index_cast %add3A_381 : i32 to index
        %get3A_384 = arith.constant 0 : index
        %get3A_385 = tpu.vector_load %arg8[%get3A_382, %get3A_383, %get3A_384] {strides = array<i32>} : memref<2x104x64xi32, #tpu.memory_space<vmem>>, vector<1x1x16xi32>,
        %get3A_386 = vector.shape_cast %get3A_385 : vector<1x1x16xi32> to vector<16xi32>
        %shift_left3A = arith.constant 16 : i32
        %shift_left3A_387 = vector.broadcast %shift_left3A : i32 to vector<16xi32>
        %shift_left3A_388 = arith.shli %get3A_386, %shift_left3A_387 : vector<16xi32>
        %bitcast_convert_type3A = tpu.bitcast %shift_left3A_388 : vector<16xi32> -> vector<16xf32>
        %and3A = arith.constant -65536 : i32
        %and3A_389 = vector.broadcast %and3A : i32 to vector<16xi32>
        %and3A_390 = arith.andi %get3A_386, %and3A_389 : vector<16xi32>
        %bitcast_convert_type3A_391 = tpu.bitcast %and3A_390 : vector<16xi32> -> vector<16xf32>
        %add3A_392 = arith.constant 100 : i32
        %add3A_393 = arith.addi %add3A_392, %add3A_381 : i32
        %get3A_394 = arith.index_cast %add3A_393 : i32 to index
        %get3A_395 = arith.constant 0 : index
        %get3A_396 = tpu.vector_load %arg7[%get3A_394, %get3A_395] {strides = array<i32>} : memref<200x64xi32, #tpu.memory_space<vmem>>, vector<1x16xi32>,
        %get3A_397 = vector.shape_cast %get3A_396 : vector<1x16xi32> to vector<16xi32>
        %shift_left3A_398 = arith.constant 16 : i32
        %shift_left3A_399 = vector.broadcast %shift_left3A_398 : i32 to vector<16xi32>
        %shift_left3A_400 = arith.shli %get3A_397, %shift_left3A_399 : vector<16xi32>
        %bitcast_convert_type3A_401 = tpu.bitcast %shift_left3A_400 : vector<16xi32> -> vector<16xf32>
        %and3A_402 = arith.constant -65536 : i32
        %and3A_403 = vector.broadcast %and3A_402 : i32 to vector<16xi32>
        %and3A_404 = arith.andi %get3A_397, %and3A_403 : vector<16xi32>
        %bitcast_convert_type3A_405 = tpu.bitcast %and3A_404 : vector<16xi32> -> vector<16xf32>
        %add3A_406 = arith.addf %bitcast_convert_type3A, %bitcast_convert_type3A_401 : vector<16xf32>
        %swap3A = arith.constant 1 : i32
        %swap3A_407 = arith.constant 1 : i32
        %swap3A_408 = arith.index_cast %swap3A : i32 to index
        %swap3A_409 = arith.index_cast %swap3A_407 : i32 to index
        %swap3A_410 = arith.index_cast %add3A_381 : i32 to index
        %swap3A_411 = arith.constant 0 : index
        %swap3A_412 = tpu.vector_load %arg9[%swap3A_408, %swap3A_409, %swap3A_410, %swap3A_411] {strides = array<i32>} : memref<2x2x100x128xf32, #tpu.memory_space<vmem>>, vector<1x1x1x16xf32>,
        %swap3A_413 = vector.shape_cast %swap3A_412 : vector<1x1x1x16xf32> to vector<16xf32>
        %swap3A_414 = vector.shape_cast %add3A_406 : vector<16xf32> to vector<1x1x1x16xf32>
        tpu.vector_store %arg9[%swap3A_408, %swap3A_409, %swap3A_410, %swap3A_411], %swap3A_414 {strides = array<i32>} : memref<2x2x100x128xf32, #tpu.memory_space<vmem>>, vector<1x1x1x16xf32>,
        %add3A_415 = arith.addf %bitcast_convert_type3A_391, %bitcast_convert_type3A_405 : vector<16xf32>
        %swap3A_416 = arith.constant 1 : i32
        %swap3A_417 = arith.constant 1 : i32
        %swap3A_418 = arith.index_cast %swap3A_416 : i32 to index
        %swap3A_419 = arith.index_cast %swap3A_417 : i32 to index
        %swap3A_420 = arith.index_cast %add3A_381 : i32 to index
        %swap3A_421 = arith.constant 64 : index
        %swap3A_422 = tpu.vector_load %arg9[%swap3A_418, %swap3A_419, %swap3A_420, %swap3A_421] {strides = array<i32>} : memref<2x2x100x128xf32, #tpu.memory_space<vmem>>, vector<1x1x1x16xf32>,
        %swap3A_423 = vector.shape_cast %swap3A_422 : vector<1x1x1x16xf32> to vector<16xf32>
        %swap3A_424 = vector.shape_cast %add3A_415 : vector<16xf32> to vector<1x1x1x16xf32>
        tpu.vector_store %arg9[%swap3A_418, %swap3A_419, %swap3A_420, %swap3A_421], %swap3A_424 {strides = array<i32>} : memref<2x2x100x128xf32, #tpu.memory_space<vmem>>, vector<1x1x1x16xf32>,
        %get3A_425 = arith.constant 1 : i32
        %get3A_426 = arith.index_cast %get3A_425 : i32 to index
        %get3A_427 = arith.index_cast %add3A_381 : i32 to index
        %get3A_428 = arith.constant 16 : index
        %get3A_429 = tpu.vector_load %arg8[%get3A_426, %get3A_427, %get3A_428] {strides = array<i32>} : memref<2x104x64xi32, #tpu.memory_space<vmem>>, vector<1x1x16xi32>,
        %get3A_430 = vector.shape_cast %get3A_429 : vector<1x1x16xi32> to vector<16xi32>
        %shift_left3A_431 = arith.constant 16 : i32
        %shift_left3A_432 = vector.broadcast %shift_left3A_431 : i32 to vector<16xi32>
        %shift_left3A_433 = arith.shli %get3A_430, %shift_left3A_432 : vector<16xi32>
        %bitcast_convert_type3A_434 = tpu.bitcast %shift_left3A_433 : vector<16xi32> -> vector<16xf32>
        %and3A_435 = arith.constant -65536 : i32
        %and3A_436 = vector.broadcast %and3A_435 : i32 to vector<16xi32>
        %and3A_437 = arith.andi %get3A_430, %and3A_436 : vector<16xi32>
        %bitcast_convert_type3A_438 = tpu.bitcast %and3A_437 : vector<16xi32> -> vector<16xf32>
        %add3A_439 = arith.constant 100 : i32
        %add3A_440 = arith.addi %add3A_439, %add3A_381 : i32
        %get3A_441 = arith.index_cast %add3A_440 : i32 to index
        %get3A_442 = arith.constant 16 : index
        %get3A_443 = tpu.vector_load %arg7[%get3A_441, %get3A_442] {strides = array<i32>} : memref<200x64xi32, #tpu.memory_space<vmem>>, vector<1x16xi32>,
        %get3A_444 = vector.shape_cast %get3A_443 : vector<1x16xi32> to vector<16xi32>
        %shift_left3A_445 = arith.constant 16 : i32
        %shift_left3A_446 = vector.broadcast %shift_left3A_445 : i32 to vector<16xi32>
        %shift_left3A_447 = arith.shli %get3A_444, %shift_left3A_446 : vector<16xi32>
        %bitcast_convert_type3A_448 = tpu.bitcast %shift_left3A_447 : vector<16xi32> -> vector<16xf32>
        %and3A_449 = arith.constant -65536 : i32
        %and3A_450 = vector.broadcast %and3A_449 : i32 to vector<16xi32>
        %and3A_451 = arith.andi %get3A_444, %and3A_450 : vector<16xi32>
        %bitcast_convert_type3A_452 = tpu.bitcast %and3A_451 : vector<16xi32> -> vector<16xf32>
        %add3A_453 = arith.addf %bitcast_convert_type3A_434, %bitcast_convert_type3A_448 : vector<16xf32>
        %swap3A_454 = arith.constant 1 : i32
        %swap3A_455 = arith.constant 1 : i32
        %swap3A_456 = arith.index_cast %swap3A_454 : i32 to index
        %swap3A_457 = arith.index_cast %swap3A_455 : i32 to index
        %swap3A_458 = arith.index_cast %add3A_381 : i32 to index
        %swap3A_459 = arith.constant 16 : index
        %swap3A_460 = tpu.vector_load %arg9[%swap3A_456, %swap3A_457, %swap3A_458, %swap3A_459] {strides = array<i32>} : memref<2x2x100x128xf32, #tpu.memory_space<vmem>>, vector<1x1x1x16xf32>,
        %swap3A_461 = vector.shape_cast %swap3A_460 : vector<1x1x1x16xf32> to vector<16xf32>
        %swap3A_462 = vector.shape_cast %add3A_453 : vector<16xf32> to vector<1x1x1x16xf32>
        tpu.vector_store %arg9[%swap3A_456, %swap3A_457, %swap3A_458, %swap3A_459], %swap3A_462 {strides = array<i32>} : memref<2x2x100x128xf32, #tpu.memory_space<vmem>>, vector<1x1x1x16xf32>,
        %add3A_463 = arith.addf %bitcast_convert_type3A_438, %bitcast_convert_type3A_452 : vector<16xf32>
        %swap3A_464 = arith.constant 1 : i32
        %swap3A_465 = arith.constant 1 : i32
        %swap3A_466 = arith.index_cast %swap3A_464 : i32 to index
        %swap3A_467 = arith.index_cast %swap3A_465 : i32 to index
        %swap3A_468 = arith.index_cast %add3A_381 : i32 to index
        %swap3A_469 = arith.constant 80 : index
        %swap3A_470 = tpu.vector_load %arg9[%swap3A_466, %swap3A_467, %swap3A_468, %swap3A_469] {strides = array<i32>} : memref<2x2x100x128xf32, #tpu.memory_space<vmem>>, vector<1x1x1x16xf32>,
        %swap3A_471 = vector.shape_cast %swap3A_470 : vector<1x1x1x16xf32> to vector<16xf32>
        %swap3A_472 = vector.shape_cast %add3A_463 : vector<16xf32> to vector<1x1x1x16xf32>
        tpu.vector_store %arg9[%swap3A_466, %swap3A_467, %swap3A_468, %swap3A_469], %swap3A_472 {strides = array<i32>} : memref<2x2x100x128xf32, #tpu.memory_space<vmem>>, vector<1x1x1x16xf32>,
        %get3A_473 = arith.constant 1 : i32
        %get3A_474 = arith.index_cast %get3A_473 : i32 to index
        %get3A_475 = arith.index_cast %add3A_381 : i32 to index
        %get3A_476 = arith.constant 32 : index
        %get3A_477 = tpu.vector_load %arg8[%get3A_474, %get3A_475, %get3A_476] {strides = array<i32>} : memref<2x104x64xi32, #tpu.memory_space<vmem>>, vector<1x1x16xi32>,
        %get3A_478 = vector.shape_cast %get3A_477 : vector<1x1x16xi32> to vector<16xi32>
        %shift_left3A_479 = arith.constant 16 : i32
        %shift_left3A_480 = vector.broadcast %shift_left3A_479 : i32 to vector<16xi32>
        %shift_left3A_481 = arith.shli %get3A_478, %shift_left3A_480 : vector<16xi32>
        %bitcast_convert_type3A_482 = tpu.bitcast %shift_left3A_481 : vector<16xi32> -> vector<16xf32>
        %and3A_483 = arith.constant -65536 : i32
        %and3A_484 = vector.broadcast %and3A_483 : i32 to vector<16xi32>
        %and3A_485 = arith.andi %get3A_478, %and3A_484 : vector<16xi32>
        %bitcast_convert_type3A_486 = tpu.bitcast %and3A_485 : vector<16xi32> -> vector<16xf32>
        %add3A_487 = arith.constant 100 : i32
        %add3A_488 = arith.addi %add3A_487, %add3A_381 : i32
        %get3A_489 = arith.index_cast %add3A_488 : i32 to index
        %get3A_490 = arith.constant 32 : index
        %get3A_491 = tpu.vector_load %arg7[%get3A_489, %get3A_490] {strides = array<i32>} : memref<200x64xi32, #tpu.memory_space<vmem>>, vector<1x16xi32>,
        %get3A_492 = vector.shape_cast %get3A_491 : vector<1x16xi32> to vector<16xi32>
        %shift_left3A_493 = arith.constant 16 : i32
        %shift_left3A_494 = vector.broadcast %shift_left3A_493 : i32 to vector<16xi32>
        %shift_left3A_495 = arith.shli %get3A_492, %shift_left3A_494 : vector<16xi32>
        %bitcast_convert_type3A_496 = tpu.bitcast %shift_left3A_495 : vector<16xi32> -> vector<16xf32>
        %and3A_497 = arith.constant -65536 : i32
        %and3A_498 = vector.broadcast %and3A_497 : i32 to vector<16xi32>
        %and3A_499 = arith.andi %get3A_492, %and3A_498 : vector<16xi32>
        %bitcast_convert_type3A_500 = tpu.bitcast %and3A_499 : vector<16xi32> -> vector<16xf32>
        %add3A_501 = arith.addf %bitcast_convert_type3A_482, %bitcast_convert_type3A_496 : vector<16xf32>
        %swap3A_502 = arith.constant 1 : i32
        %swap3A_503 = arith.constant 1 : i32
        %swap3A_504 = arith.index_cast %swap3A_502 : i32 to index
        %swap3A_505 = arith.index_cast %swap3A_503 : i32 to index
        %swap3A_506 = arith.index_cast %add3A_381 : i32 to index
        %swap3A_507 = arith.constant 32 : index
        %swap3A_508 = tpu.vector_load %arg9[%swap3A_504, %swap3A_505, %swap3A_506, %swap3A_507] {strides = array<i32>} : memref<2x2x100x128xf32, #tpu.memory_space<vmem>>, vector<1x1x1x16xf32>,
        %swap3A_509 = vector.shape_cast %swap3A_508 : vector<1x1x1x16xf32> to vector<16xf32>
        %swap3A_510 = vector.shape_cast %add3A_501 : vector<16xf32> to vector<1x1x1x16xf32>
        tpu.vector_store %arg9[%swap3A_504, %swap3A_505, %swap3A_506, %swap3A_507], %swap3A_510 {strides = array<i32>} : memref<2x2x100x128xf32, #tpu.memory_space<vmem>>, vector<1x1x1x16xf32>,
        %add3A_511 = arith.addf %bitcast_convert_type3A_486, %bitcast_convert_type3A_500 : vector<16xf32>
        %swap3A_512 = arith.constant 1 : i32
        %swap3A_513 = arith.constant 1 : i32
        %swap3A_514 = arith.index_cast %swap3A_512 : i32 to index
        %swap3A_515 = arith.index_cast %swap3A_513 : i32 to index
        %swap3A_516 = arith.index_cast %add3A_381 : i32 to index
        %swap3A_517 = arith.constant 96 : index
        %swap3A_518 = tpu.vector_load %arg9[%swap3A_514, %swap3A_515, %swap3A_516, %swap3A_517] {strides = array<i32>} : memref<2x2x100x128xf32, #tpu.memory_space<vmem>>, vector<1x1x1x16xf32>,
        %swap3A_519 = vector.shape_cast %swap3A_518 : vector<1x1x1x16xf32> to vector<16xf32>
        %swap3A_520 = vector.shape_cast %add3A_511 : vector<16xf32> to vector<1x1x1x16xf32>
        tpu.vector_store %arg9[%swap3A_514, %swap3A_515, %swap3A_516, %swap3A_517], %swap3A_520 {strides = array<i32>} : memref<2x2x100x128xf32, #tpu.memory_space<vmem>>, vector<1x1x1x16xf32>,
        %get3A_521 = arith.constant 1 : i32
        %get3A_522 = arith.index_cast %get3A_521 : i32 to index
        %get3A_523 = arith.index_cast %add3A_381 : i32 to index
        %get3A_524 = arith.constant 48 : index
        %get3A_525 = tpu.vector_load %arg8[%get3A_522, %get3A_523, %get3A_524] {strides = array<i32>} : memref<2x104x64xi32, #tpu.memory_space<vmem>>, vector<1x1x16xi32>,
        %get3A_526 = vector.shape_cast %get3A_525 : vector<1x1x16xi32> to vector<16xi32>
        %shift_left3A_527 = arith.constant 16 : i32
        %shift_left3A_528 = vector.broadcast %shift_left3A_527 : i32 to vector<16xi32>
        %shift_left3A_529 = arith.shli %get3A_526, %shift_left3A_528 : vector<16xi32>
        %bitcast_convert_type3A_530 = tpu.bitcast %shift_left3A_529 : vector<16xi32> -> vector<16xf32>
        %and3A_531 = arith.constant -65536 : i32
        %and3A_532 = vector.broadcast %and3A_531 : i32 to vector<16xi32>
        %and3A_533 = arith.andi %get3A_526, %and3A_532 : vector<16xi32>
        %bitcast_convert_type3A_534 = tpu.bitcast %and3A_533 : vector<16xi32> -> vector<16xf32>
        %add3A_535 = arith.constant 100 : i32
        %add3A_536 = arith.addi %add3A_535, %add3A_381 : i32
        %get3A_537 = arith.index_cast %add3A_536 : i32 to index
        %get3A_538 = arith.constant 48 : index
        %get3A_539 = tpu.vector_load %arg7[%get3A_537, %get3A_538] {strides = array<i32>} : memref<200x64xi32, #tpu.memory_space<vmem>>, vector<1x16xi32>,
        %get3A_540 = vector.shape_cast %get3A_539 : vector<1x16xi32> to vector<16xi32>
        %shift_left3A_541 = arith.constant 16 : i32
        %shift_left3A_542 = vector.broadcast %shift_left3A_541 : i32 to vector<16xi32>
        %shift_left3A_543 = arith.shli %get3A_540, %shift_left3A_542 : vector<16xi32>
        %bitcast_convert_type3A_544 = tpu.bitcast %shift_left3A_543 : vector<16xi32> -> vector<16xf32>
        %and3A_545 = arith.constant -65536 : i32
        %and3A_546 = vector.broadcast %and3A_545 : i32 to vector<16xi32>
        %and3A_547 = arith.andi %get3A_540, %and3A_546 : vector<16xi32>
        %bitcast_convert_type3A_548 = tpu.bitcast %and3A_547 : vector<16xi32> -> vector<16xf32>
        %add3A_549 = arith.addf %bitcast_convert_type3A_530, %bitcast_convert_type3A_544 : vector<16xf32>
        %swap3A_550 = arith.constant 1 : i32
        %swap3A_551 = arith.constant 1 : i32
        %swap3A_552 = arith.index_cast %swap3A_550 : i32 to index
        %swap3A_553 = arith.index_cast %swap3A_551 : i32 to index
        %swap3A_554 = arith.index_cast %add3A_381 : i32 to index
        %swap3A_555 = arith.constant 48 : index
        %swap3A_556 = tpu.vector_load %arg9[%swap3A_552, %swap3A_553, %swap3A_554, %swap3A_555] {strides = array<i32>} : memref<2x2x100x128xf32, #tpu.memory_space<vmem>>, vector<1x1x1x16xf32>,
        %swap3A_557 = vector.shape_cast %swap3A_556 : vector<1x1x1x16xf32> to vector<16xf32>
        %swap3A_558 = vector.shape_cast %add3A_549 : vector<16xf32> to vector<1x1x1x16xf32>
        tpu.vector_store %arg9[%swap3A_552, %swap3A_553, %swap3A_554, %swap3A_555], %swap3A_558 {strides = array<i32>} : memref<2x2x100x128xf32, #tpu.memory_space<vmem>>, vector<1x1x1x16xf32>,
        %add3A_559 = arith.addf %bitcast_convert_type3A_534, %bitcast_convert_type3A_548 : vector<16xf32>
        %swap3A_560 = arith.constant 1 : i32
        %swap3A_561 = arith.constant 1 : i32
        %swap3A_562 = arith.index_cast %swap3A_560 : i32 to index
        %swap3A_563 = arith.index_cast %swap3A_561 : i32 to index
        %swap3A_564 = arith.index_cast %add3A_381 : i32 to index
        %swap3A_565 = arith.constant 112 : index
        %swap3A_566 = tpu.vector_load %arg9[%swap3A_562, %swap3A_563, %swap3A_564, %swap3A_565] {strides = array<i32>} : memref<2x2x100x128xf32, #tpu.memory_space<vmem>>, vector<1x1x1x16xf32>,
        %swap3A_567 = vector.shape_cast %swap3A_566 : vector<1x1x1x16xf32> to vector<16xf32>
        %swap3A_568 = vector.shape_cast %add3A_559 : vector<16xf32> to vector<1x1x1x16xf32>
        tpu.vector_store %arg9[%swap3A_562, %swap3A_563, %swap3A_564, %swap3A_565], %swap3A_568 {strides = array<i32>} : memref<2x2x100x128xf32, #tpu.memory_space<vmem>>, vector<1x1x1x16xf32>,
        %mul3A_569 = arith.constant 2 : i32
        %mul3A_570 = arith.muli %scan3A_376, %mul3A_569 : i32
        %add3A_571 = arith.constant 1 : i32
        %add3A_572 = arith.addi %mul3A_570, %add3A_571 : i32
        %get3A_573 = arith.constant 1 : i32
        %get3A_574 = arith.index_cast %get3A_573 : i32 to index
        %get3A_575 = arith.index_cast %add3A_572 : i32 to index
        %get3A_576 = arith.constant 0 : index
        %get3A_577 = tpu.vector_load %arg8[%get3A_574, %get3A_575, %get3A_576] {strides = array<i32>} : memref<2x104x64xi32, #tpu.memory_space<vmem>>, vector<1x1x16xi32>,
        %get3A_578 = vector.shape_cast %get3A_577 : vector<1x1x16xi32> to vector<16xi32>
        %shift_left3A_579 = arith.constant 16 : i32
        %shift_left3A_580 = vector.broadcast %shift_left3A_579 : i32 to vector<16xi32>
        %shift_left3A_581 = arith.shli %get3A_578, %shift_left3A_580 : vector<16xi32>
        %bitcast_convert_type3A_582 = tpu.bitcast %shift_left3A_581 : vector<16xi32> -> vector<16xf32>
        %and3A_583 = arith.constant -65536 : i32
        %and3A_584 = vector.broadcast %and3A_583 : i32 to vector<16xi32>
        %and3A_585 = arith.andi %get3A_578, %and3A_584 : vector<16xi32>
        %bitcast_convert_type3A_586 = tpu.bitcast %and3A_585 : vector<16xi32> -> vector<16xf32>
        %add3A_587 = arith.constant 100 : i32
        %add3A_588 = arith.addi %add3A_587, %add3A_572 : i32
        %get3A_589 = arith.index_cast %add3A_588 : i32 to index
        %get3A_590 = arith.constant 0 : index
        %get3A_591 = tpu.vector_load %arg7[%get3A_589, %get3A_590] {strides = array<i32>} : memref<200x64xi32, #tpu.memory_space<vmem>>, vector<1x16xi32>,
        %get3A_592 = vector.shape_cast %get3A_591 : vector<1x16xi32> to vector<16xi32>
        %shift_left3A_593 = arith.constant 16 : i32
        %shift_left3A_594 = vector.broadcast %shift_left3A_593 : i32 to vector<16xi32>
        %shift_left3A_595 = arith.shli %get3A_592, %shift_left3A_594 : vector<16xi32>
        %bitcast_convert_type3A_596 = tpu.bitcast %shift_left3A_595 : vector<16xi32> -> vector<16xf32>
        %and3A_597 = arith.constant -65536 : i32
        %and3A_598 = vector.broadcast %and3A_597 : i32 to vector<16xi32>
        %and3A_599 = arith.andi %get3A_592, %and3A_598 : vector<16xi32>
        %bitcast_convert_type3A_600 = tpu.bitcast %and3A_599 : vector<16xi32> -> vector<16xf32>
        %add3A_601 = arith.addf %bitcast_convert_type3A_582, %bitcast_convert_type3A_596 : vector<16xf32>
        %swap3A_602 = arith.constant 1 : i32
        %swap3A_603 = arith.constant 1 : i32
        %swap3A_604 = arith.index_cast %swap3A_602 : i32 to index
        %swap3A_605 = arith.index_cast %swap3A_603 : i32 to index
        %swap3A_606 = arith.index_cast %add3A_572 : i32 to index
        %swap3A_607 = arith.constant 0 : index
        %swap3A_608 = tpu.vector_load %arg9[%swap3A_604, %swap3A_605, %swap3A_606, %swap3A_607] {strides = array<i32>} : memref<2x2x100x128xf32, #tpu.memory_space<vmem>>, vector<1x1x1x16xf32>,
        %swap3A_609 = vector.shape_cast %swap3A_608 : vector<1x1x1x16xf32> to vector<16xf32>
        %swap3A_610 = vector.shape_cast %add3A_601 : vector<16xf32> to vector<1x1x1x16xf32>
        tpu.vector_store %arg9[%swap3A_604, %swap3A_605, %swap3A_606, %swap3A_607], %swap3A_610 {strides = array<i32>} : memref<2x2x100x128xf32, #tpu.memory_space<vmem>>, vector<1x1x1x16xf32>,
        %add3A_611 = arith.addf %bitcast_convert_type3A_586, %bitcast_convert_type3A_600 : vector<16xf32>
        %swap3A_612 = arith.constant 1 : i32
        %swap3A_613 = arith.constant 1 : i32
        %swap3A_614 = arith.index_cast %swap3A_612 : i32 to index
        %swap3A_615 = arith.index_cast %swap3A_613 : i32 to index
        %swap3A_616 = arith.index_cast %add3A_572 : i32 to index
        %swap3A_617 = arith.constant 64 : index
        %swap3A_618 = tpu.vector_load %arg9[%swap3A_614, %swap3A_615, %swap3A_616, %swap3A_617] {strides = array<i32>} : memref<2x2x100x128xf32, #tpu.memory_space<vmem>>, vector<1x1x1x16xf32>,
        %swap3A_619 = vector.shape_cast %swap3A_618 : vector<1x1x1x16xf32> to vector<16xf32>
        %swap3A_620 = vector.shape_cast %add3A_611 : vector<16xf32> to vector<1x1x1x16xf32>
        tpu.vector_store %arg9[%swap3A_614, %swap3A_615, %swap3A_616, %swap3A_617], %swap3A_620 {strides = array<i32>} : memref<2x2x100x128xf32, #tpu.memory_space<vmem>>, vector<1x1x1x16xf32>,
        %get3A_621 = arith.constant 1 : i32
        %get3A_622 = arith.index_cast %get3A_621 : i32 to index
        %get3A_623 = arith.index_cast %add3A_572 : i32 to index
        %get3A_624 = arith.constant 16 : index
        %get3A_625 = tpu.vector_load %arg8[%get3A_622, %get3A_623, %get3A_624] {strides = array<i32>} : memref<2x104x64xi32, #tpu.memory_space<vmem>>, vector<1x1x16xi32>,
        %get3A_626 = vector.shape_cast %get3A_625 : vector<1x1x16xi32> to vector<16xi32>
        %shift_left3A_627 = arith.constant 16 : i32
        %shift_left3A_628 = vector.broadcast %shift_left3A_627 : i32 to vector<16xi32>
        %shift_left3A_629 = arith.shli %get3A_626, %shift_left3A_628 : vector<16xi32>
        %bitcast_convert_type3A_630 = tpu.bitcast %shift_left3A_629 : vector<16xi32> -> vector<16xf32>
        %and3A_631 = arith.constant -65536 : i32
        %and3A_632 = vector.broadcast %and3A_631 : i32 to vector<16xi32>
        %and3A_633 = arith.andi %get3A_626, %and3A_632 : vector<16xi32>
        %bitcast_convert_type3A_634 = tpu.bitcast %and3A_633 : vector<16xi32> -> vector<16xf32>
        %add3A_635 = arith.constant 100 : i32
        %add3A_636 = arith.addi %add3A_635, %add3A_572 : i32
        %get3A_637 = arith.index_cast %add3A_636 : i32 to index
        %get3A_638 = arith.constant 16 : index
        %get3A_639 = tpu.vector_load %arg7[%get3A_637, %get3A_638] {strides = array<i32>} : memref<200x64xi32, #tpu.memory_space<vmem>>, vector<1x16xi32>,
        %get3A_640 = vector.shape_cast %get3A_639 : vector<1x16xi32> to vector<16xi32>
        %shift_left3A_641 = arith.constant 16 : i32
        %shift_left3A_642 = vector.broadcast %shift_left3A_641 : i32 to vector<16xi32>
        %shift_left3A_643 = arith.shli %get3A_640, %shift_left3A_642 : vector<16xi32>
        %bitcast_convert_type3A_644 = tpu.bitcast %shift_left3A_643 : vector<16xi32> -> vector<16xf32>
        %and3A_645 = arith.constant -65536 : i32
        %and3A_646 = vector.broadcast %and3A_645 : i32 to vector<16xi32>
        %and3A_647 = arith.andi %get3A_640, %and3A_646 : vector<16xi32>
        %bitcast_convert_type3A_648 = tpu.bitcast %and3A_647 : vector<16xi32> -> vector<16xf32>
        %add3A_649 = arith.addf %bitcast_convert_type3A_630, %bitcast_convert_type3A_644 : vector<16xf32>
        %swap3A_650 = arith.constant 1 : i32
        %swap3A_651 = arith.constant 1 : i32
        %swap3A_652 = arith.index_cast %swap3A_650 : i32 to index
        %swap3A_653 = arith.index_cast %swap3A_651 : i32 to index
        %swap3A_654 = arith.index_cast %add3A_572 : i32 to index
        %swap3A_655 = arith.constant 16 : index
        %swap3A_656 = tpu.vector_load %arg9[%swap3A_652, %swap3A_653, %swap3A_654, %swap3A_655] {strides = array<i32>} : memref<2x2x100x128xf32, #tpu.memory_space<vmem>>, vector<1x1x1x16xf32>,
        %swap3A_657 = vector.shape_cast %swap3A_656 : vector<1x1x1x16xf32> to vector<16xf32>
        %swap3A_658 = vector.shape_cast %add3A_649 : vector<16xf32> to vector<1x1x1x16xf32>
        tpu.vector_store %arg9[%swap3A_652, %swap3A_653, %swap3A_654, %swap3A_655], %swap3A_658 {strides = array<i32>} : memref<2x2x100x128xf32, #tpu.memory_space<vmem>>, vector<1x1x1x16xf32>,
        %add3A_659 = arith.addf %bitcast_convert_type3A_634, %bitcast_convert_type3A_648 : vector<16xf32>
        %swap3A_660 = arith.constant 1 : i32
        %swap3A_661 = arith.constant 1 : i32
        %swap3A_662 = arith.index_cast %swap3A_660 : i32 to index
        %swap3A_663 = arith.index_cast %swap3A_661 : i32 to index
        %swap3A_664 = arith.index_cast %add3A_572 : i32 to index
        %swap3A_665 = arith.constant 80 : index
        %swap3A_666 = tpu.vector_load %arg9[%swap3A_662, %swap3A_663, %swap3A_664, %swap3A_665] {strides = array<i32>} : memref<2x2x100x128xf32, #tpu.memory_space<vmem>>, vector<1x1x1x16xf32>,
        %swap3A_667 = vector.shape_cast %swap3A_666 : vector<1x1x1x16xf32> to vector<16xf32>
        %swap3A_668 = vector.shape_cast %add3A_659 : vector<16xf32> to vector<1x1x1x16xf32>
        tpu.vector_store %arg9[%swap3A_662, %swap3A_663, %swap3A_664, %swap3A_665], %swap3A_668 {strides = array<i32>} : memref<2x2x100x128xf32, #tpu.memory_space<vmem>>, vector<1x1x1x16xf32>,
        %get3A_669 = arith.constant 1 : i32
        %get3A_670 = arith.index_cast %get3A_669 : i32 to index
        %get3A_671 = arith.index_cast %add3A_572 : i32 to index
        %get3A_672 = arith.constant 32 : index
        %get3A_673 = tpu.vector_load %arg8[%get3A_670, %get3A_671, %get3A_672] {strides = array<i32>} : memref<2x104x64xi32, #tpu.memory_space<vmem>>, vector<1x1x16xi32>,
        %get3A_674 = vector.shape_cast %get3A_673 : vector<1x1x16xi32> to vector<16xi32>
        %shift_left3A_675 = arith.constant 16 : i32
        %shift_left3A_676 = vector.broadcast %shift_left3A_675 : i32 to vector<16xi32>
        %shift_left3A_677 = arith.shli %get3A_674, %shift_left3A_676 : vector<16xi32>
        %bitcast_convert_type3A_678 = tpu.bitcast %shift_left3A_677 : vector<16xi32> -> vector<16xf32>
        %and3A_679 = arith.constant -65536 : i32
        %and3A_680 = vector.broadcast %and3A_679 : i32 to vector<16xi32>
        %and3A_681 = arith.andi %get3A_674, %and3A_680 : vector<16xi32>
        %bitcast_convert_type3A_682 = tpu.bitcast %and3A_681 : vector<16xi32> -> vector<16xf32>
        %add3A_683 = arith.constant 100 : i32
        %add3A_684 = arith.addi %add3A_683, %add3A_572 : i32
        %get3A_685 = arith.index_cast %add3A_684 : i32 to index
        %get3A_686 = arith.constant 32 : index
        %get3A_687 = tpu.vector_load %arg7[%get3A_685, %get3A_686] {strides = array<i32>} : memref<200x64xi32, #tpu.memory_space<vmem>>, vector<1x16xi32>,
        %get3A_688 = vector.shape_cast %get3A_687 : vector<1x16xi32> to vector<16xi32>
        %shift_left3A_689 = arith.constant 16 : i32
        %shift_left3A_690 = vector.broadcast %shift_left3A_689 : i32 to vector<16xi32>
        %shift_left3A_691 = arith.shli %get3A_688, %shift_left3A_690 : vector<16xi32>
        %bitcast_convert_type3A_692 = tpu.bitcast %shift_left3A_691 : vector<16xi32> -> vector<16xf32>
        %and3A_693 = arith.constant -65536 : i32
        %and3A_694 = vector.broadcast %and3A_693 : i32 to vector<16xi32>
        %and3A_695 = arith.andi %get3A_688, %and3A_694 : vector<16xi32>
        %bitcast_convert_type3A_696 = tpu.bitcast %and3A_695 : vector<16xi32> -> vector<16xf32>
        %add3A_697 = arith.addf %bitcast_convert_type3A_678, %bitcast_convert_type3A_692 : vector<16xf32>
        %swap3A_698 = arith.constant 1 : i32
        %swap3A_699 = arith.constant 1 : i32
        %swap3A_700 = arith.index_cast %swap3A_698 : i32 to index
        %swap3A_701 = arith.index_cast %swap3A_699 : i32 to index
        %swap3A_702 = arith.index_cast %add3A_572 : i32 to index
        %swap3A_703 = arith.constant 32 : index
        %swap3A_704 = tpu.vector_load %arg9[%swap3A_700, %swap3A_701, %swap3A_702, %swap3A_703] {strides = array<i32>} : memref<2x2x100x128xf32, #tpu.memory_space<vmem>>, vector<1x1x1x16xf32>,
        %swap3A_705 = vector.shape_cast %swap3A_704 : vector<1x1x1x16xf32> to vector<16xf32>
        %swap3A_706 = vector.shape_cast %add3A_697 : vector<16xf32> to vector<1x1x1x16xf32>
        tpu.vector_store %arg9[%swap3A_700, %swap3A_701, %swap3A_702, %swap3A_703], %swap3A_706 {strides = array<i32>} : memref<2x2x100x128xf32, #tpu.memory_space<vmem>>, vector<1x1x1x16xf32>,
        %add3A_707 = arith.addf %bitcast_convert_type3A_682, %bitcast_convert_type3A_696 : vector<16xf32>
        %swap3A_708 = arith.constant 1 : i32
        %swap3A_709 = arith.constant 1 : i32
        %swap3A_710 = arith.index_cast %swap3A_708 : i32 to index
        %swap3A_711 = arith.index_cast %swap3A_709 : i32 to index
        %swap3A_712 = arith.index_cast %add3A_572 : i32 to index
        %swap3A_713 = arith.constant 96 : index
        %swap3A_714 = tpu.vector_load %arg9[%swap3A_710, %swap3A_711, %swap3A_712, %swap3A_713] {strides = array<i32>} : memref<2x2x100x128xf32, #tpu.memory_space<vmem>>, vector<1x1x1x16xf32>,
        %swap3A_715 = vector.shape_cast %swap3A_714 : vector<1x1x1x16xf32> to vector<16xf32>
        %swap3A_716 = vector.shape_cast %add3A_707 : vector<16xf32> to vector<1x1x1x16xf32>
        tpu.vector_store %arg9[%swap3A_710, %swap3A_711, %swap3A_712, %swap3A_713], %swap3A_716 {strides = array<i32>} : memref<2x2x100x128xf32, #tpu.memory_space<vmem>>, vector<1x1x1x16xf32>,
        %get3A_717 = arith.constant 1 : i32
        %get3A_718 = arith.index_cast %get3A_717 : i32 to index
        %get3A_719 = arith.index_cast %add3A_572 : i32 to index
        %get3A_720 = arith.constant 48 : index
        %get3A_721 = tpu.vector_load %arg8[%get3A_718, %get3A_719, %get3A_720] {strides = array<i32>} : memref<2x104x64xi32, #tpu.memory_space<vmem>>, vector<1x1x16xi32>,
        %get3A_722 = vector.shape_cast %get3A_721 : vector<1x1x16xi32> to vector<16xi32>
        %shift_left3A_723 = arith.constant 16 : i32
        %shift_left3A_724 = vector.broadcast %shift_left3A_723 : i32 to vector<16xi32>
        %shift_left3A_725 = arith.shli %get3A_722, %shift_left3A_724 : vector<16xi32>
        %bitcast_convert_type3A_726 = tpu.bitcast %shift_left3A_725 : vector<16xi32> -> vector<16xf32>
        %and3A_727 = arith.constant -65536 : i32
        %and3A_728 = vector.broadcast %and3A_727 : i32 to vector<16xi32>
        %and3A_729 = arith.andi %get3A_722, %and3A_728 : vector<16xi32>
        %bitcast_convert_type3A_730 = tpu.bitcast %and3A_729 : vector<16xi32> -> vector<16xf32>
        %add3A_731 = arith.constant 100 : i32
        %add3A_732 = arith.addi %add3A_731, %add3A_572 : i32
        %get3A_733 = arith.index_cast %add3A_732 : i32 to index
        %get3A_734 = arith.constant 48 : index
        %get3A_735 = tpu.vector_load %arg7[%get3A_733, %get3A_734] {strides = array<i32>} : memref<200x64xi32, #tpu.memory_space<vmem>>, vector<1x16xi32>,
        %get3A_736 = vector.shape_cast %get3A_735 : vector<1x16xi32> to vector<16xi32>
        %shift_left3A_737 = arith.constant 16 : i32
        %shift_left3A_738 = vector.broadcast %shift_left3A_737 : i32 to vector<16xi32>
        %shift_left3A_739 = arith.shli %get3A_736, %shift_left3A_738 : vector<16xi32>
        %bitcast_convert_type3A_740 = tpu.bitcast %shift_left3A_739 : vector<16xi32> -> vector<16xf32>
        %and3A_741 = arith.constant -65536 : i32
        %and3A_742 = vector.broadcast %and3A_741 : i32 to vector<16xi32>
        %and3A_743 = arith.andi %get3A_736, %and3A_742 : vector<16xi32>
        %bitcast_convert_type3A_744 = tpu.bitcast %and3A_743 : vector<16xi32> -> vector<16xf32>
        %add3A_745 = arith.addf %bitcast_convert_type3A_726, %bitcast_convert_type3A_740 : vector<16xf32>
        %swap3A_746 = arith.constant 1 : i32
        %swap3A_747 = arith.constant 1 : i32
        %swap3A_748 = arith.index_cast %swap3A_746 : i32 to index
        %swap3A_749 = arith.index_cast %swap3A_747 : i32 to index
        %swap3A_750 = arith.index_cast %add3A_572 : i32 to index
        %swap3A_751 = arith.constant 48 : index
        %swap3A_752 = tpu.vector_load %arg9[%swap3A_748, %swap3A_749, %swap3A_750, %swap3A_751] {strides = array<i32>} : memref<2x2x100x128xf32, #tpu.memory_space<vmem>>, vector<1x1x1x16xf32>,
        %swap3A_753 = vector.shape_cast %swap3A_752 : vector<1x1x1x16xf32> to vector<16xf32>
        %swap3A_754 = vector.shape_cast %add3A_745 : vector<16xf32> to vector<1x1x1x16xf32>
        tpu.vector_store %arg9[%swap3A_748, %swap3A_749, %swap3A_750, %swap3A_751], %swap3A_754 {strides = array<i32>} : memref<2x2x100x128xf32, #tpu.memory_space<vmem>>, vector<1x1x1x16xf32>,
        %add3A_755 = arith.addf %bitcast_convert_type3A_730, %bitcast_convert_type3A_744 : vector<16xf32>
        %swap3A_756 = arith.constant 1 : i32
        %swap3A_757 = arith.constant 1 : i32
        %swap3A_758 = arith.index_cast %swap3A_756 : i32 to index
        %swap3A_759 = arith.index_cast %swap3A_757 : i32 to index
        %swap3A_760 = arith.index_cast %add3A_572 : i32 to index
        %swap3A_761 = arith.constant 112 : index
        %swap3A_762 = tpu.vector_load %arg9[%swap3A_758, %swap3A_759, %swap3A_760, %swap3A_761] {strides = array<i32>} : memref<2x2x100x128xf32, #tpu.memory_space<vmem>>, vector<1x1x1x16xf32>,
        %swap3A_763 = vector.shape_cast %swap3A_762 : vector<1x1x1x16xf32> to vector<16xf32>
        %swap3A_764 = vector.shape_cast %add3A_755 : vector<16xf32> to vector<1x1x1x16xf32>
        tpu.vector_store %arg9[%swap3A_758, %swap3A_759, %swap3A_760, %swap3A_761], %swap3A_764 {strides = array<i32>} : memref<2x2x100x128xf32, #tpu.memory_space<vmem>>, vector<1x1x1x16xf32>,
        %scan3A_765 = arith.constant 0 : i32
        scf.yield %scan3A_765 : i32
      }
      %scan3A_321 = arith.constant 50 : i32
      %ge3A_322 = arith.constant 2 : i32
      %ge3A_323 = arith.cmpi sge, %add3A_296, %ge3A_322 : i32
      %convert_element_type3A_324 = arith.extui %ge3A_323 : i1 to i32
      %cond3A_325 = arith.constant 0 : i32
      %cond3A_326 = arith.cmpi ne, %convert_element_type3A_324, %cond3A_325 : i32
      scf.if %cond3A_326 {
        %sub3A = arith.constant 2 : i32
        %sub3A_376 = arith.subi %add3A_296, %sub3A : i32
        %add3A_377 = arith.addi %mul3A_2, %sub3A_376 : i32
        %dma_wait3A_378 = arith.constant 1 : i32
        %dma_wait3A_379 = arith.constant 0 : i32
        %dma_wait3A_380 = arith.constant 0 : i32
        %dma_wait3A_381 = tpu.memref_slice %arg5[%add3A_377, %dma_wait3A_379, %dma_wait3A_380] : memref<8192x100x128xf32, #tpu.memory_space<hbm>> -> memref<1x100x128xf32, #tpu.memory_space<hbm>>
        %dma_wait3A_382 = tpu.memref_squeeze %dma_wait3A_381 : memref<1x100x128xf32, #tpu.memory_space<hbm>> -> memref<100x128xf32, #tpu.memory_space<hbm>>
        %dma_wait3A_383 = arith.constant 0 : i32
        %dma_wait3A_384 = arith.constant 0 : i32
        %dma_wait3A_385 = tpu.memref_slice %arg10[%arg1, %dma_wait3A_378, %dma_wait3A_383, %dma_wait3A_384] : memref<16x2x100x128xf32, #tpu.memory_space<vmem_shared>> -> memref<1x1x100x128xf32, #tpu.memory_space<vmem_shared>>
        %dma_wait3A_386 = tpu.memref_squeeze %dma_wait3A_385 : memref<1x1x100x128xf32, #tpu.memory_space<vmem_shared>> -> memref<100x128xf32, #tpu.memory_space<vmem_shared>>
        tpu.wait_dma2 semaphore(%arg14 : memref<!tpu.dma_semaphore, #tpu.memory_space<semaphore_mem>>) src(%dma_wait3A_386 : memref<100x128xf32, #tpu.memory_space<vmem_shared>>) dst(%dma_wait3A_382 : memref<100x128xf32, #tpu.memory_space<hbm>>)
      } else {
      }
      %dma_start3A_327 = arith.constant 1 : i32
      %dma_start3A_328 = arith.constant 1 : i32
      %dma_start3A_329 = arith.constant 1 : i32
      %dma_start3A_330 = arith.constant 0 : i32
      %dma_start3A_331 = arith.constant 0 : i32
      %dma_start3A_332 = tpu.memref_slice %arg9[%dma_start3A_327, %dma_start3A_328, %dma_start3A_330, %dma_start3A_331] : memref<2x2x100x128xf32, #tpu.memory_space<vmem>> -> memref<1x1x100x128xf32, #tpu.memory_space<vmem>>
      %dma_start3A_333 = tpu.memref_squeeze %dma_start3A_332 : memref<1x1x100x128xf32, #tpu.memory_space<vmem>> -> memref<100x128xf32, #tpu.memory_space<vmem>>
      %dma_start3A_334 = arith.constant 0 : i32
      %dma_start3A_335 = arith.constant 0 : i32
      %dma_start3A_336 = tpu.memref_slice %arg10[%arg1, %dma_start3A_329, %dma_start3A_334, %dma_start3A_335] : memref<16x2x100x128xf32, #tpu.memory_space<vmem_shared>> -> memref<1x1x100x128xf32, #tpu.memory_space<vmem_shared>>
      %dma_start3A_337 = tpu.memref_squeeze %dma_start3A_336 : memref<1x1x100x128xf32, #tpu.memory_space<vmem_shared>> -> memref<100x128xf32, #tpu.memory_space<vmem_shared>>
      %dma_start3A_338 = arith.constant 0 : i32
      %dma_start3A_339 = arith.constant 0 : i32
      %dma_start3A_340 = tpu.memref_slice %arg10[%arg1, %dma_start3A_329, %dma_start3A_338, %dma_start3A_339] : memref<16x2x100x128xf32, #tpu.memory_space<vmem_shared>> -> memref<1x1x100x128xf32, #tpu.memory_space<vmem_shared>>
      %dma_start3A_341 = tpu.memref_squeeze %dma_start3A_340 : memref<1x1x100x128xf32, #tpu.memory_space<vmem_shared>> -> memref<100x128xf32, #tpu.memory_space<vmem_shared>>
      %dma_start3A_342 = arith.constant 0 : i32
      %dma_start3A_343 = arith.constant 0 : i32
      %dma_start3A_344 = tpu.memref_slice %arg9[%dma_start3A_327, %dma_start3A_328, %dma_start3A_342, %dma_start3A_343] : memref<2x2x100x128xf32, #tpu.memory_space<vmem>> -> memref<1x1x100x128xf32, #tpu.memory_space<vmem>>
      %dma_start3A_345 = tpu.memref_squeeze %dma_start3A_344 : memref<1x1x100x128xf32, #tpu.memory_space<vmem>> -> memref<100x128xf32, #tpu.memory_space<vmem>>
      tpu.enqueue_dma source(%dma_start3A_345 : memref<100x128xf32, #tpu.memory_space<vmem>>) target(%dma_start3A_341 : memref<100x128xf32, #tpu.memory_space<vmem_shared>>) target_semaphore(%arg16 : memref<!tpu.dma_semaphore, #tpu.memory_space<semaphore_mem>>)
      %dma_wait3A_346 = arith.constant 1 : i32
      %dma_wait3A_347 = arith.constant 1 : i32
      %dma_wait3A_348 = arith.constant 1 : i32
      %dma_wait3A_349 = arith.constant 0 : i32
      %dma_wait3A_350 = arith.constant 0 : i32
      %dma_wait3A_351 = tpu.memref_slice %arg9[%dma_wait3A_346, %dma_wait3A_347, %dma_wait3A_349, %dma_wait3A_350] : memref<2x2x100x128xf32, #tpu.memory_space<vmem>> -> memref<1x1x100x128xf32, #tpu.memory_space<vmem>>
      %dma_wait3A_352 = tpu.memref_squeeze %dma_wait3A_351 : memref<1x1x100x128xf32, #tpu.memory_space<vmem>> -> memref<100x128xf32, #tpu.memory_space<vmem>>
      %dma_wait3A_353 = arith.constant 0 : i32
      %dma_wait3A_354 = arith.constant 0 : i32
      %dma_wait3A_355 = tpu.memref_slice %arg10[%arg1, %dma_wait3A_348, %dma_wait3A_353, %dma_wait3A_354] : memref<16x2x100x128xf32, #tpu.memory_space<vmem_shared>> -> memref<1x1x100x128xf32, #tpu.memory_space<vmem_shared>>
      %dma_wait3A_356 = tpu.memref_squeeze %dma_wait3A_355 : memref<1x1x100x128xf32, #tpu.memory_space<vmem_shared>> -> memref<100x128xf32, #tpu.memory_space<vmem_shared>>
      %dma_wait3A_357 = arith.constant 0 : i32
      %dma_wait3A_358 = arith.constant 0 : i32
      %dma_wait3A_359 = tpu.memref_slice %arg10[%arg1, %dma_wait3A_348, %dma_wait3A_357, %dma_wait3A_358] : memref<16x2x100x128xf32, #tpu.memory_space<vmem_shared>> -> memref<1x1x100x128xf32, #tpu.memory_space<vmem_shared>>
      %dma_wait3A_360 = tpu.memref_squeeze %dma_wait3A_359 : memref<1x1x100x128xf32, #tpu.memory_space<vmem_shared>> -> memref<100x128xf32, #tpu.memory_space<vmem_shared>>
      %dma_wait3A_361 = arith.constant 0 : i32
      %dma_wait3A_362 = arith.constant 0 : i32
      %dma_wait3A_363 = tpu.memref_slice %arg9[%dma_wait3A_346, %dma_wait3A_347, %dma_wait3A_361, %dma_wait3A_362] : memref<2x2x100x128xf32, #tpu.memory_space<vmem>> -> memref<1x1x100x128xf32, #tpu.memory_space<vmem>>
      %dma_wait3A_364 = tpu.memref_squeeze %dma_wait3A_363 : memref<1x1x100x128xf32, #tpu.memory_space<vmem>> -> memref<100x128xf32, #tpu.memory_space<vmem>>
      tpu.wait_dma2 semaphore(%arg16 : memref<!tpu.dma_semaphore, #tpu.memory_space<semaphore_mem>>) src(%dma_wait3A_364 : memref<100x128xf32, #tpu.memory_space<vmem>>) dst(%dma_wait3A_360 : memref<100x128xf32, #tpu.memory_space<vmem_shared>>)
      %add3A_365 = arith.addi %mul3A_2, %add3A_296 : i32
      %dma_start3A_366 = arith.constant 1 : i32
      %dma_start3A_367 = arith.constant 0 : i32
      %dma_start3A_368 = arith.constant 0 : i32
      %dma_start3A_369 = tpu.memref_slice %arg5[%add3A_365, %dma_start3A_367, %dma_start3A_368] : memref<8192x100x128xf32, #tpu.memory_space<hbm>> -> memref<1x100x128xf32, #tpu.memory_space<hbm>>
      %dma_start3A_370 = tpu.memref_squeeze %dma_start3A_369 : memref<1x100x128xf32, #tpu.memory_space<hbm>> -> memref<100x128xf32, #tpu.memory_space<hbm>>
      %dma_start3A_371 = arith.constant 0 : i32
      %dma_start3A_372 = arith.constant 0 : i32
      %dma_start3A_373 = tpu.memref_slice %arg10[%arg1, %dma_start3A_366, %dma_start3A_371, %dma_start3A_372] : memref<16x2x100x128xf32, #tpu.memory_space<vmem_shared>> -> memref<1x1x100x128xf32, #tpu.memory_space<vmem_shared>>
      %dma_start3A_374 = tpu.memref_squeeze %dma_start3A_373 : memref<1x1x100x128xf32, #tpu.memory_space<vmem_shared>> -> memref<100x128xf32, #tpu.memory_space<vmem_shared>>
      tpu.enqueue_dma source(%dma_start3A_374 : memref<100x128xf32, #tpu.memory_space<vmem_shared>>) target(%dma_start3A_370 : memref<100x128xf32, #tpu.memory_space<hbm>>) target_semaphore(%arg14 : memref<!tpu.dma_semaphore, #tpu.memory_space<semaphore_mem>>)
      %scan3A_375 = arith.constant 0 : i32
      scf.yield %scan3A_375 : i32
    }
    %scan3A_19 = arith.constant 64 : i32
    %add3A_20 = arith.constant 254 : i32
    %add3A_21 = arith.addi %mul3A_2, %add3A_20 : i32
    %dma_wait3A = arith.constant 0 : i32
    %dma_wait3A_22 = arith.constant 0 : i32
    %dma_wait3A_23 = arith.constant 0 : i32
    %dma_wait3A_24 = tpu.memref_slice %arg5[%add3A_21, %dma_wait3A_22, %dma_wait3A_23] : memref<8192x100x128xf32, #tpu.memory_space<hbm>> -> memref<1x100x128xf32, #tpu.memory_space<hbm>>
    %dma_wait3A_25 = tpu.memref_squeeze %dma_wait3A_24 : memref<1x100x128xf32, #tpu.memory_space<hbm>> -> memref<100x128xf32, #tpu.memory_space<hbm>>
    %dma_wait3A_26 = arith.constant 0 : i32
    %dma_wait3A_27 = arith.constant 0 : i32
    %dma_wait3A_28 = tpu.memref_slice %arg10[%arg1, %dma_wait3A, %dma_wait3A_26, %dma_wait3A_27] : memref<16x2x100x128xf32, #tpu.memory_space<vmem_shared>> -> memref<1x1x100x128xf32, #tpu.memory_space<vmem_shared>>
    %dma_wait3A_29 = tpu.memref_squeeze %dma_wait3A_28 : memref<1x1x100x128xf32, #tpu.memory_space<vmem_shared>> -> memref<100x128xf32, #tpu.memory_space<vmem_shared>>
    tpu.wait_dma2 semaphore(%arg13 : memref<!tpu.dma_semaphore, #tpu.memory_space<semaphore_mem>>) src(%dma_wait3A_29 : memref<100x128xf32, #tpu.memory_space<vmem_shared>>) dst(%dma_wait3A_25 : memref<100x128xf32, #tpu.memory_space<hbm>>)
    %add3A_30 = arith.constant 255 : i32
    %add3A_31 = arith.addi %mul3A_2, %add3A_30 : i32
    %dma_wait3A_32 = arith.constant 1 : i32
    %dma_wait3A_33 = arith.constant 0 : i32
    %dma_wait3A_34 = arith.constant 0 : i32
    %dma_wait3A_35 = tpu.memref_slice %arg5[%add3A_31, %dma_wait3A_33, %dma_wait3A_34] : memref<8192x100x128xf32, #tpu.memory_space<hbm>> -> memref<1x100x128xf32, #tpu.memory_space<hbm>>
    %dma_wait3A_36 = tpu.memref_squeeze %dma_wait3A_35 : memref<1x100x128xf32, #tpu.memory_space<hbm>> -> memref<100x128xf32, #tpu.memory_space<hbm>>
    %dma_wait3A_37 = arith.constant 0 : i32
    %dma_wait3A_38 = arith.constant 0 : i32
    %dma_wait3A_39 = tpu.memref_slice %arg10[%arg1, %dma_wait3A_32, %dma_wait3A_37, %dma_wait3A_38] : memref<16x2x100x128xf32, #tpu.memory_space<vmem_shared>> -> memref<1x1x100x128xf32, #tpu.memory_space<vmem_shared>>
    %dma_wait3A_40 = tpu.memref_squeeze %dma_wait3A_39 : memref<1x1x100x128xf32, #tpu.memory_space<vmem_shared>> -> memref<100x128xf32, #tpu.memory_space<vmem_shared>>
    tpu.wait_dma2 semaphore(%arg14 : memref<!tpu.dma_semaphore, #tpu.memory_space<semaphore_mem>>) src(%dma_wait3A_40 : memref<100x128xf32, #tpu.memory_space<vmem_shared>>) dst(%dma_wait3A_36 : memref<100x128xf32, #tpu.memory_space<hbm>>)
    return
  }
}

</mosaic_0001>

<sc_bundles>
// kernel: kernel.3.cloned.1.call-start
scs
__scs_entry_jumppad:
0x0: {  	(pc) =	sbr.rel $0x88, $3  }
0x1: {  	(tag) =	ssettag $0x0;
	lr =	simm.s32 $0x1  }
0x2: {  	[smem:$0x3F9E] =	sst lr;
	_ =	strace $0xD0000000  }
0x3: {  	_ = 	snop  }
0x4: {  	_ = 	snop  }
0x5: {  	_ = 	snop  }
0x6: {  	_ = 	snop  }
0x7: {  	_ = 	snop  }
__scs_overlays_trampoline_lowered:
0x8: {  	[smem:$0x3FAD] =	sst s0  }
0x9: {  	[smem:$0x3FAE] =	sst s1  }
0xa: {  	[smem:$0x3FAF] =	sst s2  }
0xb: {  	[smem:$0x3FB0] =	sst s3  }
0xc: {  	[smem:$0x3FB1] =	sst s4  }
0xd: {  	[smem:$0x3FB2] =	sst s5  }
0xe: {  	[smem:$0x3FB3] =	sst s6  }
0xf: {  	[smem:$0x3FB4] =	sst s7  }
0x10: {  	[smem:$0x3FB5] =	sst s8  }
0x11: {  	[smem:$0x3FB6] =	sst s9;
	s0 =	simm.s32 @!p0 $0x0  }
0x12: {  	s1 =	sld [smem:$0x3F9C];
	s0 =	simm.s32 @p0 $0x1  }
0x13: {  	[smem:$0x3FB7] =	sst s0;
	s0 =	simm.s32 @!p1 $0x0  }
0x14: {  	s2 =	sld [smem:$0x3F9B];
	s0 =	simm.s32 @p1 $0x1  }
0x15: {  	[smem:$0x3FB8] =	sst s0;
	s0 =	simm.s32 @!p2 $0x0  }
0x16: {  	s3 =	sld [smem:$0x3FDB];
	s0 =	simm.s32 @p2 $0x1  }
0x17: {  	s4 =	simm.s32 $0x1BF5;
	[smem:$0x3FBA] =	sst s0  }
0x18: {  	s0 =	sld [smem:$0x3F9D];
	_ =	swait.ge [sflag:s4], $0x0  }
0x19: {  	s7 =	sld [smem:$0x3F9E]  }
0x1a: {  	s8 =	sadd.s32 $0xFFFFE003, lr  }
0x1b: {  	s9 =	sadd.s32 $0xFFFFFEF7, lr;
	s5 =	simm.s32 $0xFFFFFFFF;
	p2 =	slt.u32 s8, $0xFFFFF086  }
0x1c: {  	p1 =	slt.u32 s9, $0xF7A;
	s5 =	simm.s32 @!p2 $0x0  }
0x1d: {  	s5 =	simm.s32 @p1 $0x1;
	p0 =	seq.s32 s7, s2  }
0x1e: {  	s7 =	smul.u32 @!p0 $0xF7A, s2;
	p2 =	seq.s32 @!p0 s5, $0x0  }
0x1f: {  	s9 =	smul.u32 $0xF7A, s1;
	s8 =	simm.s32 @!p0 $0x1BF5;
	p2 =	por !p2, p0  }
0x20: {  	[sflag:s8] =	ssyncset.s32 @!p0 $0xFFFFF086;
	s6 =	sadd.s32 @!p0 s3, s7;
	s7 =	simm.s32 @!p0 $0x108  }
0x21: {  	s3 =	sadd.s32 s3, s9;
	s6 =	sadd.s32 @!p0 $0x88, s6;
	s7 =	simm.s32 @p2 $0x1082  }
0x22: {  	[simem:s7], [sflag:s8] =	dma.local @!p0 [hbm:s6], $0xF7A  }
0x23: {  	s9 =	sor.u32 $0xD0000000, s2;
	s6 =	simm.s32 $0x108;
	_ =	swait.ge @!p0 [sflag:s8], $0x0  }
0x24: {  	s3 =	sadd.s32 $0x88, s3;
	s6 =	simm.s32 @!p1 $0x1082;
	[sflag:s4] =	ssyncset.s32 $0xFFFFF086  }
0x25: {  	[simem:s6], [sflag:s4] =	dma.local [hbm:s3], $0xF7A  }
0x26: {  	[smem:$0x3F9E] =	sst s1;
	(tag) =	ssettag s2;
	_ =	strace s9  }
0x27: {  	s1 =	sld [smem:$0x3FAE]  }
0x28: {  	s2 =	sld [smem:$0x3FAF]  }
0x29: {  	s4 =	sld [smem:$0x3FB1]  }
0x2a: {  	p0 =	seq.s32 s5, $0x0;
	s5 =	sld [smem:$0x3FB2]  }
0x2b: {  	s6 =	sld [smem:$0x3FB3]  }
0x2c: {  	s7 =	sld [smem:$0x3FB4]  }
0x2d: {  	s3 =	simm.s32 $0x108;
	s8 =	sld [smem:$0x3FB5]  }
0x2e: {  	s3 =	simm.s32 @!p0 $0x1082;
	s9 =	sld [smem:$0x3FB6]  }
0x2f: {  	lr =	sadd.s32 s0, s3;
	s0 =	sld [smem:$0x3FAD]  }
0x30: {  	s3 =	sld [smem:$0x3FB0]  }
0x31: {  	[smem:$0x3FB9] =	sst s10  }
0x32: {  	s10 =	sld [smem:$0x3FB7];
	_ =	sdelay $0x3  }
0x33: {  	p0 =	seq.s32 s10, $0x1;
	s10 =	sld [smem:$0x3FB9];
	_ =	sdelay $0x3  }
0x34: {  	[smem:$0x3FB9] =	sst s10  }
0x35: {  	s10 =	sld [smem:$0x3FB8];
	_ =	sdelay $0x3  }
0x36: {  	p1 =	seq.s32 s10, $0x1;
	s10 =	sld [smem:$0x3FB9];
	_ =	sdelay $0x3  }
0x37: {  	[smem:$0x3FB9] =	sst s10  }
0x38: {  	s10 =	sld [smem:$0x3FBA]  }
0x39: {  	_ = 	snop;
	(pc) =	sbr.ind lr, $3  }
0x3a: {  	_ = 	snop  }
0x3b: {  	_ = 	snop  }
0x3c: {  	p2 =	seq.s32 s10, $0x1;
	s10 =	sld [smem:$0x3FB9]  }
0x3d: {  	_ =	shalt  }
0x3e: {  	_ =	shalt  }
0x3f: {  	_ =	shalt  }
0x40: {  	_ =	shalt  }
0x41: {  	_ =	shalt  }
0x42: {  	_ =	shalt  }
0x43: {  	_ =	shalt  }
0x44: {  	_ =	shalt  }
0x45: {  	_ =	shalt  }
0x46: {  	_ =	shalt  }
0x47: {  	_ =	shalt  }
0x48: {  	_ =	shalt  }
0x49: {  	_ =	shalt  }
0x4a: {  	_ =	shalt  }
0x4b: {  	_ =	shalt  }
0x4c: {  	_ =	shalt  }
0x4d: {  	_ =	shalt  }
0x4e: {  	_ =	shalt  }
0x4f: {  	_ =	shalt  }
0x50: {  	_ =	shalt  }
0x51: {  	_ =	shalt  }
0x52: {  	_ =	shalt  }
0x53: {  	_ =	shalt  }
0x54: {  	_ =	shalt  }
0x55: {  	_ =	shalt  }
0x56: {  	_ =	shalt  }
0x57: {  	_ =	shalt  }
0x58: {  	_ =	shalt  }
0x59: {  	_ =	shalt  }
0x5a: {  	_ =	shalt  }
0x5b: {  	_ =	shalt  }
0x5c: {  	_ =	shalt  }
0x5d: {  	_ =	shalt  }
0x5e: {  	_ =	shalt  }
0x5f: {  	_ =	shalt  }
0x60: {  	_ =	shalt  }
0x61: {  	_ =	shalt  }
0x62: {  	_ =	shalt  }
0x63: {  	_ =	shalt  }
0x64: {  	_ =	shalt  }
0x65: {  	_ =	shalt  }
0x66: {  	_ =	shalt  }
0x67: {  	_ =	shalt  }
0x68: {  	_ =	shalt  }
0x69: {  	_ =	shalt  }
0x6a: {  	_ =	shalt  }
0x6b: {  	_ =	shalt  }
0x6c: {  	_ =	shalt  }
0x6d: {  	_ =	shalt  }
0x6e: {  	_ =	shalt  }
0x6f: {  	_ =	shalt  }
0x70: {  	_ =	shalt  }
0x71: {  	_ =	shalt  }
0x72: {  	_ =	shalt  }
0x73: {  	_ =	shalt  }
0x74: {  	_ =	shalt  }
0x75: {  	_ =	shalt  }
0x76: {  	_ =	shalt  }
0x77: {  	_ =	shalt  }
0x78: {  	_ =	shalt  }
0x79: {  	_ =	shalt  }
0x7a: {  	_ =	shalt  }
0x7b: {  	_ =	shalt  }
0x7c: {  	_ =	shalt  }
0x7d: {  	_ =	shalt  }
0x7e: {  	_ =	shalt  }
0x7f: {  	_ =	shalt  }
0x80: {  	_ =	shalt  }
0x81: {  	_ =	shalt  }
0x82: {  	_ =	shalt  }
0x83: {  	_ =	shalt  }
0x84: {  	_ =	shalt  }
0x85: {  	_ =	shalt  }
0x86: {  	_ =	shalt  }
0x87: {  	_ =	shalt  }
.Lfunc_end0:
.L_simem_size_0:
called_computation_lowered:
.L_overlay_start_0:
0x88: {  	s2 =	sld [smem:$0x3FD9]  }
0x89: {  	s3 =	sld [smem:$0x3FFE];
	_ =	sdelay $0x1  }
0x8a: {  	s1 =	srdreg.scid  }
0x8b: {  	s0 =	sand.u32 $0x1, s1  }
0x8c: {  	s17 =	sshll.u32 s0, $0xA;
	s2 =	sadd.s32 s3, s2  }
0x8d: {  	s2 =	sadd.s32 s2, s17  }
0x8e: {  	[smem:$0x3FC5] =	sst s2  }
0x8f: {  	_ = 	snop  }
0x90: {  	s2 =	sld [smem:$0x3FD0];
	(tm) =	ssettm $0x1  }
0x91: {  	s18 =	sld [smem:$0x3FFB];
	_ =	sdelay $0x3  }
0x92: {  	_ =	strace s18  }
0x93: {  	s3 =	sld [smem:$0x3FFC];
	_ =	sdelay $0x3  }
0x94: {  	_ =	strace s3  }
0x95: {  	s3 =	sld [smem:$0x3FFD];
	_ =	sdelay $0x3  }
0x96: {  	_ =	strace s3  }
0x97: {  	_ =	strace $0x8FFFFFFF  }
0x98: {  	s19 =	sld [smem:$0x3FDB];
	_ =	sdelay $0x1  }
0x99: {  	s4 =	simm.s32 $_scs_section_size  }
0x9a: {  	s5 =	simm.s32 $_size__tile_overlayer_lowered;
	s6 =	simm.s32 $_tile_overlayer_lowered  }
0x9b: {  	s22 =	simm.s32 $0x1BFF;
	s21 =	sshll.u32 s6, $0x1;
	s3 =	sadd.s32 s4, s19  }
0x9c: {  	s7 =	simm.s32 $0x0;
	s20 =	sshll.u32 s5, $0x1;
	s5 =	sadd.s32 s21, s3  }
0x9d: {  	[timem:s7], [sflag:s22] =	dma.local [hbm:s5], s20  }
0x9e: {  	_ =	swait.ge [sflag:s22], s20  }
0x9f: {  	s4 =	ssub.s32 $0x0, s20;
	[sflag:s22] =	ssyncset.done $0x0  }
0xa0: {  	[sflag:s22] =	ssyncadd.s32 s4;
	_ =	sdelay $0x1  }
0xa1: {  	s23 =	simm.s32 $0x1B8B  }
0xa2: {  	_ =	swait.ge [sflag:s23], $0x1  }
0xa3: {  	[sflag:s23] =	ssyncset.done $0x0  }
0xa4: {  	s25 =	simm.s32 $0x1B8E;
	s24 =	sld [smem:$0x3FFE];
	[sflag:s23] =	ssyncadd.s32 $0xFFFFFFFF  }
0xa5: {  	s26 =	simm.s32 $execute0_lowered;
	[smem:$0x3FD2] =	sst s25  }
0xa6: {  	s5 =	sshll.u32 s26, $0x1;
	_ =	strace $0x80000046;
	[dreg:$0x1] =	wrdreg $0xFFFFFFFF  }
0xa7: {  	s28 =	simm.s32 $_size_execute0_lowered;
	s3 =	sadd.s32 s3, s5;
	[dreg:$0x0] =	wrdreg $0x0  }
0xa8: {  	s5 =	sshll.u32 s28, $0x1;
	[dreg:$0x2] =	wrdreg s3  }
0xa9: {  	[dreg:$0x3] =	wrdreg s5  }
0xaa: {  	[dreg:$0x4] =	wrdreg $0xC0  }
0xab: {  	_ =	task [dreg:s7], $0x5FFFF  }
0xac: {  	[dreg:$0x1] =	wrdreg $0xFFFFFFFF  }
0xad: {  	[dreg:$0x0] =	wrdreg $0x60  }
0xae: {  	[dreg:$0x2] =	wrdreg s24  }
0xaf: {  	[dreg:$0x3] =	wrdreg s2  }
0xb0: {  	[dreg:$0x4] =	wrdreg $0x196000  }
0xb1: {  	[dreg:$0x5] =	wrdreg $0x9  }
0xb2: {  	_ =	task.clear_ibuf [dreg:s7], $0x6FFFF;
	_ =	strace $0x90000046  }
0xb3: {  	s29 =	simm.s32 $0x9;
	_ =	strace $0x80000048  }
0xb4: {  	_ =	swait.ge [sflag:s29], $0x1  }
0xb5: {  	[sflag:s29] =	ssyncadd.s32 $0xFFFFFFFF  }
0xb6: {  	_ =	strace $0x90000048  }
0xb7: {  	_ =	sfence  }
0xb8: {  	s30 =	sld [smem:$0x0];
	_ =	sdelay $0x2  }
0xb9: {  	s31 =	sshll.u32 s1, $0xD;
	s1 =	sshrl.u32 s1, $0x2  }
0xba: {  	s3 =	sand.u32 $0x4000, s31;
	s1 =	sadd.s32 s1, s30  }
0xbb: {  	s0 =	sor.u32 s3, s0;
	s1 =	sshll.u32 s1, $0x11  }
0xbc: {  	s0 =	sor.u32 s1, s0  }
0xbd: {  	s0 =	sadd.s32 $0x8F2B, s0  }
0xbe: {  	[sflag:s0] =	ssyncadd.remote.s32 $0x1  }
0xbf: {  	_ =	sfence.sel $0xFFFF  }
0xc0: {  	[dreg:$0x0] =	wrdreg $0xFFFFFFFF;
	(pc) =	sbr.abs _section_cstart, $3  }
0xc1: {  	[dreg:$0x1] =	wrdreg $0xFFFFFFFF  }
0xc2: {  	_ =	task.clear_ibuf [dreg:s7], $0x2FFFF;
	_ =	strace $0x9FFFFFFF  }
0xc3: {  	(tm) =	ssettm $0x7FFFFFFF  }
tec
execute0_lowered:
.L_overlay_start_1:
0x0: {  	(tag) =	ssettag $0x1  }
0x1: {  	s5 =	rddreg [dreg:$0x0];
	s0 =	srdreg.scid  }
0x2: {  	s10 =	stileid.u32;
	s3 =	rddreg [dreg:$0x1]  }
0x3: {  	s2 =	rddreg [dreg:$0x2];
	s6 =	simm.s32 $0x0;
	s13 =	simm.s32 $0x68  }
0x4: {  	s14 =	simm.s32 $0x9A00;
	s15 =	simm.s32 $0xB400;
	s16 =	simm.s32 $0x1  }
0x5: {  	s19 =	simm.s32 $0x5;
	s22 =	simm.s32 $0x2;
	s24 =	simm.s32 $0x6  }
0x6: {  	s25 =	simm.s32 $0x3;
	s28 =	simm.s32 $0x4;
	s29 =	simm.s32 $0x16400  }
0x7: {  	s0 =	sand.u32 $0x1, s0;
	s1 =	sshll.u32 s10, $0x1;
	[smem:$0x7FF] =	sst s6  }
0x8: {  	s26 =	smul.u32 $0x19000, s10;
	s17 =	sshll.u32 s10, $0x6;
	s1 =	sor.u32 s0, s1  }
0x9: {  	s0 =	ssub.s32 $0x2, s0;
	_ =	strace $0x80000047;
	s20 =	sor.u32 $0x1C03, s17  }
0xa: {  	s4 =	smul.u32 $0xD00, s1;
	s7 =	sshrl.u32 s0, $0x1;
	s30 =	sshrl.u32 s26, $0x2  }
0xb: {  	s6 =	sshll.u32 s1, $0x8;
	s1 =	simm.s32 $0x0;
	s0 =	ssub.s32 s0, s7  }
0xc: {  	s8 =	sadd.s32 s30, s2;
	s4 =	sadd.s32 s4, s5;
	s0 =	smax.u32 s0, $0x1  }
0xd: {  	s5 =	sadd.s32 $0x1A800, s5;
	s31 =	sadd.s32 $0x800, s4;
	[dreg:$0x5] =	wrdreg s0  }
0xe: {  	s9 =	sadd.s32 $0x3200, s8;
	s21 =	sshrl.u32 s8, $0x3;
	[dreg:$0x4] =	wrdreg s31  }
.LBB2_1:
0xf: {  	[dreg:$0x6] =	wrdreg s1  }
0x10: {  	s26 =	simm.s32 $0x0;
	s0 =	rddreg [dreg:$0x4];
	s2 =	simm.s32 $0x7  }
0x11: {  	[tilespmem:s26], [sflag:$0x7] =	stream.linear.gather [hbm4b:s0+s26], $0x6800, $0x38;
	[tilespmem:$0x1FA00] =	vst v63  }
0x12: {  	_ =	swait.ge [sflag:s2], $0x6800  }
0x13: {  	[sflag:s2] =	ssyncset.done $0x0  }
0x14: {  	[sflag:s2] =	ssyncadd.s32 $0xFFFF9800  }
0x15: {  	s4 =	simm.s32 $0x6800;
	s30 =	rddreg [dreg:$0x0]  }
0x16: {  	[tilespmem:s4], [sflag:$0x7] =	stream.linear.gather [hbm4b:s30+s26], $0x3200, $0x38;
	[tilespmem:$0x1FA00] =	vst v63  }
0x17: {  	_ =	swait.ge [sflag:s2], $0x3200  }
0x18: {  	[sflag:s2] =	ssyncset.done $0x0  }
0x19: {  	s31 =	simm.s32 $0x0;
	[sflag:s2] =	ssyncadd.s32 $0xFFFFCE00  }
0x1a: {  	[tilespmem:s14], [sflag:$0x1] =	stream.indirect.gather [hbm4b:s5+s13], $0x40, s26, s13, $0xb8;
	[tilespmem:$0x1FA00] =	vst v63  }
.LBB2_2:
0x1b: {  	s2 =	sshll.u32 s31, $0x2  }
0x1c: {  	s0 =	sor.u32 $0x1, s2  }
0x1d: {  	s1 =	smul.u32 $0x1A0, s0;
	_ =	sdelay $0x1  }
0x1e: {  	s1 =	sshra.s32 s1, $0x2  }
0x1f: {  	[tilespmem:s15], [sflag:$0x2] =	stream.indirect.gather [hbm4b:s5+s13], $0x40, s1, s13, $0xb8;
	[tilespmem:$0x1FA00] =	vst v63  }
0x20: {  	_ =	swait.ge [sflag:s16], $0x1A00  }
0x21: {  	[sflag:s16] =	ssyncset.done $0x0  }
0x22: {  	s1 =	simm.s32 $0x0;
	[sflag:s16] =	ssyncadd.s32 $0xFFFFE600  }
0x23: {  	v0 =	vld [tilespmem:s1+$0x9A00]  }
0x24: {  	v1 =	vld [tilespmem:s1+$0x6800];
	_ =	sdelay $0x4  }
0x25: {  	v2 =	vshll.u32 v0, $0x10;
	v3 =	vshll.u32 v1, $0x10  }
0x26: {  	v0 =	vand.u32 $0xFFFF0000, v0;
	v1 =	vand.u32 $0xFFFF0000, v1;
	v2 =	vadd.f32 v3, v2  }
0x27: {  	s4 =	simm.s32 $0xCE80;
	v0 =	vadd.f32 v1, v0  }
0x28: {  	[tilespmem:s4+$0xFFFFFF80] =	vst v2  }
0x29: {  	[tilespmem:s4+$0xFFFFFFC0] =	vst v0  }
0x2a: {  	v0 =	vld [tilespmem:s1+$0x9A10]  }
0x2b: {  	v1 =	vld [tilespmem:s1+$0x6810];
	_ =	sdelay $0x4  }
0x2c: {  	v2 =	vshll.u32 v0, $0x10;
	v3 =	vshll.u32 v1, $0x10  }
0x2d: {  	v0 =	vand.u32 $0xFFFF0000, v0;
	v1 =	vand.u32 $0xFFFF0000, v1;
	v2 =	vadd.f32 v3, v2  }
0x2e: {  	v0 =	vadd.f32 v1, v0  }
0x2f: {  	[tilespmem:s4+$0xFFFFFF90] =	vst v2  }
0x30: {  	[tilespmem:s4+$0xFFFFFFD0] =	vst v0  }
0x31: {  	v0 =	vld [tilespmem:s1+$0x9A20]  }
0x32: {  	v1 =	vld [tilespmem:s1+$0x6820];
	_ =	sdelay $0x4  }
0x33: {  	v2 =	vshll.u32 v0, $0x10;
	v3 =	vshll.u32 v1, $0x10  }
0x34: {  	v0 =	vand.u32 $0xFFFF0000, v0;
	v1 =	vand.u32 $0xFFFF0000, v1;
	v2 =	vadd.f32 v3, v2  }
0x35: {  	v0 =	vadd.f32 v1, v0  }
0x36: {  	[tilespmem:s4+$0xFFFFFFA0] =	vst v2  }
0x37: {  	[tilespmem:s4+$0xFFFFFFE0] =	vst v0  }
0x38: {  	v0 =	vld [tilespmem:s1+$0x9A30]  }
0x39: {  	v1 =	vld [tilespmem:s1+$0x6830];
	_ =	sdelay $0x4  }
0x3a: {  	v2 =	vshll.u32 v0, $0x10;
	v3 =	vshll.u32 v1, $0x10  }
0x3b: {  	v0 =	vand.u32 $0xFFFF0000, v0;
	v1 =	vand.u32 $0xFFFF0000, v1;
	v2 =	vadd.f32 v3, v2  }
0x3c: {  	v0 =	vadd.f32 v1, v0  }
0x3d: {  	[tilespmem:s4+$0xFFFFFFB0] =	vst v2  }
0x3e: {  	[tilespmem:s4+$0xFFFFFFF0] =	vst v0  }
0x3f: {  	v0 =	vld [tilespmem:s1+$0x9A40]  }
0x40: {  	v1 =	vld [tilespmem:s1+$0x6840];
	_ =	sdelay $0x4  }
0x41: {  	v2 =	vshll.u32 v0, $0x10;
	v3 =	vshll.u32 v1, $0x10  }
0x42: {  	v0 =	vand.u32 $0xFFFF0000, v0;
	v1 =	vand.u32 $0xFFFF0000, v1;
	v2 =	vadd.f32 v3, v2  }
0x43: {  	v0 =	vadd.f32 v1, v0  }
0x44: {  	[tilespmem:s4+$0x0] =	vst v2  }
0x45: {  	[tilespmem:s4+$0x40] =	vst v0  }
0x46: {  	v0 =	vld [tilespmem:s1+$0x9A50]  }
0x47: {  	v1 =	vld [tilespmem:s1+$0x6850];
	_ =	sdelay $0x4  }
0x48: {  	v2 =	vshll.u32 v0, $0x10;
	v3 =	vshll.u32 v1, $0x10  }
0x49: {  	v0 =	vand.u32 $0xFFFF0000, v0;
	v1 =	vand.u32 $0xFFFF0000, v1;
	v2 =	vadd.f32 v3, v2  }
0x4a: {  	v0 =	vadd.f32 v1, v0  }
0x4b: {  	[tilespmem:s4+$0x10] =	vst v2  }
0x4c: {  	[tilespmem:s4+$0x50] =	vst v0  }
0x4d: {  	v1 =	vld [tilespmem:s1+$0x9A60]  }
0x4e: {  	s10 =	simm.s32 $0x200;
	s7 =	simm.s32 $0xCE80;
	v0 =	vld [tilespmem:s1+$0x6860]  }
.LBB2_3:
0x4f: {  	_ =	sdelay $0x1  }
0x50: {  	p0 =	sne.s32 s10, $0x6200  }
0x51: {  	s4 =	sadd.s32 $0x100, s4;
	s11 =	smov.u32 s10;
	s10 =	sadd.s32 $0x200, s10;
	v2 =	vshll.u32 v1, $0x10;
	v1 =	vand.u32 $0xFFFF0000, v1  }
0x52: {  	v3 =	vshll.u32 v0, $0x10;
	v0 =	vand.u32 $0xFFFF0000, v0  }
0x53: {  	v2 =	vadd.f32 v3, v2;
	v0 =	vadd.f32 v0, v1;
	_ =	sdelay $0x1  }
0x54: {  	[tilespmem:s7+$0x20] =	vst v2  }
0x55: {  	[tilespmem:s7+$0x60] =	vst v0  }
0x56: {  	v0 =	vld [tilespmem:s1+$0x9A70]  }
0x57: {  	v1 =	vld [tilespmem:s1+$0x6870];
	_ =	sdelay $0x3  }
0x58: {  	v2 =	vshll.u32 v0, $0x10;
	v0 =	vand.u32 $0xFFFF0000, v0  }
0x59: {  	v3 =	vshll.u32 v1, $0x10;
	v1 =	vand.u32 $0xFFFF0000, v1  }
0x5a: {  	v2 =	vadd.f32 v3, v2;
	v0 =	vadd.f32 v1, v0;
	_ =	sdelay $0x1  }
0x5b: {  	[tilespmem:s7+$0x30] =	vst v2  }
0x5c: {  	s1 =	sshra.s32 s11, $0x2;
	[tilespmem:s7+$0x70] =	vst v0;
	s7 =	smov.u32 s4  }
0x5d: {  	v0 =	vld [tilespmem:s1+$0x9A00]  }
0x5e: {  	v1 =	vld [tilespmem:s1+$0x6800];
	_ =	sdelay $0x3  }
0x5f: {  	v2 =	vshll.u32 v0, $0x10;
	v0 =	vand.u32 $0xFFFF0000, v0  }
0x60: {  	v3 =	vshll.u32 v1, $0x10;
	v1 =	vand.u32 $0xFFFF0000, v1  }
0x61: {  	v2 =	vadd.f32 v3, v2;
	v0 =	vadd.f32 v1, v0;
	_ =	sdelay $0x1  }
0x62: {  	[tilespmem:s4+$0xFFFFFF80] =	vst v2  }
0x63: {  	[tilespmem:s4+$0xFFFFFFC0] =	vst v0  }
0x64: {  	v0 =	vld [tilespmem:s1+$0x9A10]  }
0x65: {  	v1 =	vld [tilespmem:s1+$0x6810];
	_ =	sdelay $0x3  }
0x66: {  	v2 =	vshll.u32 v0, $0x10;
	v0 =	vand.u32 $0xFFFF0000, v0  }
0x67: {  	v3 =	vshll.u32 v1, $0x10;
	v1 =	vand.u32 $0xFFFF0000, v1  }
0x68: {  	v2 =	vadd.f32 v3, v2;
	v0 =	vadd.f32 v1, v0;
	_ =	sdelay $0x1  }
0x69: {  	[tilespmem:s4+$0xFFFFFF90] =	vst v2  }
0x6a: {  	[tilespmem:s4+$0xFFFFFFD0] =	vst v0  }
0x6b: {  	v0 =	vld [tilespmem:s1+$0x9A20]  }
0x6c: {  	v1 =	vld [tilespmem:s1+$0x6820];
	_ =	sdelay $0x3  }
0x6d: {  	v2 =	vshll.u32 v0, $0x10;
	v0 =	vand.u32 $0xFFFF0000, v0  }
0x6e: {  	v3 =	vshll.u32 v1, $0x10;
	v1 =	vand.u32 $0xFFFF0000, v1  }
0x6f: {  	v2 =	vadd.f32 v3, v2;
	v0 =	vadd.f32 v1, v0;
	_ =	sdelay $0x1  }
0x70: {  	[tilespmem:s4+$0xFFFFFFA0] =	vst v2  }
0x71: {  	[tilespmem:s4+$0xFFFFFFE0] =	vst v0  }
0x72: {  	v0 =	vld [tilespmem:s1+$0x9A30]  }
0x73: {  	v1 =	vld [tilespmem:s1+$0x6830];
	_ =	sdelay $0x3  }
0x74: {  	v2 =	vshll.u32 v0, $0x10;
	v0 =	vand.u32 $0xFFFF0000, v0  }
0x75: {  	v3 =	vshll.u32 v1, $0x10;
	v1 =	vand.u32 $0xFFFF0000, v1  }
0x76: {  	v2 =	vadd.f32 v3, v2;
	v0 =	vadd.f32 v1, v0;
	_ =	sdelay $0x1  }
0x77: {  	[tilespmem:s4+$0xFFFFFFB0] =	vst v2  }
0x78: {  	[tilespmem:s4+$0xFFFFFFF0] =	vst v0  }
0x79: {  	v0 =	vld [tilespmem:s1+$0x9A40]  }
0x7a: {  	v1 =	vld [tilespmem:s1+$0x6840];
	_ =	sdelay $0x3  }
0x7b: {  	v2 =	vshll.u32 v0, $0x10;
	v0 =	vand.u32 $0xFFFF0000, v0  }
0x7c: {  	v3 =	vshll.u32 v1, $0x10;
	v1 =	vand.u32 $0xFFFF0000, v1  }
0x7d: {  	v2 =	vadd.f32 v3, v2;
	v0 =	vadd.f32 v1, v0;
	_ =	sdelay $0x1  }
0x7e: {  	[tilespmem:s4+$0x0] =	vst v2  }
0x7f: {  	[tilespmem:s4+$0x40] =	vst v0  }
0x80: {  	v0 =	vld [tilespmem:s1+$0x9A50]  }
0x81: {  	v1 =	vld [tilespmem:s1+$0x6850];
	_ =	sdelay $0x3  }
0x82: {  	v2 =	vshll.u32 v0, $0x10;
	v0 =	vand.u32 $0xFFFF0000, v0  }
0x83: {  	v3 =	vshll.u32 v1, $0x10;
	v1 =	vand.u32 $0xFFFF0000, v1  }
0x84: {  	v2 =	vadd.f32 v3, v2;
	v0 =	vadd.f32 v1, v0  }
.Ltmp0:
0x85: {  	(pc) =	sbr.rel @p0 .LBB2_3-.Ltmp0, $4  }
0x86: {  	[tilespmem:s4+$0x10] =	vst v2  }
0x87: {  	[tilespmem:s4+$0x50] =	vst v0  }
0x88: {  	v1 =	vld [tilespmem:s1+$0x9A60]  }
0x89: {  	v0 =	vld [tilespmem:s1+$0x6860]  }
0x8a: {  	_ =	sdelay $0x3  }
0x8b: {  	v2 =	vshll.u32 v1, $0x10;
	v3 =	vshll.u32 v0, $0x10  }
0x8c: {  	v1 =	vand.u32 $0xFFFF0000, v1;
	v0 =	vand.u32 $0xFFFF0000, v0;
	v2 =	vadd.f32 v3, v2  }
0x8d: {  	v0 =	vadd.f32 v0, v1  }
0x8e: {  	[tilespmem:s7+$0x20] =	vst v2  }
0x8f: {  	[tilespmem:s7+$0x60] =	vst v0  }
0x90: {  	v0 =	vld [tilespmem:s1+$0x9A70]  }
0x91: {  	v1 =	vld [tilespmem:s1+$0x6870];
	_ =	sdelay $0x4  }
0x92: {  	v2 =	vshll.u32 v0, $0x10;
	v3 =	vshll.u32 v1, $0x10  }
0x93: {  	v0 =	vand.u32 $0xFFFF0000, v0;
	v1 =	vand.u32 $0xFFFF0000, v1;
	v2 =	vadd.f32 v3, v2  }
0x94: {  	v0 =	vadd.f32 v1, v0  }
0x95: {  	p0 =	seq.s32 s31, $0x0;
	[tilespmem:s7+$0x30] =	vst v2  }
0x96: {  	s1 =	simm.s32 @!p0 $0x3;
	[tilespmem:s7+$0x70] =	vst v0  }
0x97: {  	_ =	swait.ge @!p0 [sflag:s1], $0x640  }
0x98: {  	s23 =	simm.s32 $0xCE00;
	[sflag:s1] =	ssyncset.done @!p0 $0x0  }
0x99: {  	s26 =	sadd.s32 s6, s2;
	s4 =	smul.u32 $0x680, s31;
	[sflag:s1] =	ssyncadd.s32 @!p0 $0xFFFFF9C0  }
0x9a: {  	[spmem:s8] =	stream.linear.scatter [tilespmem:s23], [sflag:$0x5], $0x3200, $0x38;
	[tilespmem:$0x1FA00] =	vst v63  }
0x9b: {  	s1 =	smul.u32 $0x640, s26;
	_ =	swait.ge [sflag:s19], $0x3200  }
0x9c: {  	s7 =	sshra.s32 s4, $0x2;
	[sflag:s19] =	ssyncset.done $0x0  }
0x9d: {  	s30 =	sadd.s32 $0xD0, s7;
	s1 =	sadd.s32 s3, s1;
	[sflag:s19] =	ssyncadd.s32 $0xFFFFCE00  }
0x9e: {  	[hbm:s1], [sflag:s20] =	dma.local [spmem:s21], $0x640  }
0x9f: {  	[tilespmem:s14], [sflag:$0x1] =	stream.indirect.gather [hbm4b:s5+s13], $0x40, s30, s13, $0xb8;
	[tilespmem:$0x1FA00] =	vst v63  }
0xa0: {  	_ =	swait.ge [sflag:s22], $0x1A00  }
0xa1: {  	[sflag:s22] =	ssyncset.done $0x0  }
0xa2: {  	s1 =	simm.s32 $0x0;
	[sflag:s22] =	ssyncadd.s32 $0xFFFFE600  }
0xa3: {  	v0 =	vld [tilespmem:s1+$0xB400]  }
0xa4: {  	v1 =	vld [tilespmem:s1+$0x8100];
	_ =	sdelay $0x4  }
0xa5: {  	v2 =	vshll.u32 v0, $0x10;
	v3 =	vshll.u32 v1, $0x10  }
0xa6: {  	v0 =	vand.u32 $0xFFFF0000, v0;
	v1 =	vand.u32 $0xFFFF0000, v1;
	v2 =	vadd.f32 v3, v2  }
0xa7: {  	s4 =	simm.s32 $0x100F0;
	v0 =	vadd.f32 v1, v0  }
0xa8: {  	[tilespmem:s4+$0xFFFFFF10] =	vst v2  }
0xa9: {  	[tilespmem:s4+$0xFFFFFF50] =	vst v0  }
0xaa: {  	v0 =	vld [tilespmem:s1+$0xB410]  }
0xab: {  	v1 =	vld [tilespmem:s1+$0x8110];
	_ =	sdelay $0x4  }
0xac: {  	v2 =	vshll.u32 v0, $0x10;
	v3 =	vshll.u32 v1, $0x10  }
0xad: {  	v0 =	vand.u32 $0xFFFF0000, v0;
	v1 =	vand.u32 $0xFFFF0000, v1;
	v2 =	vadd.f32 v3, v2  }
0xae: {  	v0 =	vadd.f32 v1, v0  }
0xaf: {  	[tilespmem:s4+$0xFFFFFF20] =	vst v2  }
0xb0: {  	[tilespmem:s4+$0xFFFFFF60] =	vst v0  }
0xb1: {  	v0 =	vld [tilespmem:s1+$0xB420]  }
0xb2: {  	v1 =	vld [tilespmem:s1+$0x8120];
	_ =	sdelay $0x4  }
0xb3: {  	v2 =	vshll.u32 v0, $0x10;
	v3 =	vshll.u32 v1, $0x10  }
0xb4: {  	v0 =	vand.u32 $0xFFFF0000, v0;
	v1 =	vand.u32 $0xFFFF0000, v1;
	v2 =	vadd.f32 v3, v2  }
0xb5: {  	v0 =	vadd.f32 v1, v0  }
0xb6: {  	[tilespmem:s4+$0xFFFFFF30] =	vst v2  }
0xb7: {  	[tilespmem:s4+$0xFFFFFF70] =	vst v0  }
0xb8: {  	v0 =	vld [tilespmem:s1+$0xB430]  }
0xb9: {  	v1 =	vld [tilespmem:s1+$0x8130];
	_ =	sdelay $0x4  }
0xba: {  	v2 =	vshll.u32 v0, $0x10;
	v3 =	vshll.u32 v1, $0x10  }
0xbb: {  	v0 =	vand.u32 $0xFFFF0000, v0;
	v1 =	vand.u32 $0xFFFF0000, v1;
	v2 =	vadd.f32 v3, v2  }
0xbc: {  	v0 =	vadd.f32 v1, v0  }
0xbd: {  	[tilespmem:s4+$0xFFFFFF40] =	vst v2  }
0xbe: {  	[tilespmem:s4+$0xFFFFFF80] =	vst v0  }
0xbf: {  	v0 =	vld [tilespmem:s1+$0xB440]  }
0xc0: {  	v1 =	vld [tilespmem:s1+$0x8140];
	_ =	sdelay $0x4  }
0xc1: {  	v2 =	vshll.u32 v0, $0x10;
	v3 =	vshll.u32 v1, $0x10  }
0xc2: {  	v0 =	vand.u32 $0xFFFF0000, v0;
	v1 =	vand.u32 $0xFFFF0000, v1;
	v2 =	vadd.f32 v3, v2  }
0xc3: {  	v0 =	vadd.f32 v1, v0  }
0xc4: {  	[tilespmem:s4+$0xFFFFFF90] =	vst v2  }
0xc5: {  	[tilespmem:s4+$0xFFFFFFD0] =	vst v0  }
0xc6: {  	v0 =	vld [tilespmem:s1+$0xB450]  }
0xc7: {  	v1 =	vld [tilespmem:s1+$0x8150];
	_ =	sdelay $0x4  }
0xc8: {  	v2 =	vshll.u32 v0, $0x10;
	v3 =	vshll.u32 v1, $0x10  }
0xc9: {  	v0 =	vand.u32 $0xFFFF0000, v0;
	v1 =	vand.u32 $0xFFFF0000, v1;
	v2 =	vadd.f32 v3, v2  }
0xca: {  	v0 =	vadd.f32 v1, v0  }
0xcb: {  	[tilespmem:s4+$0xFFFFFFA0] =	vst v2  }
0xcc: {  	[tilespmem:s4+$0xFFFFFFE0] =	vst v0  }
0xcd: {  	v1 =	vld [tilespmem:s1+$0xB460]  }
0xce: {  	s11 =	simm.s32 $0x200;
	s10 =	simm.s32 $0x100F0;
	v0 =	vld [tilespmem:s1+$0x8160]  }
.LBB2_5:
0xcf: {  	_ =	sdelay $0x1  }
0xd0: {  	p1 =	sne.s32 s11, $0x6200  }
0xd1: {  	s4 =	sadd.s32 $0x100, s4;
	s12 =	smov.u32 s11;
	s11 =	sadd.s32 $0x200, s11;
	v2 =	vshll.u32 v1, $0x10;
	v1 =	vand.u32 $0xFFFF0000, v1  }
0xd2: {  	v3 =	vshll.u32 v0, $0x10;
	v0 =	vand.u32 $0xFFFF0000, v0  }
0xd3: {  	v2 =	vadd.f32 v3, v2;
	v0 =	vadd.f32 v0, v1;
	_ =	sdelay $0x1  }
0xd4: {  	[tilespmem:s10+$0xFFFFFFB0] =	vst v2  }
0xd5: {  	[tilespmem:s10+$0xFFFFFFF0] =	vst v0  }
0xd6: {  	v0 =	vld [tilespmem:s1+$0xB470]  }
0xd7: {  	v1 =	vld [tilespmem:s1+$0x8170];
	_ =	sdelay $0x3  }
0xd8: {  	v2 =	vshll.u32 v0, $0x10;
	v0 =	vand.u32 $0xFFFF0000, v0  }
0xd9: {  	v3 =	vshll.u32 v1, $0x10;
	v1 =	vand.u32 $0xFFFF0000, v1  }
0xda: {  	v2 =	vadd.f32 v3, v2;
	v0 =	vadd.f32 v1, v0;
	_ =	sdelay $0x1  }
0xdb: {  	[tilespmem:s10+$0xFFFFFFC0] =	vst v2  }
0xdc: {  	s1 =	sshra.s32 s12, $0x2;
	[tilespmem:s10+$0x0] =	vst v0;
	s10 =	smov.u32 s4  }
0xdd: {  	v0 =	vld [tilespmem:s1+$0xB400]  }
0xde: {  	v1 =	vld [tilespmem:s1+$0x8100];
	_ =	sdelay $0x3  }
0xdf: {  	v2 =	vshll.u32 v0, $0x10;
	v0 =	vand.u32 $0xFFFF0000, v0  }
0xe0: {  	v3 =	vshll.u32 v1, $0x10;
	v1 =	vand.u32 $0xFFFF0000, v1  }
0xe1: {  	v2 =	vadd.f32 v3, v2;
	v0 =	vadd.f32 v1, v0;
	_ =	sdelay $0x1  }
0xe2: {  	[tilespmem:s4+$0xFFFFFF10] =	vst v2  }
0xe3: {  	[tilespmem:s4+$0xFFFFFF50] =	vst v0  }
0xe4: {  	v0 =	vld [tilespmem:s1+$0xB410]  }
0xe5: {  	v1 =	vld [tilespmem:s1+$0x8110];
	_ =	sdelay $0x3  }
0xe6: {  	v2 =	vshll.u32 v0, $0x10;
	v0 =	vand.u32 $0xFFFF0000, v0  }
0xe7: {  	v3 =	vshll.u32 v1, $0x10;
	v1 =	vand.u32 $0xFFFF0000, v1  }
0xe8: {  	v2 =	vadd.f32 v3, v2;
	v0 =	vadd.f32 v1, v0;
	_ =	sdelay $0x1  }
0xe9: {  	[tilespmem:s4+$0xFFFFFF20] =	vst v2  }
0xea: {  	[tilespmem:s4+$0xFFFFFF60] =	vst v0  }
0xeb: {  	v0 =	vld [tilespmem:s1+$0xB420]  }
0xec: {  	v1 =	vld [tilespmem:s1+$0x8120];
	_ =	sdelay $0x3  }
0xed: {  	v2 =	vshll.u32 v0, $0x10;
	v0 =	vand.u32 $0xFFFF0000, v0  }
0xee: {  	v3 =	vshll.u32 v1, $0x10;
	v1 =	vand.u32 $0xFFFF0000, v1  }
0xef: {  	v2 =	vadd.f32 v3, v2;
	v0 =	vadd.f32 v1, v0;
	_ =	sdelay $0x1  }
0xf0: {  	[tilespmem:s4+$0xFFFFFF30] =	vst v2  }
0xf1: {  	[tilespmem:s4+$0xFFFFFF70] =	vst v0  }
0xf2: {  	v0 =	vld [tilespmem:s1+$0xB430]  }
0xf3: {  	v1 =	vld [tilespmem:s1+$0x8130];
	_ =	sdelay $0x3  }
0xf4: {  	v2 =	vshll.u32 v0, $0x10;
	v0 =	vand.u32 $0xFFFF0000, v0  }
0xf5: {  	v3 =	vshll.u32 v1, $0x10;
	v1 =	vand.u32 $0xFFFF0000, v1  }
0xf6: {  	v2 =	vadd.f32 v3, v2;
	v0 =	vadd.f32 v1, v0;
	_ =	sdelay $0x1  }
0xf7: {  	[tilespmem:s4+$0xFFFFFF40] =	vst v2  }
0xf8: {  	[tilespmem:s4+$0xFFFFFF80] =	vst v0  }
0xf9: {  	v0 =	vld [tilespmem:s1+$0xB440]  }
0xfa: {  	v1 =	vld [tilespmem:s1+$0x8140];
	_ =	sdelay $0x3  }
0xfb: {  	v2 =	vshll.u32 v0, $0x10;
	v0 =	vand.u32 $0xFFFF0000, v0  }
0xfc: {  	v3 =	vshll.u32 v1, $0x10;
	v1 =	vand.u32 $0xFFFF0000, v1  }
0xfd: {  	v2 =	vadd.f32 v3, v2;
	v0 =	vadd.f32 v1, v0;
	_ =	sdelay $0x1  }
0xfe: {  	[tilespmem:s4+$0xFFFFFF90] =	vst v2  }
0xff: {  	[tilespmem:s4+$0xFFFFFFD0] =	vst v0  }
0x100: {  	v0 =	vld [tilespmem:s1+$0xB450]  }
0x101: {  	v1 =	vld [tilespmem:s1+$0x8150];
	_ =	sdelay $0x3  }
0x102: {  	v2 =	vshll.u32 v0, $0x10;
	v0 =	vand.u32 $0xFFFF0000, v0  }
0x103: {  	v3 =	vshll.u32 v1, $0x10;
	v1 =	vand.u32 $0xFFFF0000, v1  }
0x104: {  	v2 =	vadd.f32 v3, v2;
	v0 =	vadd.f32 v1, v0  }
.Ltmp1:
0x105: {  	(pc) =	sbr.rel @p1 .LBB2_5-.Ltmp1, $4  }
0x106: {  	[tilespmem:s4+$0xFFFFFFA0] =	vst v2  }
0x107: {  	[tilespmem:s4+$0xFFFFFFE0] =	vst v0  }
0x108: {  	v1 =	vld [tilespmem:s1+$0xB460]  }
0x109: {  	v0 =	vld [tilespmem:s1+$0x8160]  }
0x10a: {  	_ =	sdelay $0x3  }
0x10b: {  	v2 =	vshll.u32 v1, $0x10;
	v3 =	vshll.u32 v0, $0x10  }
0x10c: {  	v1 =	vand.u32 $0xFFFF0000, v1;
	v0 =	vand.u32 $0xFFFF0000, v0;
	v2 =	vadd.f32 v3, v2  }
0x10d: {  	v0 =	vadd.f32 v0, v1  }
0x10e: {  	[tilespmem:s10+$0xFFFFFFB0] =	vst v2  }
0x10f: {  	[tilespmem:s10+$0xFFFFFFF0] =	vst v0  }
0x110: {  	v0 =	vld [tilespmem:s1+$0xB470]  }
0x111: {  	v1 =	vld [tilespmem:s1+$0x8170];
	_ =	sdelay $0x4  }
0x112: {  	v2 =	vshll.u32 v0, $0x10;
	v3 =	vshll.u32 v1, $0x10  }
0x113: {  	v0 =	vand.u32 $0xFFFF0000, v0;
	v1 =	vand.u32 $0xFFFF0000, v1;
	v2 =	vadd.f32 v3, v2  }
0x114: {  	v0 =	vadd.f32 v1, v0  }
0x115: {  	[tilespmem:s10+$0xFFFFFFC0] =	vst v2  }
0x116: {  	s1 =	simm.s32 @!p0 $0x4;
	[tilespmem:s10+$0x0] =	vst v0  }
0x117: {  	_ =	swait.ge @!p0 [sflag:s1], $0x640  }
0x118: {  	s18 =	simm.s32 $0x10000;
	s0 =	sadd.s32 s6, s0;
	[sflag:s1] =	ssyncset.done @!p0 $0x0  }
0x119: {  	s0 =	smul.u32 $0x640, s0;
	[sflag:s1] =	ssyncadd.s32 @!p0 $0xFFFFF9C0;
	s1 =	sor.u32 $0x3, s2  }
0x11a: {  	[spmem:s9] =	stream.linear.scatter [tilespmem:s18], [sflag:$0x6], $0x3200, $0x38;
	[tilespmem:$0x1FA00] =	vst v63  }
0x11b: {  	s23 =	smul.u32 $0x1A0, s1;
	_ =	swait.ge [sflag:s24], $0x3200  }
0x11c: {  	s12 =	sshrl.u32 s9, $0x3;
	s4 =	sadd.s32 s3, s0;
	[sflag:s24] =	ssyncset.done $0x0  }
0x11d: {  	s0 =	sor.u32 $0x1C04, s17;
	s26 =	sshra.s32 s23, $0x2;
	[sflag:s24] =	ssyncadd.s32 $0xFFFFCE00  }
0x11e: {  	[hbm:s4], [sflag:s0] =	dma.local [spmem:s12], $0x640  }
0x11f: {  	[tilespmem:s15], [sflag:$0x2] =	stream.indirect.gather [hbm4b:s5+s13], $0x40, s26, s13, $0xb8;
	[tilespmem:$0x1FA00] =	vst v63  }
0x120: {  	_ =	swait.ge [sflag:s16], $0x1A00  }
0x121: {  	[sflag:s16] =	ssyncset.done $0x0  }
0x122: {  	s10 =	simm.s32 $0x9A40;
	[sflag:s16] =	ssyncadd.s32 $0xFFFFE600  }
0x123: {  	s4 =	simm.s32 $0x6840;
	v0 =	vld [tilespmem:s10+$0xFFFFFFC0]  }
0x124: {  	v1 =	vld [tilespmem:s4+$0xFFFFFFC0];
	_ =	sdelay $0x4  }
0x125: {  	v2 =	vand.u32 $0xFFFF0000, v0;
	v3 =	vand.u32 $0xFFFF0000, v1  }
0x126: {  	v0 =	vshll.u32 v0, $0x10;
	v1 =	vshll.u32 v1, $0x10;
	v2 =	vadd.f32 v3, v2  }
0x127: {  	s11 =	simm.s32 $0x0;
	v0 =	vadd.f32 v1, v0  }
0x128: {  	[tilespmem:s11+$0x13240] =	vst v2  }
0x129: {  	[tilespmem:s11+$0x13200] =	vst v0  }
0x12a: {  	v0 =	vld [tilespmem:s10+$0xFFFFFFD0]  }
0x12b: {  	v1 =	vld [tilespmem:s4+$0xFFFFFFD0];
	_ =	sdelay $0x4  }
0x12c: {  	v2 =	vshll.u32 v0, $0x10;
	v3 =	vshll.u32 v1, $0x10  }
0x12d: {  	v0 =	vand.u32 $0xFFFF0000, v0;
	v1 =	vand.u32 $0xFFFF0000, v1;
	v2 =	vadd.f32 v3, v2  }
0x12e: {  	v0 =	vadd.f32 v1, v0  }
0x12f: {  	[tilespmem:s11+$0x13210] =	vst v2  }
0x130: {  	[tilespmem:s11+$0x13250] =	vst v0  }
0x131: {  	v0 =	vld [tilespmem:s10+$0xFFFFFFE0]  }
0x132: {  	v1 =	vld [tilespmem:s4+$0xFFFFFFE0];
	_ =	sdelay $0x4  }
0x133: {  	v2 =	vshll.u32 v0, $0x10;
	v3 =	vshll.u32 v1, $0x10  }
0x134: {  	v0 =	vand.u32 $0xFFFF0000, v0;
	v1 =	vand.u32 $0xFFFF0000, v1;
	v2 =	vadd.f32 v3, v2  }
0x135: {  	v0 =	vadd.f32 v1, v0  }
0x136: {  	[tilespmem:s11+$0x13220] =	vst v2  }
0x137: {  	[tilespmem:s11+$0x13260] =	vst v0  }
0x138: {  	v0 =	vld [tilespmem:s10+$0xFFFFFFF0]  }
0x139: {  	v1 =	vld [tilespmem:s4+$0xFFFFFFF0];
	_ =	sdelay $0x4  }
0x13a: {  	v2 =	vshll.u32 v0, $0x10;
	v3 =	vshll.u32 v1, $0x10  }
0x13b: {  	v0 =	vand.u32 $0xFFFF0000, v0;
	v1 =	vand.u32 $0xFFFF0000, v1;
	v2 =	vadd.f32 v3, v2  }
0x13c: {  	v0 =	vadd.f32 v1, v0  }
0x13d: {  	[tilespmem:s11+$0x13230] =	vst v2  }
0x13e: {  	[tilespmem:s11+$0x13270] =	vst v0  }
0x13f: {  	v0 =	vld [tilespmem:s10+$0x0]  }
0x140: {  	v1 =	vld [tilespmem:s4+$0x0];
	_ =	sdelay $0x4  }
0x141: {  	v2 =	vshll.u32 v0, $0x10;
	v3 =	vshll.u32 v1, $0x10  }
0x142: {  	v0 =	vand.u32 $0xFFFF0000, v0;
	v1 =	vand.u32 $0xFFFF0000, v1;
	v2 =	vadd.f32 v3, v2  }
0x143: {  	v0 =	vadd.f32 v1, v0  }
0x144: {  	[tilespmem:s11+$0x13280] =	vst v2  }
0x145: {  	[tilespmem:s11+$0x132C0] =	vst v0  }
0x146: {  	v0 =	vld [tilespmem:s10+$0x10]  }
0x147: {  	v1 =	vld [tilespmem:s4+$0x10];
	_ =	sdelay $0x4  }
0x148: {  	v2 =	vshll.u32 v0, $0x10;
	v3 =	vshll.u32 v1, $0x10  }
0x149: {  	v0 =	vand.u32 $0xFFFF0000, v0;
	v1 =	vand.u32 $0xFFFF0000, v1;
	v2 =	vadd.f32 v3, v2  }
0x14a: {  	v0 =	vadd.f32 v1, v0  }
0x14b: {  	[tilespmem:s11+$0x13290] =	vst v2  }
0x14c: {  	[tilespmem:s11+$0x132D0] =	vst v0  }
0x14d: {  	v2 =	vld [tilespmem:s10+$0x20]  }
0x14e: {  	v0 =	vld [tilespmem:s4+$0x20];
	_ =	sdelay $0x3  }
0x14f: {  	s30 =	simm.s32 $0x9A40;
	s18 =	simm.s32 $0x6840;
	s23 =	simm.s32 $0x400;
	v1 =	vshll.u32 v2, $0x10;
	v2 =	vand.u32 $0xFFFF0000, v2  }
.LBB2_7:
0x150: {  	p0 =	sne.s32 s23, $0xC400;
	v3 =	vshll.u32 v0, $0x10;
	v0 =	vand.u32 $0xFFFF0000, v0;
	s10 =	sadd.s32 $0x80, s10;
	s4 =	sadd.s32 $0x80, s4  }
0x151: {  	s26 =	smov.u32 s23;
	s23 =	sadd.s32 $0x400, s23;
	v1 =	vadd.f32 v3, v1;
	v0 =	vadd.f32 v0, v2;
	_ =	sdelay $0x1  }
0x152: {  	[tilespmem:s11+$0x132A0] =	vst v1  }
0x153: {  	[tilespmem:s11+$0x132E0] =	vst v0  }
0x154: {  	v0 =	vld [tilespmem:s30+$0x30];
	s30 =	smov.u32 s10  }
0x155: {  	v1 =	vld [tilespmem:s18+$0x30];
	s18 =	smov.u32 s4;
	_ =	sdelay $0x3  }
0x156: {  	v2 =	vshll.u32 v0, $0x10;
	v0 =	vand.u32 $0xFFFF0000, v0  }
0x157: {  	v3 =	vshll.u32 v1, $0x10;
	v1 =	vand.u32 $0xFFFF0000, v1  }
0x158: {  	v2 =	vadd.f32 v3, v2;
	v0 =	vadd.f32 v1, v0;
	_ =	sdelay $0x1  }
0x159: {  	[tilespmem:s11+$0x132B0] =	vst v2  }
0x15a: {  	[tilespmem:s11+$0x132F0] =	vst v0  }
0x15b: {  	v0 =	vld [tilespmem:s10+$0xFFFFFFC0]  }
0x15c: {  	v1 =	vld [tilespmem:s4+$0xFFFFFFC0];
	_ =	sdelay $0x3  }
0x15d: {  	v2 =	vand.u32 $0xFFFF0000, v0  }
0x15e: {  	v0 =	vshll.u32 v0, $0x10;
	v3 =	vshll.u32 v1, $0x10;
	v1 =	vand.u32 $0xFFFF0000, v1  }
0x15f: {  	v0 =	vadd.f32 v3, v0;
	v1 =	vadd.f32 v1, v2  }
0x160: {  	s11 =	sshra.s32 s26, $0x2  }
0x161: {  	[tilespmem:s11+$0x13240] =	vst v1  }
0x162: {  	[tilespmem:s11+$0x13200] =	vst v0  }
0x163: {  	v0 =	vld [tilespmem:s10+$0xFFFFFFD0]  }
0x164: {  	v1 =	vld [tilespmem:s4+$0xFFFFFFD0];
	_ =	sdelay $0x3  }
0x165: {  	v2 =	vshll.u32 v0, $0x10;
	v0 =	vand.u32 $0xFFFF0000, v0  }
0x166: {  	v3 =	vshll.u32 v1, $0x10;
	v1 =	vand.u32 $0xFFFF0000, v1  }
0x167: {  	v2 =	vadd.f32 v3, v2;
	v0 =	vadd.f32 v1, v0;
	_ =	sdelay $0x1  }
0x168: {  	[tilespmem:s11+$0x13210] =	vst v2  }
0x169: {  	[tilespmem:s11+$0x13250] =	vst v0  }
0x16a: {  	v0 =	vld [tilespmem:s10+$0xFFFFFFE0]  }
0x16b: {  	v1 =	vld [tilespmem:s4+$0xFFFFFFE0];
	_ =	sdelay $0x3  }
0x16c: {  	v2 =	vshll.u32 v0, $0x10;
	v0 =	vand.u32 $0xFFFF0000, v0  }
0x16d: {  	v3 =	vshll.u32 v1, $0x10;
	v1 =	vand.u32 $0xFFFF0000, v1  }
0x16e: {  	v2 =	vadd.f32 v3, v2;
	v0 =	vadd.f32 v1, v0;
	_ =	sdelay $0x1  }
0x16f: {  	[tilespmem:s11+$0x13220] =	vst v2  }
0x170: {  	[tilespmem:s11+$0x13260] =	vst v0  }
0x171: {  	v0 =	vld [tilespmem:s10+$0xFFFFFFF0]  }
0x172: {  	v1 =	vld [tilespmem:s4+$0xFFFFFFF0];
	_ =	sdelay $0x3  }
0x173: {  	v2 =	vshll.u32 v0, $0x10;
	v0 =	vand.u32 $0xFFFF0000, v0  }
0x174: {  	v3 =	vshll.u32 v1, $0x10;
	v1 =	vand.u32 $0xFFFF0000, v1  }
0x175: {  	v2 =	vadd.f32 v3, v2;
	v0 =	vadd.f32 v1, v0;
	_ =	sdelay $0x1  }
0x176: {  	[tilespmem:s11+$0x13230] =	vst v2  }
0x177: {  	[tilespmem:s11+$0x13270] =	vst v0  }
0x178: {  	v0 =	vld [tilespmem:s10+$0x0]  }
0x179: {  	v1 =	vld [tilespmem:s4+$0x0];
	_ =	sdelay $0x3  }
0x17a: {  	v2 =	vshll.u32 v0, $0x10;
	v0 =	vand.u32 $0xFFFF0000, v0  }
0x17b: {  	v3 =	vshll.u32 v1, $0x10;
	v1 =	vand.u32 $0xFFFF0000, v1  }
0x17c: {  	v2 =	vadd.f32 v3, v2;
	v0 =	vadd.f32 v1, v0;
	_ =	sdelay $0x1  }
0x17d: {  	[tilespmem:s11+$0x13280] =	vst v2  }
0x17e: {  	[tilespmem:s11+$0x132C0] =	vst v0  }
0x17f: {  	v0 =	vld [tilespmem:s10+$0x10]  }
0x180: {  	v1 =	vld [tilespmem:s4+$0x10];
	_ =	sdelay $0x3  }
0x181: {  	v2 =	vshll.u32 v0, $0x10;
	v0 =	vand.u32 $0xFFFF0000, v0  }
0x182: {  	v3 =	vshll.u32 v1, $0x10;
	v1 =	vand.u32 $0xFFFF0000, v1  }
0x183: {  	v2 =	vadd.f32 v3, v2;
	v0 =	vadd.f32 v1, v0;
	_ =	sdelay $0x1  }
0x184: {  	[tilespmem:s11+$0x13290] =	vst v2  }
0x185: {  	[tilespmem:s11+$0x132D0] =	vst v0  }
0x186: {  	v2 =	vld [tilespmem:s10+$0x20]  }
.Ltmp2:
0x187: {  	v0 =	vld [tilespmem:s4+$0x20];
	(pc) =	sbr.rel @p0 .LBB2_7-.Ltmp2, $2  }
0x188: {  	_ =	sdelay $0x2  }
0x189: {  	v1 =	vshll.u32 v2, $0x10;
	v2 =	vand.u32 $0xFFFF0000, v2  }
0x18a: {  	v3 =	vshll.u32 v0, $0x10  }
0x18b: {  	v0 =	vand.u32 $0xFFFF0000, v0;
	v1 =	vadd.f32 v3, v1  }
0x18c: {  	v0 =	vadd.f32 v0, v2  }
0x18d: {  	[tilespmem:s11+$0x132A0] =	vst v1  }
0x18e: {  	[tilespmem:s11+$0x132E0] =	vst v0  }
0x18f: {  	v0 =	vld [tilespmem:s30+$0x30]  }
0x190: {  	v1 =	vld [tilespmem:s18+$0x30];
	_ =	sdelay $0x4  }
0x191: {  	v2 =	vshll.u32 v0, $0x10;
	v3 =	vshll.u32 v1, $0x10  }
0x192: {  	v0 =	vand.u32 $0xFFFF0000, v0;
	v1 =	vand.u32 $0xFFFF0000, v1;
	v2 =	vadd.f32 v3, v2  }
0x193: {  	v0 =	vadd.f32 v1, v0  }
0x194: {  	[tilespmem:s11+$0x132B0] =	vst v2  }
0x195: {  	[tilespmem:s11+$0x132F0] =	vst v0  }
0x196: {  	_ =	swait.ge [sflag:s25], $0x640  }
0x197: {  	s2 =	sadd.s32 s2, s6;
	[sflag:s25] =	ssyncset.done $0x0  }
0x198: {  	s4 =	simm.s32 $0x13200;
	s2 =	smul.u32 $0x640, s2;
	[sflag:s25] =	ssyncadd.s32 $0xFFFFF9C0  }
0x199: {  	[spmem:s8] =	stream.linear.scatter [tilespmem:s4], [sflag:$0x5], $0x3200, $0x38;
	[tilespmem:$0x1FA00] =	vst v63  }
0x19a: {  	_ =	swait.ge [sflag:s19], $0x3200  }
0x19b: {  	s2 =	sadd.s32 s3, s2;
	[sflag:s19] =	ssyncset.done $0x0  }
0x19c: {  	p0 =	seq.s32 s31, $0x3F;
	s2 =	sadd.s32 $0xC80, s2;
	[sflag:s19] =	ssyncadd.s32 $0xFFFFCE00  }
0x19d: {  	[hbm:s2], [sflag:s20] =	dma.local [spmem:s21], $0x640  }
0x19e: {  	s4 =	simm.s32 @!p0 $0x68;
	s2 =	sadd.s32 @!p0 $0x1A0, s7;
	s7 =	simm.s32 @!p0 $0x9A00  }
0x19f: {  	[tilespmem:s7], [sflag:$0x1] =	stream.indirect.gather @!p0 [hbm4b:s5+s4], $0x40, s2, s4, $0xb8;
	[tilespmem:$0x1FA00] =	vst v63  }
0x1a0: {  	_ =	swait.ge [sflag:s22], $0x1A00  }
0x1a1: {  	[sflag:s22] =	ssyncset.done $0x0  }
0x1a2: {  	s2 =	simm.s32 $0xB470;
	[sflag:s22] =	ssyncadd.s32 $0xFFFFE600  }
0x1a3: {  	s4 =	simm.s32 $0x8170;
	v0 =	vld [tilespmem:s2+$0xFFFFFF90]  }
0x1a4: {  	v1 =	vld [tilespmem:s4+$0xFFFFFF90];
	_ =	sdelay $0x4  }
0x1a5: {  	v2 =	vand.u32 $0xFFFF0000, v0;
	v3 =	vand.u32 $0xFFFF0000, v1  }
0x1a6: {  	v0 =	vshll.u32 v0, $0x10;
	v1 =	vshll.u32 v1, $0x10;
	v2 =	vadd.f32 v3, v2  }
0x1a7: {  	s7 =	simm.s32 $0x0;
	v0 =	vadd.f32 v1, v0  }
0x1a8: {  	[tilespmem:s7+$0x16440] =	vst v2  }
0x1a9: {  	[tilespmem:s7+$0x16400] =	vst v0  }
0x1aa: {  	v0 =	vld [tilespmem:s2+$0xFFFFFFA0]  }
0x1ab: {  	v1 =	vld [tilespmem:s4+$0xFFFFFFA0];
	_ =	sdelay $0x4  }
0x1ac: {  	v2 =	vshll.u32 v0, $0x10;
	v3 =	vshll.u32 v1, $0x10  }
0x1ad: {  	v0 =	vand.u32 $0xFFFF0000, v0;
	v1 =	vand.u32 $0xFFFF0000, v1;
	v2 =	vadd.f32 v3, v2  }
0x1ae: {  	v0 =	vadd.f32 v1, v0  }
0x1af: {  	[tilespmem:s7+$0x16410] =	vst v2  }
0x1b0: {  	[tilespmem:s7+$0x16450] =	vst v0  }
0x1b1: {  	v0 =	vld [tilespmem:s2+$0xFFFFFFB0]  }
0x1b2: {  	v1 =	vld [tilespmem:s4+$0xFFFFFFB0];
	_ =	sdelay $0x4  }
0x1b3: {  	v2 =	vshll.u32 v0, $0x10;
	v3 =	vshll.u32 v1, $0x10  }
0x1b4: {  	v0 =	vand.u32 $0xFFFF0000, v0;
	v1 =	vand.u32 $0xFFFF0000, v1;
	v2 =	vadd.f32 v3, v2  }
0x1b5: {  	v0 =	vadd.f32 v1, v0  }
0x1b6: {  	[tilespmem:s7+$0x16420] =	vst v2  }
0x1b7: {  	[tilespmem:s7+$0x16460] =	vst v0  }
0x1b8: {  	v0 =	vld [tilespmem:s2+$0xFFFFFFC0]  }
0x1b9: {  	v1 =	vld [tilespmem:s4+$0xFFFFFFC0];
	_ =	sdelay $0x4  }
0x1ba: {  	v2 =	vshll.u32 v0, $0x10;
	v3 =	vshll.u32 v1, $0x10  }
0x1bb: {  	v0 =	vand.u32 $0xFFFF0000, v0;
	v1 =	vand.u32 $0xFFFF0000, v1;
	v2 =	vadd.f32 v3, v2  }
0x1bc: {  	v0 =	vadd.f32 v1, v0  }
0x1bd: {  	[tilespmem:s7+$0x16430] =	vst v2  }
0x1be: {  	[tilespmem:s7+$0x16470] =	vst v0  }
0x1bf: {  	v0 =	vld [tilespmem:s2+$0xFFFFFFD0]  }
0x1c0: {  	v1 =	vld [tilespmem:s4+$0xFFFFFFD0];
	_ =	sdelay $0x4  }
0x1c1: {  	v2 =	vshll.u32 v0, $0x10;
	v3 =	vshll.u32 v1, $0x10  }
0x1c2: {  	v0 =	vand.u32 $0xFFFF0000, v0;
	v1 =	vand.u32 $0xFFFF0000, v1;
	v2 =	vadd.f32 v3, v2  }
0x1c3: {  	v0 =	vadd.f32 v1, v0  }
0x1c4: {  	[tilespmem:s7+$0x16480] =	vst v2  }
0x1c5: {  	[tilespmem:s7+$0x164C0] =	vst v0  }
0x1c6: {  	v0 =	vld [tilespmem:s2+$0xFFFFFFE0]  }
0x1c7: {  	v1 =	vld [tilespmem:s4+$0xFFFFFFE0];
	_ =	sdelay $0x4  }
0x1c8: {  	v2 =	vshll.u32 v0, $0x10;
	v3 =	vshll.u32 v1, $0x10  }
0x1c9: {  	v0 =	vand.u32 $0xFFFF0000, v0;
	v1 =	vand.u32 $0xFFFF0000, v1;
	v2 =	vadd.f32 v3, v2  }
0x1ca: {  	v0 =	vadd.f32 v1, v0  }
0x1cb: {  	[tilespmem:s7+$0x16490] =	vst v2  }
0x1cc: {  	[tilespmem:s7+$0x164D0] =	vst v0  }
0x1cd: {  	v2 =	vld [tilespmem:s2+$0xFFFFFFF0]  }
0x1ce: {  	v0 =	vld [tilespmem:s4+$0xFFFFFFF0];
	_ =	sdelay $0x3  }
0x1cf: {  	s10 =	simm.s32 $0xB470;
	s18 =	simm.s32 $0x400;
	s11 =	simm.s32 $0x8170;
	v1 =	vshll.u32 v2, $0x10;
	v2 =	vand.u32 $0xFFFF0000, v2  }
.LBB2_9:
0x1d0: {  	p0 =	sne.s32 s18, $0xC400;
	v3 =	vshll.u32 v0, $0x10;
	v0 =	vand.u32 $0xFFFF0000, v0;
	s4 =	sadd.s32 $0x80, s4;
	s2 =	sadd.s32 $0x80, s2  }
0x1d1: {  	s23 =	smov.u32 s18;
	s18 =	sadd.s32 $0x400, s18;
	v1 =	vadd.f32 v3, v1;
	v0 =	vadd.f32 v0, v2;
	_ =	sdelay $0x1  }
0x1d2: {  	[tilespmem:s7+$0x164A0] =	vst v1  }
0x1d3: {  	[tilespmem:s7+$0x164E0] =	vst v0  }
0x1d4: {  	v0 =	vld [tilespmem:s10+$0x0];
	s10 =	smov.u32 s2  }
0x1d5: {  	v1 =	vld [tilespmem:s11+$0x0];
	s11 =	smov.u32 s4;
	_ =	sdelay $0x3  }
0x1d6: {  	v2 =	vshll.u32 v0, $0x10;
	v0 =	vand.u32 $0xFFFF0000, v0  }
0x1d7: {  	v3 =	vshll.u32 v1, $0x10;
	v1 =	vand.u32 $0xFFFF0000, v1  }
0x1d8: {  	v2 =	vadd.f32 v3, v2;
	v0 =	vadd.f32 v1, v0;
	_ =	sdelay $0x1  }
0x1d9: {  	[tilespmem:s7+$0x164B0] =	vst v2  }
0x1da: {  	[tilespmem:s7+$0x164F0] =	vst v0  }
0x1db: {  	v0 =	vld [tilespmem:s2+$0xFFFFFF90]  }
0x1dc: {  	v1 =	vld [tilespmem:s4+$0xFFFFFF90];
	_ =	sdelay $0x3  }
0x1dd: {  	v2 =	vand.u32 $0xFFFF0000, v0  }
0x1de: {  	v0 =	vshll.u32 v0, $0x10;
	v3 =	vshll.u32 v1, $0x10;
	v1 =	vand.u32 $0xFFFF0000, v1  }
0x1df: {  	v0 =	vadd.f32 v3, v0;
	v1 =	vadd.f32 v1, v2  }
0x1e0: {  	s7 =	sshra.s32 s23, $0x2  }
0x1e1: {  	[tilespmem:s7+$0x16440] =	vst v1  }
0x1e2: {  	[tilespmem:s7+$0x16400] =	vst v0  }
0x1e3: {  	v0 =	vld [tilespmem:s2+$0xFFFFFFA0]  }
0x1e4: {  	v1 =	vld [tilespmem:s4+$0xFFFFFFA0];
	_ =	sdelay $0x3  }
0x1e5: {  	v2 =	vshll.u32 v0, $0x10;
	v0 =	vand.u32 $0xFFFF0000, v0  }
0x1e6: {  	v3 =	vshll.u32 v1, $0x10;
	v1 =	vand.u32 $0xFFFF0000, v1  }
0x1e7: {  	v2 =	vadd.f32 v3, v2;
	v0 =	vadd.f32 v1, v0;
	_ =	sdelay $0x1  }
0x1e8: {  	[tilespmem:s7+$0x16410] =	vst v2  }
0x1e9: {  	[tilespmem:s7+$0x16450] =	vst v0  }
0x1ea: {  	v0 =	vld [tilespmem:s2+$0xFFFFFFB0]  }
0x1eb: {  	v1 =	vld [tilespmem:s4+$0xFFFFFFB0];
	_ =	sdelay $0x3  }
0x1ec: {  	v2 =	vshll.u32 v0, $0x10;
	v0 =	vand.u32 $0xFFFF0000, v0  }
0x1ed: {  	v3 =	vshll.u32 v1, $0x10;
	v1 =	vand.u32 $0xFFFF0000, v1  }
0x1ee: {  	v2 =	vadd.f32 v3, v2;
	v0 =	vadd.f32 v1, v0;
	_ =	sdelay $0x1  }
0x1ef: {  	[tilespmem:s7+$0x16420] =	vst v2  }
0x1f0: {  	[tilespmem:s7+$0x16460] =	vst v0  }
0x1f1: {  	v0 =	vld [tilespmem:s2+$0xFFFFFFC0]  }
0x1f2: {  	v1 =	vld [tilespmem:s4+$0xFFFFFFC0];
	_ =	sdelay $0x3  }
0x1f3: {  	v2 =	vshll.u32 v0, $0x10;
	v0 =	vand.u32 $0xFFFF0000, v0  }
0x1f4: {  	v3 =	vshll.u32 v1, $0x10;
	v1 =	vand.u32 $0xFFFF0000, v1  }
0x1f5: {  	v2 =	vadd.f32 v3, v2;
	v0 =	vadd.f32 v1, v0;
	_ =	sdelay $0x1  }
0x1f6: {  	[tilespmem:s7+$0x16430] =	vst v2  }
0x1f7: {  	[tilespmem:s7+$0x16470] =	vst v0  }
0x1f8: {  	v0 =	vld [tilespmem:s2+$0xFFFFFFD0]  }
0x1f9: {  	v1 =	vld [tilespmem:s4+$0xFFFFFFD0];
	_ =	sdelay $0x3  }
0x1fa: {  	v2 =	vshll.u32 v0, $0x10;
	v0 =	vand.u32 $0xFFFF0000, v0  }
0x1fb: {  	v3 =	vshll.u32 v1, $0x10;
	v1 =	vand.u32 $0xFFFF0000, v1  }
0x1fc: {  	v2 =	vadd.f32 v3, v2;
	v0 =	vadd.f32 v1, v0;
	_ =	sdelay $0x1  }
0x1fd: {  	[tilespmem:s7+$0x16480] =	vst v2  }
0x1fe: {  	[tilespmem:s7+$0x164C0] =	vst v0  }
0x1ff: {  	v0 =	vld [tilespmem:s2+$0xFFFFFFE0]  }
0x200: {  	v1 =	vld [tilespmem:s4+$0xFFFFFFE0];
	_ =	sdelay $0x3  }
0x201: {  	v2 =	vshll.u32 v0, $0x10;
	v0 =	vand.u32 $0xFFFF0000, v0  }
0x202: {  	v3 =	vshll.u32 v1, $0x10;
	v1 =	vand.u32 $0xFFFF0000, v1  }
0x203: {  	v2 =	vadd.f32 v3, v2;
	v0 =	vadd.f32 v1, v0;
	_ =	sdelay $0x1  }
0x204: {  	[tilespmem:s7+$0x16490] =	vst v2  }
0x205: {  	[tilespmem:s7+$0x164D0] =	vst v0  }
0x206: {  	v2 =	vld [tilespmem:s2+$0xFFFFFFF0]  }
.Ltmp3:
0x207: {  	v0 =	vld [tilespmem:s4+$0xFFFFFFF0];
	(pc) =	sbr.rel @p0 .LBB2_9-.Ltmp3, $2  }
0x208: {  	_ =	sdelay $0x2  }
0x209: {  	v1 =	vshll.u32 v2, $0x10;
	v2 =	vand.u32 $0xFFFF0000, v2  }
0x20a: {  	v3 =	vshll.u32 v0, $0x10  }
0x20b: {  	v61 =	vand.u32 $0xFFFF0000, v0;
	v1 =	vadd.f32 v3, v1  }
0x20c: {  	v0 =	vadd.f32 v61, v2  }
0x20d: {  	[tilespmem:s7+$0x164A0] =	vst v1  }
0x20e: {  	[tilespmem:s7+$0x164E0] =	vst v0  }
0x20f: {  	v0 =	vld [tilespmem:s10+$0x0]  }
0x210: {  	v1 =	vld [tilespmem:s11+$0x0];
	_ =	sdelay $0x4  }
0x211: {  	v62 =	vshll.u32 v0, $0x10;
	v63 =	vshll.u32 v1, $0x10  }
0x212: {  	v0 =	vand.u32 $0xFFFF0000, v0;
	v1 =	vand.u32 $0xFFFF0000, v1;
	v2 =	vadd.f32 v63, v62  }
0x213: {  	v0 =	vadd.f32 v1, v0  }
0x214: {  	[tilespmem:s7+$0x164B0] =	vst v2  }
0x215: {  	[tilespmem:s7+$0x164F0] =	vst v0  }
0x216: {  	_ =	swait.ge [sflag:s28], $0x640  }
0x217: {  	s31 =	sadd.s32 $0x1, s31;
	[sflag:s28] =	ssyncset.done $0x0  }
0x218: {  	p0 =	sne.s32 s31, $0x40;
	[sflag:s28] =	ssyncadd.s32 $0xFFFFF9C0  }
0x219: {  	[spmem:s9] =	stream.linear.scatter [tilespmem:s29], [sflag:$0x6], $0x3200, $0x38;
	[tilespmem:$0x1FA00] =	vst v63  }
.Ltmp4:
0x21a: {  	s1 =	sadd.s32 s6, s1;
	(pc) =	sbr.rel @p0 .LBB2_2-.Ltmp4, $4  }
0x21b: {  	s1 =	smul.u32 $0x640, s1;
	_ =	swait.ge [sflag:s24], $0x3200  }
0x21c: {  	[sflag:s24] =	ssyncset.done $0x0  }
0x21d: {  	s1 =	sadd.s32 s3, s1;
	[sflag:s24] =	ssyncadd.s32 $0xFFFFCE00  }
0x21e: {  	[hbm:s1], [sflag:s0] =	dma.local [spmem:s12], $0x640  }
0x21f: {  	_ =	swait.ge [sflag:s25], $0x640  }
0x220: {  	[sflag:s25] =	ssyncset.done $0x0  }
0x221: {  	[sflag:s25] =	ssyncadd.s32 $0xFFFFF9C0  }
0x222: {  	_ =	swait.ge [sflag:s28], $0x640  }
0x223: {  	s1 =	rddreg [dreg:$0x6]  }
0x224: {  	s0 =	rddreg [dreg:$0x5];
	s1 =	sadd.s32 $0x1, s1  }
0x225: {  	p0 =	sne.s32 s1, s0  }
.Ltmp5:
0x226: {  	_ = 	snop;
	(pc) =	sbr.rel @p0 .LBB2_1-.Ltmp5, $3  }
0x227: {  	_ =	sdelay $0x1  }
0x228: {  	[sflag:s28] =	ssyncset.done $0x0  }
0x229: {  	[sflag:s28] =	ssyncadd.s32 $0xFFFFF9C0  }
0x22a: {  	_ =	sfence.sel $0x180000  }
0x22b: {  	[bflag:$0x0] =	sbarrier.arrive $0xFFFF  }
0x22c: {  	_ =	strace $0x90000047  }
0x22d: {  	s0 =	stileid.u32;
	[bflag:$0x2] =	sbarrier.arrive $0xFFFF  }
0x22e: {  	p0 =	sne.s32 s0, $0x0;
	s0 =	rddreg [dreg:$0x3]  }
0x22f: {  	s0 =	sadd.s32 @!p0 $0x100000, s0  }
0x230: {  	[sflag:s0] =	ssyncadd.tile.s32 @!p0 $0x1;
	_ =	shalt  }
.Lfunc_end2:
_tile_overlayer_lowered:
.L_overlay_start_2:
0x231: {  	(tag) =	ssettag $0x2  }
0x232: {  	s0 =	rddreg [dreg:$0x0];
	s2 =	stileid.u32  }
0x233: {  	s1 =	rddreg [dreg:$0x1];
	p0 =	sne.s32 s2, $0x0  }
0x234: {  	s3 =	rddreg [dreg:$0x2];
	[bflag:$0x3] =	sbarrier.arrive $0xFFFF;
	s2 =	simm.s32 @!p0 $0x1C07  }
0x235: {  	[timem:s3], [sflag:s2] =	dma.local @!p0 [hbm:s0], s1  }
0x236: {  	s0 =	simm.s32 @!p0 $0x7  }
0x237: {  	_ =	swait.ge @!p0 [sflag:s0], s1  }
0x238: {  	s1 =	ssub.s32 @!p0 $0x0, s1;
	[sflag:s0] =	ssyncset.done @!p0 $0x0  }
0x239: {  	[sflag:s0] =	ssyncadd.s32 @!p0 s1  }
0x23a: {  	[bflag:$0x3] =	sbarrier.arrive $0xFFFF  }
0x23b: {  	_ =	shalt  }

</sc_bundles>
